<compile_context>
chip_gen: v7x
topology: tpu7x:2x2x1
jax: 0.10.2.dev20260603
libtpu: 0.0.44.dev20260713+nightly
codegen_flags: <defaults>
</compile_context>

<pallas_src>
import functools

import jax
import jax.numpy as jnp
from jax import lax
from jax.experimental import pallas as pl
from jax.experimental.pallas import tpu as pltpu
from jax.experimental.pallas import tpu_sc as plsc

_VOCAB = 1000000
_BATCH = 16384
_DIM = 32

_NC = 2
_NS = 16
_NW = _NC * _NS
_BPW = _BATCH // _NW
_HCHUNK = 8


@jax.jit
def kernel(indices, in_vec):
    mesh = plsc.VectorSubcoreMesh(core_axis_name="c", subcore_axis_name="s")

    @functools.partial(
        pl.kernel,
        mesh=mesh,
        out_type=jax.ShapeDtypeStruct((_DIM, _BATCH), jnp.float32),
        scratch_types=[
            pltpu.VMEM((_BPW,), jnp.int32),
            pltpu.VMEM((2, _HCHUNK, _DIM, 128), jnp.float32),
            pltpu.VMEM((_DIM, _BPW), jnp.float32),
            pltpu.SemaphoreType.DMA,
            pltpu.SemaphoreType.DMA,
        ],
        compiler_params=pltpu.CompilerParams(needs_layout_passes=False),
    )
    def gather_kernel(idx_hbm, table_hbm, out_hbm, idx_s, ring_v, block_v,
                      sem_a, sem_b):
        wid = lax.axis_index("s") * _NC + lax.axis_index("c")
        base = wid * _BPW
        pltpu.sync_copy(idx_hbm.at[pl.ds(base, _BPW)], idx_s)

        rows_lo = lax.iota(jnp.int32, 16)
        rows_hi = rows_lo + 16
        sems = (sem_a, sem_b)

        def fire(slot, iv8):
            for j in range(_HCHUNK):
                col0 = pl.multiple_of(
                    lax.shift_right_logical(iv8[j], 7) * 128, 128
                )
                pltpu.make_async_copy(
                    table_hbm.at[:, pl.ds(col0, 128)],
                    ring_v.at[slot, j],
                    sems[slot],
                ).start()

        def drain_extract(slot, h, iv8):
            for j in range(_HCHUNK):
                pltpu.make_async_copy(
                    table_hbm.at[:, pl.ds(0, 128)],
                    ring_v.at[slot, j],
                    sems[slot],
                ).wait()
            for j in range(_HCHUNK):
                col = jnp.full((16,), iv8[j] & 127, dtype=jnp.int32)
                pos = jnp.full((16,), h * _HCHUNK + j, dtype=jnp.int32)
                v_lo = plsc.load_gather(ring_v.at[slot, j], [rows_lo, col])
                v_hi = plsc.load_gather(ring_v.at[slot, j], [rows_hi, col])
                plsc.store_scatter(block_v, [rows_lo, pos], v_lo)
                plsc.store_scatter(block_v, [rows_hi, pos], v_hi)

        n_pairs = _BPW // (2 * _HCHUNK)
        iv0 = idx_s[pl.ds(0, 16)]
        fire(0, iv0[0:8])
        fire(1, iv0[8:16])

        def pair_body(g, iv_cur):
            iv_next = idx_s[pl.ds((g + 1) * 16, 16)]
            drain_extract(0, 2 * g, iv_cur[0:8])
            fire(0, iv_next[0:8])
            drain_extract(1, 2 * g + 1, iv_cur[8:16])
            fire(1, iv_next[8:16])
            return iv_next

        iv_last = lax.fori_loop(0, n_pairs - 1, pair_body, iv0)
        drain_extract(0, 2 * (n_pairs - 1), iv_last[0:8])
        drain_extract(1, 2 * (n_pairs - 1) + 1, iv_last[8:16])

        pltpu.sync_copy(block_v, out_hbm.at[:, pl.ds(base, _BPW)])

    out_t = gather_kernel(indices.astype(jnp.int32), in_vec.T)
    return out_t.T

# --- scband reference (transcript-rebuilt; emitter-appended) ---
"""Pipeline reference for scband-word2-vec-62371515073205 (READ-ONLY COPY).

The authoritative reference and input builder live on the scoring server;
editing this copy changes nothing except your own understanding.
"""

import jax, jax.numpy as jnp
import numpy as np

VOCAB = 1000000
BATCH = 16384
DIM = 32

def setup_inputs(seed: int = 0) -> dict:
    key = jax.random.key(seed)
    k1, k2 = jax.random.split(key)
    indices = jax.random.randint(k1, (BATCH,), 0, VOCAB)
    in_vec = jax.random.normal(k2, (VOCAB, DIM), dtype=jnp.float32)
    return {"indices": indices, "in_vec": in_vec}

def reference(indices, in_vec):
    # Word2Vec.forward: map word -> int index, then embedding lookup.
    # Vectorized: batched gather of rows from the input embedding table.
    return jnp.take(in_vec, indices, axis=0)

if __name__ == "__main__":
    import jax
    _d = setup_inputs()
    print(jax.jit(kernel)(*tuple(_d.values())))

</pallas_src>

<mosaic_0001>
#map = affine_map<(d0, d1) -> (0)>
#map1 = affine_map<(d0, d1) -> (0, 0)>
module attributes {stable_mosaic.version = 14 : i64} {
  func.func @gather_kernel(%arg0: i32, %arg1: i32, %arg2: memref<16384xi32, #tpu.memory_space<hbm>>, %arg3: memref<32x1000000xf32, #tpu.memory_space<hbm>>, %arg4: memref<32x16384xf32, #tpu.memory_space<hbm>>, %arg5: memref<512xi32, #tpu.memory_space<vmem>>, %arg6: memref<2x8x32x128xf32, #tpu.memory_space<vmem>>, %arg7: memref<32x512xf32, #tpu.memory_space<vmem>>, %arg8: memref<!tpu.dma_semaphore, #tpu.memory_space<semaphore_mem>>, %arg9: memref<!tpu.dma_semaphore, #tpu.memory_space<semaphore_mem>>) attributes {dimension_semantics = [#tpu.dimension_semantics<core_parallel>, #tpu.dimension_semantics<subcore_parallel>], iteration_bounds = array<i64: 2, 16>, scalar_prefetch = 0 : i64, scratch_operands = 5 : i64, tpu.core_type = #tpu.core_type<sc_vector_subcore>, window_params = [{transform_indices = #map}, {transform_indices = #map1}, {transform_indices = #map1}]} {
    %mul3A = arith.constant 2 : i32
    %mul3A_0 = arith.muli %arg1, %mul3A : i32
    %add3A = arith.addi %mul3A_0, %arg0 : i32
    %mul3A_1 = arith.constant 512 : i32
    %mul3A_2 = arith.muli %add3A, %mul3A_1 : i32
    "tpu.region"() ({
      %run_scoped3A = tpu.sem_alloc : memref<!tpu.dma_semaphore, #tpu.memory_space<semaphore_mem>>
      %dma_start3A_935 = tpu.memref_slice %arg2[%mul3A_2] : memref<16384xi32, #tpu.memory_space<hbm>> -> memref<512xi32, #tpu.memory_space<hbm>>
      %dma_start3A_936 = tpu.memref_slice %arg2[%mul3A_2] : memref<16384xi32, #tpu.memory_space<hbm>> -> memref<512xi32, #tpu.memory_space<hbm>>
      tpu.enqueue_dma source(%dma_start3A_936 : memref<512xi32, #tpu.memory_space<hbm>>) target(%arg5 : memref<512xi32, #tpu.memory_space<vmem>>) target_semaphore(%run_scoped3A : memref<!tpu.dma_semaphore, #tpu.memory_space<semaphore_mem>>)
      %dma_wait3A_937 = tpu.memref_slice %arg2[%mul3A_2] : memref<16384xi32, #tpu.memory_space<hbm>> -> memref<512xi32, #tpu.memory_space<hbm>>
      %dma_wait3A_938 = tpu.memref_slice %arg2[%mul3A_2] : memref<16384xi32, #tpu.memory_space<hbm>> -> memref<512xi32, #tpu.memory_space<hbm>>
      tpu.wait_dma2 semaphore(%run_scoped3A : memref<!tpu.dma_semaphore, #tpu.memory_space<semaphore_mem>>) src(%dma_wait3A_938 : memref<512xi32, #tpu.memory_space<hbm>>) dst(%arg5 : memref<512xi32, #tpu.memory_space<vmem>>)
      tpu.yield
    }) : () -> ()
    %iota3A = tpu.iota {dimensions = array<i32: 0>} : vector<16xi32>
    %add3A_3 = arith.constant 16 : i32
    %add3A_4 = vector.broadcast %add3A_3 : i32 to vector<16xi32>
    %add3A_5 = arith.addi %iota3A, %add3A_4 : vector<16xi32>
    %get3A = arith.constant 0 : index
    %get3A_6 = tpu.vector_load %arg5[%get3A] {strides = array<i32>} : memref<512xi32, #tpu.memory_space<vmem>>, vector<16xi32>,
    %slice3A = vector.extract_strided_slice %get3A_6 {offsets = [0], sizes = [8], strides = [1]} : vector<16xi32> to vector<8xi32>
    %slice3A_7 = vector.extract_strided_slice %slice3A {offsets = [0], sizes = [1], strides = [1]} : vector<8xi32> to vector<1xi32>
    %squeeze3A = vector.extract %slice3A_7[0] : i32 from vector<1xi32>
    %shift_right_logical3A = arith.constant 7 : i32
    %shift_right_logical3A_8 = arith.shrui %squeeze3A, %shift_right_logical3A : i32
    %mul3A_9 = arith.constant 128 : i32
    %mul3A_10 = arith.muli %shift_right_logical3A_8, %mul3A_9 : i32
    %multiple_of3A = tpu.assume_multiple %mul3A_10, 128 : i32
    %dma_start3A = arith.constant 0 : i32
    %dma_start3A_11 = arith.constant 0 : i32
    %dma_start3A_12 = arith.constant 0 : i32
    %dma_start3A_13 = arith.constant 0 : i32
    %dma_start3A_14 = tpu.memref_slice %arg6[%dma_start3A, %dma_start3A_11, %dma_start3A_12, %dma_start3A_13] : memref<2x8x32x128xf32, #tpu.memory_space<vmem>> -> memref<1x1x32x128xf32, #tpu.memory_space<vmem>>
    %dma_start3A_15 = tpu.memref_squeeze %dma_start3A_14 : memref<1x1x32x128xf32, #tpu.memory_space<vmem>> -> memref<32x128xf32, #tpu.memory_space<vmem>>
    %dma_start3A_16 = arith.constant 0 : i32
    %dma_start3A_17 = tpu.memref_slice %arg3[%dma_start3A_16, %multiple_of3A] : memref<32x1000000xf32, #tpu.memory_space<hbm>> -> memref<32x128xf32, #tpu.memory_space<hbm>>
    %dma_start3A_18 = arith.constant 0 : i32
    %dma_start3A_19 = arith.constant 0 : i32
    %dma_start3A_20 = tpu.memref_slice %arg6[%dma_start3A, %dma_start3A_11, %dma_start3A_18, %dma_start3A_19] : memref<2x8x32x128xf32, #tpu.memory_space<vmem>> -> memref<1x1x32x128xf32, #tpu.memory_space<vmem>>
    %dma_start3A_21 = tpu.memref_squeeze %dma_start3A_20 : memref<1x1x32x128xf32, #tpu.memory_space<vmem>> -> memref<32x128xf32, #tpu.memory_space<vmem>>
    %dma_start3A_22 = arith.constant 0 : i32
    %dma_start3A_23 = tpu.memref_slice %arg3[%dma_start3A_22, %multiple_of3A] : memref<32x1000000xf32, #tpu.memory_space<hbm>> -> memref<32x128xf32, #tpu.memory_space<hbm>>
    tpu.enqueue_dma source(%dma_start3A_23 : memref<32x128xf32, #tpu.memory_space<hbm>>) target(%dma_start3A_21 : memref<32x128xf32, #tpu.memory_space<vmem>>) target_semaphore(%arg8 : memref<!tpu.dma_semaphore, #tpu.memory_space<semaphore_mem>>)
    %slice3A_24 = vector.extract_strided_slice %slice3A {offsets = [1], sizes = [1], strides = [1]} : vector<8xi32> to vector<1xi32>
    %squeeze3A_25 = vector.extract %slice3A_24[0] : i32 from vector<1xi32>
    %shift_right_logical3A_26 = arith.constant 7 : i32
    %shift_right_logical3A_27 = arith.shrui %squeeze3A_25, %shift_right_logical3A_26 : i32
    %mul3A_28 = arith.constant 128 : i32
    %mul3A_29 = arith.muli %shift_right_logical3A_27, %mul3A_28 : i32
    %multiple_of3A_30 = tpu.assume_multiple %mul3A_29, 128 : i32
    %dma_start3A_31 = arith.constant 0 : i32
    %dma_start3A_32 = arith.constant 1 : i32
    %dma_start3A_33 = arith.constant 0 : i32
    %dma_start3A_34 = arith.constant 0 : i32
    %dma_start3A_35 = tpu.memref_slice %arg6[%dma_start3A_31, %dma_start3A_32, %dma_start3A_33, %dma_start3A_34] : memref<2x8x32x128xf32, #tpu.memory_space<vmem>> -> memref<1x1x32x128xf32, #tpu.memory_space<vmem>>
    %dma_start3A_36 = tpu.memref_squeeze %dma_start3A_35 : memref<1x1x32x128xf32, #tpu.memory_space<vmem>> -> memref<32x128xf32, #tpu.memory_space<vmem>>
    %dma_start3A_37 = arith.constant 0 : i32
    %dma_start3A_38 = tpu.memref_slice %arg3[%dma_start3A_37, %multiple_of3A_30] : memref<32x1000000xf32, #tpu.memory_space<hbm>> -> memref<32x128xf32, #tpu.memory_space<hbm>>
    %dma_start3A_39 = arith.constant 0 : i32
    %dma_start3A_40 = arith.constant 0 : i32
    %dma_start3A_41 = tpu.memref_slice %arg6[%dma_start3A_31, %dma_start3A_32, %dma_start3A_39, %dma_start3A_40] : memref<2x8x32x128xf32, #tpu.memory_space<vmem>> -> memref<1x1x32x128xf32, #tpu.memory_space<vmem>>
    %dma_start3A_42 = tpu.memref_squeeze %dma_start3A_41 : memref<1x1x32x128xf32, #tpu.memory_space<vmem>> -> memref<32x128xf32, #tpu.memory_space<vmem>>
    %dma_start3A_43 = arith.constant 0 : i32
    %dma_start3A_44 = tpu.memref_slice %arg3[%dma_start3A_43, %multiple_of3A_30] : memref<32x1000000xf32, #tpu.memory_space<hbm>> -> memref<32x128xf32, #tpu.memory_space<hbm>>
    tpu.enqueue_dma source(%dma_start3A_44 : memref<32x128xf32, #tpu.memory_space<hbm>>) target(%dma_start3A_42 : memref<32x128xf32, #tpu.memory_space<vmem>>) target_semaphore(%arg8 : memref<!tpu.dma_semaphore, #tpu.memory_space<semaphore_mem>>)
    %slice3A_45 = vector.extract_strided_slice %slice3A {offsets = [2], sizes = [1], strides = [1]} : vector<8xi32> to vector<1xi32>
    %squeeze3A_46 = vector.extract %slice3A_45[0] : i32 from vector<1xi32>
    %shift_right_logical3A_47 = arith.constant 7 : i32
    %shift_right_logical3A_48 = arith.shrui %squeeze3A_46, %shift_right_logical3A_47 : i32
    %mul3A_49 = arith.constant 128 : i32
    %mul3A_50 = arith.muli %shift_right_logical3A_48, %mul3A_49 : i32
    %multiple_of3A_51 = tpu.assume_multiple %mul3A_50, 128 : i32
    %dma_start3A_52 = arith.constant 0 : i32
    %dma_start3A_53 = arith.constant 2 : i32
    %dma_start3A_54 = arith.constant 0 : i32
    %dma_start3A_55 = arith.constant 0 : i32
    %dma_start3A_56 = tpu.memref_slice %arg6[%dma_start3A_52, %dma_start3A_53, %dma_start3A_54, %dma_start3A_55] : memref<2x8x32x128xf32, #tpu.memory_space<vmem>> -> memref<1x1x32x128xf32, #tpu.memory_space<vmem>>
    %dma_start3A_57 = tpu.memref_squeeze %dma_start3A_56 : memref<1x1x32x128xf32, #tpu.memory_space<vmem>> -> memref<32x128xf32, #tpu.memory_space<vmem>>
    %dma_start3A_58 = arith.constant 0 : i32
    %dma_start3A_59 = tpu.memref_slice %arg3[%dma_start3A_58, %multiple_of3A_51] : memref<32x1000000xf32, #tpu.memory_space<hbm>> -> memref<32x128xf32, #tpu.memory_space<hbm>>
    %dma_start3A_60 = arith.constant 0 : i32
    %dma_start3A_61 = arith.constant 0 : i32
    %dma_start3A_62 = tpu.memref_slice %arg6[%dma_start3A_52, %dma_start3A_53, %dma_start3A_60, %dma_start3A_61] : memref<2x8x32x128xf32, #tpu.memory_space<vmem>> -> memref<1x1x32x128xf32, #tpu.memory_space<vmem>>
    %dma_start3A_63 = tpu.memref_squeeze %dma_start3A_62 : memref<1x1x32x128xf32, #tpu.memory_space<vmem>> -> memref<32x128xf32, #tpu.memory_space<vmem>>
    %dma_start3A_64 = arith.constant 0 : i32
    %dma_start3A_65 = tpu.memref_slice %arg3[%dma_start3A_64, %multiple_of3A_51] : memref<32x1000000xf32, #tpu.memory_space<hbm>> -> memref<32x128xf32, #tpu.memory_space<hbm>>
    tpu.enqueue_dma source(%dma_start3A_65 : memref<32x128xf32, #tpu.memory_space<hbm>>) target(%dma_start3A_63 : memref<32x128xf32, #tpu.memory_space<vmem>>) target_semaphore(%arg8 : memref<!tpu.dma_semaphore, #tpu.memory_space<semaphore_mem>>)
    %slice3A_66 = vector.extract_strided_slice %slice3A {offsets = [3], sizes = [1], strides = [1]} : vector<8xi32> to vector<1xi32>
    %squeeze3A_67 = vector.extract %slice3A_66[0] : i32 from vector<1xi32>
    %shift_right_logical3A_68 = arith.constant 7 : i32
    %shift_right_logical3A_69 = arith.shrui %squeeze3A_67, %shift_right_logical3A_68 : i32
    %mul3A_70 = arith.constant 128 : i32
    %mul3A_71 = arith.muli %shift_right_logical3A_69, %mul3A_70 : i32
    %multiple_of3A_72 = tpu.assume_multiple %mul3A_71, 128 : i32
    %dma_start3A_73 = arith.constant 0 : i32
    %dma_start3A_74 = arith.constant 3 : i32
    %dma_start3A_75 = arith.constant 0 : i32
    %dma_start3A_76 = arith.constant 0 : i32
    %dma_start3A_77 = tpu.memref_slice %arg6[%dma_start3A_73, %dma_start3A_74, %dma_start3A_75, %dma_start3A_76] : memref<2x8x32x128xf32, #tpu.memory_space<vmem>> -> memref<1x1x32x128xf32, #tpu.memory_space<vmem>>
    %dma_start3A_78 = tpu.memref_squeeze %dma_start3A_77 : memref<1x1x32x128xf32, #tpu.memory_space<vmem>> -> memref<32x128xf32, #tpu.memory_space<vmem>>
    %dma_start3A_79 = arith.constant 0 : i32
    %dma_start3A_80 = tpu.memref_slice %arg3[%dma_start3A_79, %multiple_of3A_72] : memref<32x1000000xf32, #tpu.memory_space<hbm>> -> memref<32x128xf32, #tpu.memory_space<hbm>>
    %dma_start3A_81 = arith.constant 0 : i32
    %dma_start3A_82 = arith.constant 0 : i32
    %dma_start3A_83 = tpu.memref_slice %arg6[%dma_start3A_73, %dma_start3A_74, %dma_start3A_81, %dma_start3A_82] : memref<2x8x32x128xf32, #tpu.memory_space<vmem>> -> memref<1x1x32x128xf32, #tpu.memory_space<vmem>>
    %dma_start3A_84 = tpu.memref_squeeze %dma_start3A_83 : memref<1x1x32x128xf32, #tpu.memory_space<vmem>> -> memref<32x128xf32, #tpu.memory_space<vmem>>
    %dma_start3A_85 = arith.constant 0 : i32
    %dma_start3A_86 = tpu.memref_slice %arg3[%dma_start3A_85, %multiple_of3A_72] : memref<32x1000000xf32, #tpu.memory_space<hbm>> -> memref<32x128xf32, #tpu.memory_space<hbm>>
    tpu.enqueue_dma source(%dma_start3A_86 : memref<32x128xf32, #tpu.memory_space<hbm>>) target(%dma_start3A_84 : memref<32x128xf32, #tpu.memory_space<vmem>>) target_semaphore(%arg8 : memref<!tpu.dma_semaphore, #tpu.memory_space<semaphore_mem>>)
    %slice3A_87 = vector.extract_strided_slice %slice3A {offsets = [4], sizes = [1], strides = [1]} : vector<8xi32> to vector<1xi32>
    %squeeze3A_88 = vector.extract %slice3A_87[0] : i32 from vector<1xi32>
    %shift_right_logical3A_89 = arith.constant 7 : i32
    %shift_right_logical3A_90 = arith.shrui %squeeze3A_88, %shift_right_logical3A_89 : i32
    %mul3A_91 = arith.constant 128 : i32
    %mul3A_92 = arith.muli %shift_right_logical3A_90, %mul3A_91 : i32
    %multiple_of3A_93 = tpu.assume_multiple %mul3A_92, 128 : i32
    %dma_start3A_94 = arith.constant 0 : i32
    %dma_start3A_95 = arith.constant 4 : i32
    %dma_start3A_96 = arith.constant 0 : i32
    %dma_start3A_97 = arith.constant 0 : i32
    %dma_start3A_98 = tpu.memref_slice %arg6[%dma_start3A_94, %dma_start3A_95, %dma_start3A_96, %dma_start3A_97] : memref<2x8x32x128xf32, #tpu.memory_space<vmem>> -> memref<1x1x32x128xf32, #tpu.memory_space<vmem>>
    %dma_start3A_99 = tpu.memref_squeeze %dma_start3A_98 : memref<1x1x32x128xf32, #tpu.memory_space<vmem>> -> memref<32x128xf32, #tpu.memory_space<vmem>>
    %dma_start3A_100 = arith.constant 0 : i32
    %dma_start3A_101 = tpu.memref_slice %arg3[%dma_start3A_100, %multiple_of3A_93] : memref<32x1000000xf32, #tpu.memory_space<hbm>> -> memref<32x128xf32, #tpu.memory_space<hbm>>
    %dma_start3A_102 = arith.constant 0 : i32
    %dma_start3A_103 = arith.constant 0 : i32
    %dma_start3A_104 = tpu.memref_slice %arg6[%dma_start3A_94, %dma_start3A_95, %dma_start3A_102, %dma_start3A_103] : memref<2x8x32x128xf32, #tpu.memory_space<vmem>> -> memref<1x1x32x128xf32, #tpu.memory_space<vmem>>
    %dma_start3A_105 = tpu.memref_squeeze %dma_start3A_104 : memref<1x1x32x128xf32, #tpu.memory_space<vmem>> -> memref<32x128xf32, #tpu.memory_space<vmem>>
    %dma_start3A_106 = arith.constant 0 : i32
    %dma_start3A_107 = tpu.memref_slice %arg3[%dma_start3A_106, %multiple_of3A_93] : memref<32x1000000xf32, #tpu.memory_space<hbm>> -> memref<32x128xf32, #tpu.memory_space<hbm>>
    tpu.enqueue_dma source(%dma_start3A_107 : memref<32x128xf32, #tpu.memory_space<hbm>>) target(%dma_start3A_105 : memref<32x128xf32, #tpu.memory_space<vmem>>) target_semaphore(%arg8 : memref<!tpu.dma_semaphore, #tpu.memory_space<semaphore_mem>>)
    %slice3A_108 = vector.extract_strided_slice %slice3A {offsets = [5], sizes = [1], strides = [1]} : vector<8xi32> to vector<1xi32>
    %squeeze3A_109 = vector.extract %slice3A_108[0] : i32 from vector<1xi32>
    %shift_right_logical3A_110 = arith.constant 7 : i32
    %shift_right_logical3A_111 = arith.shrui %squeeze3A_109, %shift_right_logical3A_110 : i32
    %mul3A_112 = arith.constant 128 : i32
    %mul3A_113 = arith.muli %shift_right_logical3A_111, %mul3A_112 : i32
    %multiple_of3A_114 = tpu.assume_multiple %mul3A_113, 128 : i32
    %dma_start3A_115 = arith.constant 0 : i32
    %dma_start3A_116 = arith.constant 5 : i32
    %dma_start3A_117 = arith.constant 0 : i32
    %dma_start3A_118 = arith.constant 0 : i32
    %dma_start3A_119 = tpu.memref_slice %arg6[%dma_start3A_115, %dma_start3A_116, %dma_start3A_117, %dma_start3A_118] : memref<2x8x32x128xf32, #tpu.memory_space<vmem>> -> memref<1x1x32x128xf32, #tpu.memory_space<vmem>>
    %dma_start3A_120 = tpu.memref_squeeze %dma_start3A_119 : memref<1x1x32x128xf32, #tpu.memory_space<vmem>> -> memref<32x128xf32, #tpu.memory_space<vmem>>
    %dma_start3A_121 = arith.constant 0 : i32
    %dma_start3A_122 = tpu.memref_slice %arg3[%dma_start3A_121, %multiple_of3A_114] : memref<32x1000000xf32, #tpu.memory_space<hbm>> -> memref<32x128xf32, #tpu.memory_space<hbm>>
    %dma_start3A_123 = arith.constant 0 : i32
    %dma_start3A_124 = arith.constant 0 : i32
    %dma_start3A_125 = tpu.memref_slice %arg6[%dma_start3A_115, %dma_start3A_116, %dma_start3A_123, %dma_start3A_124] : memref<2x8x32x128xf32, #tpu.memory_space<vmem>> -> memref<1x1x32x128xf32, #tpu.memory_space<vmem>>
    %dma_start3A_126 = tpu.memref_squeeze %dma_start3A_125 : memref<1x1x32x128xf32, #tpu.memory_space<vmem>> -> memref<32x128xf32, #tpu.memory_space<vmem>>
    %dma_start3A_127 = arith.constant 0 : i32
    %dma_start3A_128 = tpu.memref_slice %arg3[%dma_start3A_127, %multiple_of3A_114] : memref<32x1000000xf32, #tpu.memory_space<hbm>> -> memref<32x128xf32, #tpu.memory_space<hbm>>
    tpu.enqueue_dma source(%dma_start3A_128 : memref<32x128xf32, #tpu.memory_space<hbm>>) target(%dma_start3A_126 : memref<32x128xf32, #tpu.memory_space<vmem>>) target_semaphore(%arg8 : memref<!tpu.dma_semaphore, #tpu.memory_space<semaphore_mem>>)
    %slice3A_129 = vector.extract_strided_slice %slice3A {offsets = [6], sizes = [1], strides = [1]} : vector<8xi32> to vector<1xi32>
    %squeeze3A_130 = vector.extract %slice3A_129[0] : i32 from vector<1xi32>
    %shift_right_logical3A_131 = arith.constant 7 : i32
    %shift_right_logical3A_132 = arith.shrui %squeeze3A_130, %shift_right_logical3A_131 : i32
    %mul3A_133 = arith.constant 128 : i32
    %mul3A_134 = arith.muli %shift_right_logical3A_132, %mul3A_133 : i32
    %multiple_of3A_135 = tpu.assume_multiple %mul3A_134, 128 : i32
    %dma_start3A_136 = arith.constant 0 : i32
    %dma_start3A_137 = arith.constant 6 : i32
    %dma_start3A_138 = arith.constant 0 : i32
    %dma_start3A_139 = arith.constant 0 : i32
    %dma_start3A_140 = tpu.memref_slice %arg6[%dma_start3A_136, %dma_start3A_137, %dma_start3A_138, %dma_start3A_139] : memref<2x8x32x128xf32, #tpu.memory_space<vmem>> -> memref<1x1x32x128xf32, #tpu.memory_space<vmem>>
    %dma_start3A_141 = tpu.memref_squeeze %dma_start3A_140 : memref<1x1x32x128xf32, #tpu.memory_space<vmem>> -> memref<32x128xf32, #tpu.memory_space<vmem>>
    %dma_start3A_142 = arith.constant 0 : i32
    %dma_start3A_143 = tpu.memref_slice %arg3[%dma_start3A_142, %multiple_of3A_135] : memref<32x1000000xf32, #tpu.memory_space<hbm>> -> memref<32x128xf32, #tpu.memory_space<hbm>>
    %dma_start3A_144 = arith.constant 0 : i32
    %dma_start3A_145 = arith.constant 0 : i32
    %dma_start3A_146 = tpu.memref_slice %arg6[%dma_start3A_136, %dma_start3A_137, %dma_start3A_144, %dma_start3A_145] : memref<2x8x32x128xf32, #tpu.memory_space<vmem>> -> memref<1x1x32x128xf32, #tpu.memory_space<vmem>>
    %dma_start3A_147 = tpu.memref_squeeze %dma_start3A_146 : memref<1x1x32x128xf32, #tpu.memory_space<vmem>> -> memref<32x128xf32, #tpu.memory_space<vmem>>
    %dma_start3A_148 = arith.constant 0 : i32
    %dma_start3A_149 = tpu.memref_slice %arg3[%dma_start3A_148, %multiple_of3A_135] : memref<32x1000000xf32, #tpu.memory_space<hbm>> -> memref<32x128xf32, #tpu.memory_space<hbm>>
    tpu.enqueue_dma source(%dma_start3A_149 : memref<32x128xf32, #tpu.memory_space<hbm>>) target(%dma_start3A_147 : memref<32x128xf32, #tpu.memory_space<vmem>>) target_semaphore(%arg8 : memref<!tpu.dma_semaphore, #tpu.memory_space<semaphore_mem>>)
    %slice3A_150 = vector.extract_strided_slice %slice3A {offsets = [7], sizes = [1], strides = [1]} : vector<8xi32> to vector<1xi32>
    %squeeze3A_151 = vector.extract %slice3A_150[0] : i32 from vector<1xi32>
    %shift_right_logical3A_152 = arith.constant 7 : i32
    %shift_right_logical3A_153 = arith.shrui %squeeze3A_151, %shift_right_logical3A_152 : i32
    %mul3A_154 = arith.constant 128 : i32
    %mul3A_155 = arith.muli %shift_right_logical3A_153, %mul3A_154 : i32
    %multiple_of3A_156 = tpu.assume_multiple %mul3A_155, 128 : i32
    %dma_start3A_157 = arith.constant 0 : i32
    %dma_start3A_158 = arith.constant 7 : i32
    %dma_start3A_159 = arith.constant 0 : i32
    %dma_start3A_160 = arith.constant 0 : i32
    %dma_start3A_161 = tpu.memref_slice %arg6[%dma_start3A_157, %dma_start3A_158, %dma_start3A_159, %dma_start3A_160] : memref<2x8x32x128xf32, #tpu.memory_space<vmem>> -> memref<1x1x32x128xf32, #tpu.memory_space<vmem>>
    %dma_start3A_162 = tpu.memref_squeeze %dma_start3A_161 : memref<1x1x32x128xf32, #tpu.memory_space<vmem>> -> memref<32x128xf32, #tpu.memory_space<vmem>>
    %dma_start3A_163 = arith.constant 0 : i32
    %dma_start3A_164 = tpu.memref_slice %arg3[%dma_start3A_163, %multiple_of3A_156] : memref<32x1000000xf32, #tpu.memory_space<hbm>> -> memref<32x128xf32, #tpu.memory_space<hbm>>
    %dma_start3A_165 = arith.constant 0 : i32
    %dma_start3A_166 = arith.constant 0 : i32
    %dma_start3A_167 = tpu.memref_slice %arg6[%dma_start3A_157, %dma_start3A_158, %dma_start3A_165, %dma_start3A_166] : memref<2x8x32x128xf32, #tpu.memory_space<vmem>> -> memref<1x1x32x128xf32, #tpu.memory_space<vmem>>
    %dma_start3A_168 = tpu.memref_squeeze %dma_start3A_167 : memref<1x1x32x128xf32, #tpu.memory_space<vmem>> -> memref<32x128xf32, #tpu.memory_space<vmem>>
    %dma_start3A_169 = arith.constant 0 : i32
    %dma_start3A_170 = tpu.memref_slice %arg3[%dma_start3A_169, %multiple_of3A_156] : memref<32x1000000xf32, #tpu.memory_space<hbm>> -> memref<32x128xf32, #tpu.memory_space<hbm>>
    tpu.enqueue_dma source(%dma_start3A_170 : memref<32x128xf32, #tpu.memory_space<hbm>>) target(%dma_start3A_168 : memref<32x128xf32, #tpu.memory_space<vmem>>) target_semaphore(%arg8 : memref<!tpu.dma_semaphore, #tpu.memory_space<semaphore_mem>>)
    %slice3A_171 = vector.extract_strided_slice %get3A_6 {offsets = [8], sizes = [8], strides = [1]} : vector<16xi32> to vector<8xi32>
    %slice3A_172 = vector.extract_strided_slice %slice3A_171 {offsets = [0], sizes = [1], strides = [1]} : vector<8xi32> to vector<1xi32>
    %squeeze3A_173 = vector.extract %slice3A_172[0] : i32 from vector<1xi32>
    %shift_right_logical3A_174 = arith.constant 7 : i32
    %shift_right_logical3A_175 = arith.shrui %squeeze3A_173, %shift_right_logical3A_174 : i32
    %mul3A_176 = arith.constant 128 : i32
    %mul3A_177 = arith.muli %shift_right_logical3A_175, %mul3A_176 : i32
    %multiple_of3A_178 = tpu.assume_multiple %mul3A_177, 128 : i32
    %dma_start3A_179 = arith.constant 1 : i32
    %dma_start3A_180 = arith.constant 0 : i32
    %dma_start3A_181 = arith.constant 0 : i32
    %dma_start3A_182 = arith.constant 0 : i32
    %dma_start3A_183 = tpu.memref_slice %arg6[%dma_start3A_179, %dma_start3A_180, %dma_start3A_181, %dma_start3A_182] : memref<2x8x32x128xf32, #tpu.memory_space<vmem>> -> memref<1x1x32x128xf32, #tpu.memory_space<vmem>>
    %dma_start3A_184 = tpu.memref_squeeze %dma_start3A_183 : memref<1x1x32x128xf32, #tpu.memory_space<vmem>> -> memref<32x128xf32, #tpu.memory_space<vmem>>
    %dma_start3A_185 = arith.constant 0 : i32
    %dma_start3A_186 = tpu.memref_slice %arg3[%dma_start3A_185, %multiple_of3A_178] : memref<32x1000000xf32, #tpu.memory_space<hbm>> -> memref<32x128xf32, #tpu.memory_space<hbm>>
    %dma_start3A_187 = arith.constant 0 : i32
    %dma_start3A_188 = arith.constant 0 : i32
    %dma_start3A_189 = tpu.memref_slice %arg6[%dma_start3A_179, %dma_start3A_180, %dma_start3A_187, %dma_start3A_188] : memref<2x8x32x128xf32, #tpu.memory_space<vmem>> -> memref<1x1x32x128xf32, #tpu.memory_space<vmem>>
    %dma_start3A_190 = tpu.memref_squeeze %dma_start3A_189 : memref<1x1x32x128xf32, #tpu.memory_space<vmem>> -> memref<32x128xf32, #tpu.memory_space<vmem>>
    %dma_start3A_191 = arith.constant 0 : i32
    %dma_start3A_192 = tpu.memref_slice %arg3[%dma_start3A_191, %multiple_of3A_178] : memref<32x1000000xf32, #tpu.memory_space<hbm>> -> memref<32x128xf32, #tpu.memory_space<hbm>>
    tpu.enqueue_dma source(%dma_start3A_192 : memref<32x128xf32, #tpu.memory_space<hbm>>) target(%dma_start3A_190 : memref<32x128xf32, #tpu.memory_space<vmem>>) target_semaphore(%arg9 : memref<!tpu.dma_semaphore, #tpu.memory_space<semaphore_mem>>)
    %slice3A_193 = vector.extract_strided_slice %slice3A_171 {offsets = [1], sizes = [1], strides = [1]} : vector<8xi32> to vector<1xi32>
    %squeeze3A_194 = vector.extract %slice3A_193[0] : i32 from vector<1xi32>
    %shift_right_logical3A_195 = arith.constant 7 : i32
    %shift_right_logical3A_196 = arith.shrui %squeeze3A_194, %shift_right_logical3A_195 : i32
    %mul3A_197 = arith.constant 128 : i32
    %mul3A_198 = arith.muli %shift_right_logical3A_196, %mul3A_197 : i32
    %multiple_of3A_199 = tpu.assume_multiple %mul3A_198, 128 : i32
    %dma_start3A_200 = arith.constant 1 : i32
    %dma_start3A_201 = arith.constant 1 : i32
    %dma_start3A_202 = arith.constant 0 : i32
    %dma_start3A_203 = arith.constant 0 : i32
    %dma_start3A_204 = tpu.memref_slice %arg6[%dma_start3A_200, %dma_start3A_201, %dma_start3A_202, %dma_start3A_203] : memref<2x8x32x128xf32, #tpu.memory_space<vmem>> -> memref<1x1x32x128xf32, #tpu.memory_space<vmem>>
    %dma_start3A_205 = tpu.memref_squeeze %dma_start3A_204 : memref<1x1x32x128xf32, #tpu.memory_space<vmem>> -> memref<32x128xf32, #tpu.memory_space<vmem>>
    %dma_start3A_206 = arith.constant 0 : i32
    %dma_start3A_207 = tpu.memref_slice %arg3[%dma_start3A_206, %multiple_of3A_199] : memref<32x1000000xf32, #tpu.memory_space<hbm>> -> memref<32x128xf32, #tpu.memory_space<hbm>>
    %dma_start3A_208 = arith.constant 0 : i32
    %dma_start3A_209 = arith.constant 0 : i32
    %dma_start3A_210 = tpu.memref_slice %arg6[%dma_start3A_200, %dma_start3A_201, %dma_start3A_208, %dma_start3A_209] : memref<2x8x32x128xf32, #tpu.memory_space<vmem>> -> memref<1x1x32x128xf32, #tpu.memory_space<vmem>>
    %dma_start3A_211 = tpu.memref_squeeze %dma_start3A_210 : memref<1x1x32x128xf32, #tpu.memory_space<vmem>> -> memref<32x128xf32, #tpu.memory_space<vmem>>
    %dma_start3A_212 = arith.constant 0 : i32
    %dma_start3A_213 = tpu.memref_slice %arg3[%dma_start3A_212, %multiple_of3A_199] : memref<32x1000000xf32, #tpu.memory_space<hbm>> -> memref<32x128xf32, #tpu.memory_space<hbm>>
    tpu.enqueue_dma source(%dma_start3A_213 : memref<32x128xf32, #tpu.memory_space<hbm>>) target(%dma_start3A_211 : memref<32x128xf32, #tpu.memory_space<vmem>>) target_semaphore(%arg9 : memref<!tpu.dma_semaphore, #tpu.memory_space<semaphore_mem>>)
    %slice3A_214 = vector.extract_strided_slice %slice3A_171 {offsets = [2], sizes = [1], strides = [1]} : vector<8xi32> to vector<1xi32>
    %squeeze3A_215 = vector.extract %slice3A_214[0] : i32 from vector<1xi32>
    %shift_right_logical3A_216 = arith.constant 7 : i32
    %shift_right_logical3A_217 = arith.shrui %squeeze3A_215, %shift_right_logical3A_216 : i32
    %mul3A_218 = arith.constant 128 : i32
    %mul3A_219 = arith.muli %shift_right_logical3A_217, %mul3A_218 : i32
    %multiple_of3A_220 = tpu.assume_multiple %mul3A_219, 128 : i32
    %dma_start3A_221 = arith.constant 1 : i32
    %dma_start3A_222 = arith.constant 2 : i32
    %dma_start3A_223 = arith.constant 0 : i32
    %dma_start3A_224 = arith.constant 0 : i32
    %dma_start3A_225 = tpu.memref_slice %arg6[%dma_start3A_221, %dma_start3A_222, %dma_start3A_223, %dma_start3A_224] : memref<2x8x32x128xf32, #tpu.memory_space<vmem>> -> memref<1x1x32x128xf32, #tpu.memory_space<vmem>>
    %dma_start3A_226 = tpu.memref_squeeze %dma_start3A_225 : memref<1x1x32x128xf32, #tpu.memory_space<vmem>> -> memref<32x128xf32, #tpu.memory_space<vmem>>
    %dma_start3A_227 = arith.constant 0 : i32
    %dma_start3A_228 = tpu.memref_slice %arg3[%dma_start3A_227, %multiple_of3A_220] : memref<32x1000000xf32, #tpu.memory_space<hbm>> -> memref<32x128xf32, #tpu.memory_space<hbm>>
    %dma_start3A_229 = arith.constant 0 : i32
    %dma_start3A_230 = arith.constant 0 : i32
    %dma_start3A_231 = tpu.memref_slice %arg6[%dma_start3A_221, %dma_start3A_222, %dma_start3A_229, %dma_start3A_230] : memref<2x8x32x128xf32, #tpu.memory_space<vmem>> -> memref<1x1x32x128xf32, #tpu.memory_space<vmem>>
    %dma_start3A_232 = tpu.memref_squeeze %dma_start3A_231 : memref<1x1x32x128xf32, #tpu.memory_space<vmem>> -> memref<32x128xf32, #tpu.memory_space<vmem>>
    %dma_start3A_233 = arith.constant 0 : i32
    %dma_start3A_234 = tpu.memref_slice %arg3[%dma_start3A_233, %multiple_of3A_220] : memref<32x1000000xf32, #tpu.memory_space<hbm>> -> memref<32x128xf32, #tpu.memory_space<hbm>>
    tpu.enqueue_dma source(%dma_start3A_234 : memref<32x128xf32, #tpu.memory_space<hbm>>) target(%dma_start3A_232 : memref<32x128xf32, #tpu.memory_space<vmem>>) target_semaphore(%arg9 : memref<!tpu.dma_semaphore, #tpu.memory_space<semaphore_mem>>)
    %slice3A_235 = vector.extract_strided_slice %slice3A_171 {offsets = [3], sizes = [1], strides = [1]} : vector<8xi32> to vector<1xi32>
    %squeeze3A_236 = vector.extract %slice3A_235[0] : i32 from vector<1xi32>
    %shift_right_logical3A_237 = arith.constant 7 : i32
    %shift_right_logical3A_238 = arith.shrui %squeeze3A_236, %shift_right_logical3A_237 : i32
    %mul3A_239 = arith.constant 128 : i32
    %mul3A_240 = arith.muli %shift_right_logical3A_238, %mul3A_239 : i32
    %multiple_of3A_241 = tpu.assume_multiple %mul3A_240, 128 : i32
    %dma_start3A_242 = arith.constant 1 : i32
    %dma_start3A_243 = arith.constant 3 : i32
    %dma_start3A_244 = arith.constant 0 : i32
    %dma_start3A_245 = arith.constant 0 : i32
    %dma_start3A_246 = tpu.memref_slice %arg6[%dma_start3A_242, %dma_start3A_243, %dma_start3A_244, %dma_start3A_245] : memref<2x8x32x128xf32, #tpu.memory_space<vmem>> -> memref<1x1x32x128xf32, #tpu.memory_space<vmem>>
    %dma_start3A_247 = tpu.memref_squeeze %dma_start3A_246 : memref<1x1x32x128xf32, #tpu.memory_space<vmem>> -> memref<32x128xf32, #tpu.memory_space<vmem>>
    %dma_start3A_248 = arith.constant 0 : i32
    %dma_start3A_249 = tpu.memref_slice %arg3[%dma_start3A_248, %multiple_of3A_241] : memref<32x1000000xf32, #tpu.memory_space<hbm>> -> memref<32x128xf32, #tpu.memory_space<hbm>>
    %dma_start3A_250 = arith.constant 0 : i32
    %dma_start3A_251 = arith.constant 0 : i32
    %dma_start3A_252 = tpu.memref_slice %arg6[%dma_start3A_242, %dma_start3A_243, %dma_start3A_250, %dma_start3A_251] : memref<2x8x32x128xf32, #tpu.memory_space<vmem>> -> memref<1x1x32x128xf32, #tpu.memory_space<vmem>>
    %dma_start3A_253 = tpu.memref_squeeze %dma_start3A_252 : memref<1x1x32x128xf32, #tpu.memory_space<vmem>> -> memref<32x128xf32, #tpu.memory_space<vmem>>
    %dma_start3A_254 = arith.constant 0 : i32
    %dma_start3A_255 = tpu.memref_slice %arg3[%dma_start3A_254, %multiple_of3A_241] : memref<32x1000000xf32, #tpu.memory_space<hbm>> -> memref<32x128xf32, #tpu.memory_space<hbm>>
    tpu.enqueue_dma source(%dma_start3A_255 : memref<32x128xf32, #tpu.memory_space<hbm>>) target(%dma_start3A_253 : memref<32x128xf32, #tpu.memory_space<vmem>>) target_semaphore(%arg9 : memref<!tpu.dma_semaphore, #tpu.memory_space<semaphore_mem>>)
    %slice3A_256 = vector.extract_strided_slice %slice3A_171 {offsets = [4], sizes = [1], strides = [1]} : vector<8xi32> to vector<1xi32>
    %squeeze3A_257 = vector.extract %slice3A_256[0] : i32 from vector<1xi32>
    %shift_right_logical3A_258 = arith.constant 7 : i32
    %shift_right_logical3A_259 = arith.shrui %squeeze3A_257, %shift_right_logical3A_258 : i32
    %mul3A_260 = arith.constant 128 : i32
    %mul3A_261 = arith.muli %shift_right_logical3A_259, %mul3A_260 : i32
    %multiple_of3A_262 = tpu.assume_multiple %mul3A_261, 128 : i32
    %dma_start3A_263 = arith.constant 1 : i32
    %dma_start3A_264 = arith.constant 4 : i32
    %dma_start3A_265 = arith.constant 0 : i32
    %dma_start3A_266 = arith.constant 0 : i32
    %dma_start3A_267 = tpu.memref_slice %arg6[%dma_start3A_263, %dma_start3A_264, %dma_start3A_265, %dma_start3A_266] : memref<2x8x32x128xf32, #tpu.memory_space<vmem>> -> memref<1x1x32x128xf32, #tpu.memory_space<vmem>>
    %dma_start3A_268 = tpu.memref_squeeze %dma_start3A_267 : memref<1x1x32x128xf32, #tpu.memory_space<vmem>> -> memref<32x128xf32, #tpu.memory_space<vmem>>
    %dma_start3A_269 = arith.constant 0 : i32
    %dma_start3A_270 = tpu.memref_slice %arg3[%dma_start3A_269, %multiple_of3A_262] : memref<32x1000000xf32, #tpu.memory_space<hbm>> -> memref<32x128xf32, #tpu.memory_space<hbm>>
    %dma_start3A_271 = arith.constant 0 : i32
    %dma_start3A_272 = arith.constant 0 : i32
    %dma_start3A_273 = tpu.memref_slice %arg6[%dma_start3A_263, %dma_start3A_264, %dma_start3A_271, %dma_start3A_272] : memref<2x8x32x128xf32, #tpu.memory_space<vmem>> -> memref<1x1x32x128xf32, #tpu.memory_space<vmem>>
    %dma_start3A_274 = tpu.memref_squeeze %dma_start3A_273 : memref<1x1x32x128xf32, #tpu.memory_space<vmem>> -> memref<32x128xf32, #tpu.memory_space<vmem>>
    %dma_start3A_275 = arith.constant 0 : i32
    %dma_start3A_276 = tpu.memref_slice %arg3[%dma_start3A_275, %multiple_of3A_262] : memref<32x1000000xf32, #tpu.memory_space<hbm>> -> memref<32x128xf32, #tpu.memory_space<hbm>>
    tpu.enqueue_dma source(%dma_start3A_276 : memref<32x128xf32, #tpu.memory_space<hbm>>) target(%dma_start3A_274 : memref<32x128xf32, #tpu.memory_space<vmem>>) target_semaphore(%arg9 : memref<!tpu.dma_semaphore, #tpu.memory_space<semaphore_mem>>)
    %slice3A_277 = vector.extract_strided_slice %slice3A_171 {offsets = [5], sizes = [1], strides = [1]} : vector<8xi32> to vector<1xi32>
    %squeeze3A_278 = vector.extract %slice3A_277[0] : i32 from vector<1xi32>
    %shift_right_logical3A_279 = arith.constant 7 : i32
    %shift_right_logical3A_280 = arith.shrui %squeeze3A_278, %shift_right_logical3A_279 : i32
    %mul3A_281 = arith.constant 128 : i32
    %mul3A_282 = arith.muli %shift_right_logical3A_280, %mul3A_281 : i32
    %multiple_of3A_283 = tpu.assume_multiple %mul3A_282, 128 : i32
    %dma_start3A_284 = arith.constant 1 : i32
    %dma_start3A_285 = arith.constant 5 : i32
    %dma_start3A_286 = arith.constant 0 : i32
    %dma_start3A_287 = arith.constant 0 : i32
    %dma_start3A_288 = tpu.memref_slice %arg6[%dma_start3A_284, %dma_start3A_285, %dma_start3A_286, %dma_start3A_287] : memref<2x8x32x128xf32, #tpu.memory_space<vmem>> -> memref<1x1x32x128xf32, #tpu.memory_space<vmem>>
    %dma_start3A_289 = tpu.memref_squeeze %dma_start3A_288 : memref<1x1x32x128xf32, #tpu.memory_space<vmem>> -> memref<32x128xf32, #tpu.memory_space<vmem>>
    %dma_start3A_290 = arith.constant 0 : i32
    %dma_start3A_291 = tpu.memref_slice %arg3[%dma_start3A_290, %multiple_of3A_283] : memref<32x1000000xf32, #tpu.memory_space<hbm>> -> memref<32x128xf32, #tpu.memory_space<hbm>>
    %dma_start3A_292 = arith.constant 0 : i32
    %dma_start3A_293 = arith.constant 0 : i32
    %dma_start3A_294 = tpu.memref_slice %arg6[%dma_start3A_284, %dma_start3A_285, %dma_start3A_292, %dma_start3A_293] : memref<2x8x32x128xf32, #tpu.memory_space<vmem>> -> memref<1x1x32x128xf32, #tpu.memory_space<vmem>>
    %dma_start3A_295 = tpu.memref_squeeze %dma_start3A_294 : memref<1x1x32x128xf32, #tpu.memory_space<vmem>> -> memref<32x128xf32, #tpu.memory_space<vmem>>
    %dma_start3A_296 = arith.constant 0 : i32
    %dma_start3A_297 = tpu.memref_slice %arg3[%dma_start3A_296, %multiple_of3A_283] : memref<32x1000000xf32, #tpu.memory_space<hbm>> -> memref<32x128xf32, #tpu.memory_space<hbm>>
    tpu.enqueue_dma source(%dma_start3A_297 : memref<32x128xf32, #tpu.memory_space<hbm>>) target(%dma_start3A_295 : memref<32x128xf32, #tpu.memory_space<vmem>>) target_semaphore(%arg9 : memref<!tpu.dma_semaphore, #tpu.memory_space<semaphore_mem>>)
    %slice3A_298 = vector.extract_strided_slice %slice3A_171 {offsets = [6], sizes = [1], strides = [1]} : vector<8xi32> to vector<1xi32>
    %squeeze3A_299 = vector.extract %slice3A_298[0] : i32 from vector<1xi32>
    %shift_right_logical3A_300 = arith.constant 7 : i32
    %shift_right_logical3A_301 = arith.shrui %squeeze3A_299, %shift_right_logical3A_300 : i32
    %mul3A_302 = arith.constant 128 : i32
    %mul3A_303 = arith.muli %shift_right_logical3A_301, %mul3A_302 : i32
    %multiple_of3A_304 = tpu.assume_multiple %mul3A_303, 128 : i32
    %dma_start3A_305 = arith.constant 1 : i32
    %dma_start3A_306 = arith.constant 6 : i32
    %dma_start3A_307 = arith.constant 0 : i32
    %dma_start3A_308 = arith.constant 0 : i32
    %dma_start3A_309 = tpu.memref_slice %arg6[%dma_start3A_305, %dma_start3A_306, %dma_start3A_307, %dma_start3A_308] : memref<2x8x32x128xf32, #tpu.memory_space<vmem>> -> memref<1x1x32x128xf32, #tpu.memory_space<vmem>>
    %dma_start3A_310 = tpu.memref_squeeze %dma_start3A_309 : memref<1x1x32x128xf32, #tpu.memory_space<vmem>> -> memref<32x128xf32, #tpu.memory_space<vmem>>
    %dma_start3A_311 = arith.constant 0 : i32
    %dma_start3A_312 = tpu.memref_slice %arg3[%dma_start3A_311, %multiple_of3A_304] : memref<32x1000000xf32, #tpu.memory_space<hbm>> -> memref<32x128xf32, #tpu.memory_space<hbm>>
    %dma_start3A_313 = arith.constant 0 : i32
    %dma_start3A_314 = arith.constant 0 : i32
    %dma_start3A_315 = tpu.memref_slice %arg6[%dma_start3A_305, %dma_start3A_306, %dma_start3A_313, %dma_start3A_314] : memref<2x8x32x128xf32, #tpu.memory_space<vmem>> -> memref<1x1x32x128xf32, #tpu.memory_space<vmem>>
    %dma_start3A_316 = tpu.memref_squeeze %dma_start3A_315 : memref<1x1x32x128xf32, #tpu.memory_space<vmem>> -> memref<32x128xf32, #tpu.memory_space<vmem>>
    %dma_start3A_317 = arith.constant 0 : i32
    %dma_start3A_318 = tpu.memref_slice %arg3[%dma_start3A_317, %multiple_of3A_304] : memref<32x1000000xf32, #tpu.memory_space<hbm>> -> memref<32x128xf32, #tpu.memory_space<hbm>>
    tpu.enqueue_dma source(%dma_start3A_318 : memref<32x128xf32, #tpu.memory_space<hbm>>) target(%dma_start3A_316 : memref<32x128xf32, #tpu.memory_space<vmem>>) target_semaphore(%arg9 : memref<!tpu.dma_semaphore, #tpu.memory_space<semaphore_mem>>)
    %slice3A_319 = vector.extract_strided_slice %slice3A_171 {offsets = [7], sizes = [1], strides = [1]} : vector<8xi32> to vector<1xi32>
    %squeeze3A_320 = vector.extract %slice3A_319[0] : i32 from vector<1xi32>
    %shift_right_logical3A_321 = arith.constant 7 : i32
    %shift_right_logical3A_322 = arith.shrui %squeeze3A_320, %shift_right_logical3A_321 : i32
    %mul3A_323 = arith.constant 128 : i32
    %mul3A_324 = arith.muli %shift_right_logical3A_322, %mul3A_323 : i32
    %multiple_of3A_325 = tpu.assume_multiple %mul3A_324, 128 : i32
    %dma_start3A_326 = arith.constant 1 : i32
    %dma_start3A_327 = arith.constant 7 : i32
    %dma_start3A_328 = arith.constant 0 : i32
    %dma_start3A_329 = arith.constant 0 : i32
    %dma_start3A_330 = tpu.memref_slice %arg6[%dma_start3A_326, %dma_start3A_327, %dma_start3A_328, %dma_start3A_329] : memref<2x8x32x128xf32, #tpu.memory_space<vmem>> -> memref<1x1x32x128xf32, #tpu.memory_space<vmem>>
    %dma_start3A_331 = tpu.memref_squeeze %dma_start3A_330 : memref<1x1x32x128xf32, #tpu.memory_space<vmem>> -> memref<32x128xf32, #tpu.memory_space<vmem>>
    %dma_start3A_332 = arith.constant 0 : i32
    %dma_start3A_333 = tpu.memref_slice %arg3[%dma_start3A_332, %multiple_of3A_325] : memref<32x1000000xf32, #tpu.memory_space<hbm>> -> memref<32x128xf32, #tpu.memory_space<hbm>>
    %dma_start3A_334 = arith.constant 0 : i32
    %dma_start3A_335 = arith.constant 0 : i32
    %dma_start3A_336 = tpu.memref_slice %arg6[%dma_start3A_326, %dma_start3A_327, %dma_start3A_334, %dma_start3A_335] : memref<2x8x32x128xf32, #tpu.memory_space<vmem>> -> memref<1x1x32x128xf32, #tpu.memory_space<vmem>>
    %dma_start3A_337 = tpu.memref_squeeze %dma_start3A_336 : memref<1x1x32x128xf32, #tpu.memory_space<vmem>> -> memref<32x128xf32, #tpu.memory_space<vmem>>
    %dma_start3A_338 = arith.constant 0 : i32
    %dma_start3A_339 = tpu.memref_slice %arg3[%dma_start3A_338, %multiple_of3A_325] : memref<32x1000000xf32, #tpu.memory_space<hbm>> -> memref<32x128xf32, #tpu.memory_space<hbm>>
    tpu.enqueue_dma source(%dma_start3A_339 : memref<32x128xf32, #tpu.memory_space<hbm>>) target(%dma_start3A_337 : memref<32x128xf32, #tpu.memory_space<vmem>>) target_semaphore(%arg9 : memref<!tpu.dma_semaphore, #tpu.memory_space<semaphore_mem>>)
    %scan3A = arith.constant 0 : i32
    %scan3A_340 = arith.constant 31 : i32
    %scan3A_341 = arith.addi %scan3A, %scan3A_340 : i32
    %scan3A_342 = arith.constant 1 : i32
    %scan3A_343 = scf.for %scan3A_935 = %scan3A to %scan3A_341 step %scan3A_342 iter_args(%scan3A_936 = %get3A_6) -> (vector<16xi32>)  : i32 {
      %add3A_937 = arith.constant 1 : i32
      %add3A_938 = arith.addi %scan3A_935, %add3A_937 : i32
      %mul3A_939 = arith.constant 16 : i32
      %mul3A_940 = arith.muli %add3A_938, %mul3A_939 : i32
      %get3A_941 = arith.index_cast %mul3A_940 : i32 to index
      %get3A_942 = tpu.vector_load %arg5[%get3A_941] {strides = array<i32>} : memref<512xi32, #tpu.memory_space<vmem>>, vector<16xi32>,
      %mul3A_943 = arith.constant 2 : i32
      %mul3A_944 = arith.muli %mul3A_943, %scan3A_935 : i32
      %slice3A_945 = vector.extract_strided_slice %scan3A_936 {offsets = [0], sizes = [8], strides = [1]} : vector<16xi32> to vector<8xi32>
      %dma_wait3A_946 = arith.constant 0 : i32
      %dma_wait3A_947 = arith.constant 0 : i32
      %dma_wait3A_948 = arith.constant 0 : i32
      %dma_wait3A_949 = arith.constant 0 : i32
      %dma_wait3A_950 = tpu.memref_slice %arg6[%dma_wait3A_946, %dma_wait3A_947, %dma_wait3A_948, %dma_wait3A_949] : memref<2x8x32x128xf32, #tpu.memory_space<vmem>> -> memref<1x1x32x128xf32, #tpu.memory_space<vmem>>
      %dma_wait3A_951 = tpu.memref_squeeze %dma_wait3A_950 : memref<1x1x32x128xf32, #tpu.memory_space<vmem>> -> memref<32x128xf32, #tpu.memory_space<vmem>>
      %dma_wait3A_952 = arith.constant 0 : i32
      %dma_wait3A_953 = arith.constant 0 : i32
      %dma_wait3A_954 = tpu.memref_slice %arg3[%dma_wait3A_952, %dma_wait3A_953] : memref<32x1000000xf32, #tpu.memory_space<hbm>> -> memref<32x128xf32, #tpu.memory_space<hbm>>
      %dma_wait3A_955 = arith.constant 0 : i32
      %dma_wait3A_956 = arith.constant 0 : i32
      %dma_wait3A_957 = tpu.memref_slice %arg6[%dma_wait3A_946, %dma_wait3A_947, %dma_wait3A_955, %dma_wait3A_956] : memref<2x8x32x128xf32, #tpu.memory_space<vmem>> -> memref<1x1x32x128xf32, #tpu.memory_space<vmem>>
      %dma_wait3A_958 = tpu.memref_squeeze %dma_wait3A_957 : memref<1x1x32x128xf32, #tpu.memory_space<vmem>> -> memref<32x128xf32, #tpu.memory_space<vmem>>
      %dma_wait3A_959 = arith.constant 0 : i32
      %dma_wait3A_960 = arith.constant 0 : i32
      %dma_wait3A_961 = tpu.memref_slice %arg3[%dma_wait3A_959, %dma_wait3A_960] : memref<32x1000000xf32, #tpu.memory_space<hbm>> -> memref<32x128xf32, #tpu.memory_space<hbm>>
      tpu.wait_dma2 semaphore(%arg8 : memref<!tpu.dma_semaphore, #tpu.memory_space<semaphore_mem>>) src(%dma_wait3A_961 : memref<32x128xf32, #tpu.memory_space<hbm>>) dst(%dma_wait3A_958 : memref<32x128xf32, #tpu.memory_space<vmem>>)
      %dma_wait3A_962 = arith.constant 0 : i32
      %dma_wait3A_963 = arith.constant 1 : i32
      %dma_wait3A_964 = arith.constant 0 : i32
      %dma_wait3A_965 = arith.constant 0 : i32
      %dma_wait3A_966 = tpu.memref_slice %arg6[%dma_wait3A_962, %dma_wait3A_963, %dma_wait3A_964, %dma_wait3A_965] : memref<2x8x32x128xf32, #tpu.memory_space<vmem>> -> memref<1x1x32x128xf32, #tpu.memory_space<vmem>>
      %dma_wait3A_967 = tpu.memref_squeeze %dma_wait3A_966 : memref<1x1x32x128xf32, #tpu.memory_space<vmem>> -> memref<32x128xf32, #tpu.memory_space<vmem>>
      %dma_wait3A_968 = arith.constant 0 : i32
      %dma_wait3A_969 = arith.constant 0 : i32
      %dma_wait3A_970 = tpu.memref_slice %arg3[%dma_wait3A_968, %dma_wait3A_969] : memref<32x1000000xf32, #tpu.memory_space<hbm>> -> memref<32x128xf32, #tpu.memory_space<hbm>>
      %dma_wait3A_971 = arith.constant 0 : i32
      %dma_wait3A_972 = arith.constant 0 : i32
      %dma_wait3A_973 = tpu.memref_slice %arg6[%dma_wait3A_962, %dma_wait3A_963, %dma_wait3A_971, %dma_wait3A_972] : memref<2x8x32x128xf32, #tpu.memory_space<vmem>> -> memref<1x1x32x128xf32, #tpu.memory_space<vmem>>
      %dma_wait3A_974 = tpu.memref_squeeze %dma_wait3A_973 : memref<1x1x32x128xf32, #tpu.memory_space<vmem>> -> memref<32x128xf32, #tpu.memory_space<vmem>>
      %dma_wait3A_975 = arith.constant 0 : i32
      %dma_wait3A_976 = arith.constant 0 : i32
      %dma_wait3A_977 = tpu.memref_slice %arg3[%dma_wait3A_975, %dma_wait3A_976] : memref<32x1000000xf32, #tpu.memory_space<hbm>> -> memref<32x128xf32, #tpu.memory_space<hbm>>
      tpu.wait_dma2 semaphore(%arg8 : memref<!tpu.dma_semaphore, #tpu.memory_space<semaphore_mem>>) src(%dma_wait3A_977 : memref<32x128xf32, #tpu.memory_space<hbm>>) dst(%dma_wait3A_974 : memref<32x128xf32, #tpu.memory_space<vmem>>)
      %dma_wait3A_978 = arith.constant 0 : i32
      %dma_wait3A_979 = arith.constant 2 : i32
      %dma_wait3A_980 = arith.constant 0 : i32
      %dma_wait3A_981 = arith.constant 0 : i32
      %dma_wait3A_982 = tpu.memref_slice %arg6[%dma_wait3A_978, %dma_wait3A_979, %dma_wait3A_980, %dma_wait3A_981] : memref<2x8x32x128xf32, #tpu.memory_space<vmem>> -> memref<1x1x32x128xf32, #tpu.memory_space<vmem>>
      %dma_wait3A_983 = tpu.memref_squeeze %dma_wait3A_982 : memref<1x1x32x128xf32, #tpu.memory_space<vmem>> -> memref<32x128xf32, #tpu.memory_space<vmem>>
      %dma_wait3A_984 = arith.constant 0 : i32
      %dma_wait3A_985 = arith.constant 0 : i32
      %dma_wait3A_986 = tpu.memref_slice %arg3[%dma_wait3A_984, %dma_wait3A_985] : memref<32x1000000xf32, #tpu.memory_space<hbm>> -> memref<32x128xf32, #tpu.memory_space<hbm>>
      %dma_wait3A_987 = arith.constant 0 : i32
      %dma_wait3A_988 = arith.constant 0 : i32
      %dma_wait3A_989 = tpu.memref_slice %arg6[%dma_wait3A_978, %dma_wait3A_979, %dma_wait3A_987, %dma_wait3A_988] : memref<2x8x32x128xf32, #tpu.memory_space<vmem>> -> memref<1x1x32x128xf32, #tpu.memory_space<vmem>>
      %dma_wait3A_990 = tpu.memref_squeeze %dma_wait3A_989 : memref<1x1x32x128xf32, #tpu.memory_space<vmem>> -> memref<32x128xf32, #tpu.memory_space<vmem>>
      %dma_wait3A_991 = arith.constant 0 : i32
      %dma_wait3A_992 = arith.constant 0 : i32
      %dma_wait3A_993 = tpu.memref_slice %arg3[%dma_wait3A_991, %dma_wait3A_992] : memref<32x1000000xf32, #tpu.memory_space<hbm>> -> memref<32x128xf32, #tpu.memory_space<hbm>>
      tpu.wait_dma2 semaphore(%arg8 : memref<!tpu.dma_semaphore, #tpu.memory_space<semaphore_mem>>) src(%dma_wait3A_993 : memref<32x128xf32, #tpu.memory_space<hbm>>) dst(%dma_wait3A_990 : memref<32x128xf32, #tpu.memory_space<vmem>>)
      %dma_wait3A_994 = arith.constant 0 : i32
      %dma_wait3A_995 = arith.constant 3 : i32
      %dma_wait3A_996 = arith.constant 0 : i32
      %dma_wait3A_997 = arith.constant 0 : i32
      %dma_wait3A_998 = tpu.memref_slice %arg6[%dma_wait3A_994, %dma_wait3A_995, %dma_wait3A_996, %dma_wait3A_997] : memref<2x8x32x128xf32, #tpu.memory_space<vmem>> -> memref<1x1x32x128xf32, #tpu.memory_space<vmem>>
      %dma_wait3A_999 = tpu.memref_squeeze %dma_wait3A_998 : memref<1x1x32x128xf32, #tpu.memory_space<vmem>> -> memref<32x128xf32, #tpu.memory_space<vmem>>
      %dma_wait3A_1000 = arith.constant 0 : i32
      %dma_wait3A_1001 = arith.constant 0 : i32
      %dma_wait3A_1002 = tpu.memref_slice %arg3[%dma_wait3A_1000, %dma_wait3A_1001] : memref<32x1000000xf32, #tpu.memory_space<hbm>> -> memref<32x128xf32, #tpu.memory_space<hbm>>
      %dma_wait3A_1003 = arith.constant 0 : i32
      %dma_wait3A_1004 = arith.constant 0 : i32
      %dma_wait3A_1005 = tpu.memref_slice %arg6[%dma_wait3A_994, %dma_wait3A_995, %dma_wait3A_1003, %dma_wait3A_1004] : memref<2x8x32x128xf32, #tpu.memory_space<vmem>> -> memref<1x1x32x128xf32, #tpu.memory_space<vmem>>
      %dma_wait3A_1006 = tpu.memref_squeeze %dma_wait3A_1005 : memref<1x1x32x128xf32, #tpu.memory_space<vmem>> -> memref<32x128xf32, #tpu.memory_space<vmem>>
      %dma_wait3A_1007 = arith.constant 0 : i32
      %dma_wait3A_1008 = arith.constant 0 : i32
      %dma_wait3A_1009 = tpu.memref_slice %arg3[%dma_wait3A_1007, %dma_wait3A_1008] : memref<32x1000000xf32, #tpu.memory_space<hbm>> -> memref<32x128xf32, #tpu.memory_space<hbm>>
      tpu.wait_dma2 semaphore(%arg8 : memref<!tpu.dma_semaphore, #tpu.memory_space<semaphore_mem>>) src(%dma_wait3A_1009 : memref<32x128xf32, #tpu.memory_space<hbm>>) dst(%dma_wait3A_1006 : memref<32x128xf32, #tpu.memory_space<vmem>>)
      %dma_wait3A_1010 = arith.constant 0 : i32
      %dma_wait3A_1011 = arith.constant 4 : i32
      %dma_wait3A_1012 = arith.constant 0 : i32
      %dma_wait3A_1013 = arith.constant 0 : i32
      %dma_wait3A_1014 = tpu.memref_slice %arg6[%dma_wait3A_1010, %dma_wait3A_1011, %dma_wait3A_1012, %dma_wait3A_1013] : memref<2x8x32x128xf32, #tpu.memory_space<vmem>> -> memref<1x1x32x128xf32, #tpu.memory_space<vmem>>
      %dma_wait3A_1015 = tpu.memref_squeeze %dma_wait3A_1014 : memref<1x1x32x128xf32, #tpu.memory_space<vmem>> -> memref<32x128xf32, #tpu.memory_space<vmem>>
      %dma_wait3A_1016 = arith.constant 0 : i32
      %dma_wait3A_1017 = arith.constant 0 : i32
      %dma_wait3A_1018 = tpu.memref_slice %arg3[%dma_wait3A_1016, %dma_wait3A_1017] : memref<32x1000000xf32, #tpu.memory_space<hbm>> -> memref<32x128xf32, #tpu.memory_space<hbm>>
      %dma_wait3A_1019 = arith.constant 0 : i32
      %dma_wait3A_1020 = arith.constant 0 : i32
      %dma_wait3A_1021 = tpu.memref_slice %arg6[%dma_wait3A_1010, %dma_wait3A_1011, %dma_wait3A_1019, %dma_wait3A_1020] : memref<2x8x32x128xf32, #tpu.memory_space<vmem>> -> memref<1x1x32x128xf32, #tpu.memory_space<vmem>>
      %dma_wait3A_1022 = tpu.memref_squeeze %dma_wait3A_1021 : memref<1x1x32x128xf32, #tpu.memory_space<vmem>> -> memref<32x128xf32, #tpu.memory_space<vmem>>
      %dma_wait3A_1023 = arith.constant 0 : i32
      %dma_wait3A_1024 = arith.constant 0 : i32
      %dma_wait3A_1025 = tpu.memref_slice %arg3[%dma_wait3A_1023, %dma_wait3A_1024] : memref<32x1000000xf32, #tpu.memory_space<hbm>> -> memref<32x128xf32, #tpu.memory_space<hbm>>
      tpu.wait_dma2 semaphore(%arg8 : memref<!tpu.dma_semaphore, #tpu.memory_space<semaphore_mem>>) src(%dma_wait3A_1025 : memref<32x128xf32, #tpu.memory_space<hbm>>) dst(%dma_wait3A_1022 : memref<32x128xf32, #tpu.memory_space<vmem>>)
      %dma_wait3A_1026 = arith.constant 0 : i32
      %dma_wait3A_1027 = arith.constant 5 : i32
      %dma_wait3A_1028 = arith.constant 0 : i32
      %dma_wait3A_1029 = arith.constant 0 : i32
      %dma_wait3A_1030 = tpu.memref_slice %arg6[%dma_wait3A_1026, %dma_wait3A_1027, %dma_wait3A_1028, %dma_wait3A_1029] : memref<2x8x32x128xf32, #tpu.memory_space<vmem>> -> memref<1x1x32x128xf32, #tpu.memory_space<vmem>>
      %dma_wait3A_1031 = tpu.memref_squeeze %dma_wait3A_1030 : memref<1x1x32x128xf32, #tpu.memory_space<vmem>> -> memref<32x128xf32, #tpu.memory_space<vmem>>
      %dma_wait3A_1032 = arith.constant 0 : i32
      %dma_wait3A_1033 = arith.constant 0 : i32
      %dma_wait3A_1034 = tpu.memref_slice %arg3[%dma_wait3A_1032, %dma_wait3A_1033] : memref<32x1000000xf32, #tpu.memory_space<hbm>> -> memref<32x128xf32, #tpu.memory_space<hbm>>
      %dma_wait3A_1035 = arith.constant 0 : i32
      %dma_wait3A_1036 = arith.constant 0 : i32
      %dma_wait3A_1037 = tpu.memref_slice %arg6[%dma_wait3A_1026, %dma_wait3A_1027, %dma_wait3A_1035, %dma_wait3A_1036] : memref<2x8x32x128xf32, #tpu.memory_space<vmem>> -> memref<1x1x32x128xf32, #tpu.memory_space<vmem>>
      %dma_wait3A_1038 = tpu.memref_squeeze %dma_wait3A_1037 : memref<1x1x32x128xf32, #tpu.memory_space<vmem>> -> memref<32x128xf32, #tpu.memory_space<vmem>>
      %dma_wait3A_1039 = arith.constant 0 : i32
      %dma_wait3A_1040 = arith.constant 0 : i32
      %dma_wait3A_1041 = tpu.memref_slice %arg3[%dma_wait3A_1039, %dma_wait3A_1040] : memref<32x1000000xf32, #tpu.memory_space<hbm>> -> memref<32x128xf32, #tpu.memory_space<hbm>>
      tpu.wait_dma2 semaphore(%arg8 : memref<!tpu.dma_semaphore, #tpu.memory_space<semaphore_mem>>) src(%dma_wait3A_1041 : memref<32x128xf32, #tpu.memory_space<hbm>>) dst(%dma_wait3A_1038 : memref<32x128xf32, #tpu.memory_space<vmem>>)
      %dma_wait3A_1042 = arith.constant 0 : i32
      %dma_wait3A_1043 = arith.constant 6 : i32
      %dma_wait3A_1044 = arith.constant 0 : i32
      %dma_wait3A_1045 = arith.constant 0 : i32
      %dma_wait3A_1046 = tpu.memref_slice %arg6[%dma_wait3A_1042, %dma_wait3A_1043, %dma_wait3A_1044, %dma_wait3A_1045] : memref<2x8x32x128xf32, #tpu.memory_space<vmem>> -> memref<1x1x32x128xf32, #tpu.memory_space<vmem>>
      %dma_wait3A_1047 = tpu.memref_squeeze %dma_wait3A_1046 : memref<1x1x32x128xf32, #tpu.memory_space<vmem>> -> memref<32x128xf32, #tpu.memory_space<vmem>>
      %dma_wait3A_1048 = arith.constant 0 : i32
      %dma_wait3A_1049 = arith.constant 0 : i32
      %dma_wait3A_1050 = tpu.memref_slice %arg3[%dma_wait3A_1048, %dma_wait3A_1049] : memref<32x1000000xf32, #tpu.memory_space<hbm>> -> memref<32x128xf32, #tpu.memory_space<hbm>>
      %dma_wait3A_1051 = arith.constant 0 : i32
      %dma_wait3A_1052 = arith.constant 0 : i32
      %dma_wait3A_1053 = tpu.memref_slice %arg6[%dma_wait3A_1042, %dma_wait3A_1043, %dma_wait3A_1051, %dma_wait3A_1052] : memref<2x8x32x128xf32, #tpu.memory_space<vmem>> -> memref<1x1x32x128xf32, #tpu.memory_space<vmem>>
      %dma_wait3A_1054 = tpu.memref_squeeze %dma_wait3A_1053 : memref<1x1x32x128xf32, #tpu.memory_space<vmem>> -> memref<32x128xf32, #tpu.memory_space<vmem>>
      %dma_wait3A_1055 = arith.constant 0 : i32
      %dma_wait3A_1056 = arith.constant 0 : i32
      %dma_wait3A_1057 = tpu.memref_slice %arg3[%dma_wait3A_1055, %dma_wait3A_1056] : memref<32x1000000xf32, #tpu.memory_space<hbm>> -> memref<32x128xf32, #tpu.memory_space<hbm>>
      tpu.wait_dma2 semaphore(%arg8 : memref<!tpu.dma_semaphore, #tpu.memory_space<semaphore_mem>>) src(%dma_wait3A_1057 : memref<32x128xf32, #tpu.memory_space<hbm>>) dst(%dma_wait3A_1054 : memref<32x128xf32, #tpu.memory_space<vmem>>)
      %dma_wait3A_1058 = arith.constant 0 : i32
      %dma_wait3A_1059 = arith.constant 7 : i32
      %dma_wait3A_1060 = arith.constant 0 : i32
      %dma_wait3A_1061 = arith.constant 0 : i32
      %dma_wait3A_1062 = tpu.memref_slice %arg6[%dma_wait3A_1058, %dma_wait3A_1059, %dma_wait3A_1060, %dma_wait3A_1061] : memref<2x8x32x128xf32, #tpu.memory_space<vmem>> -> memref<1x1x32x128xf32, #tpu.memory_space<vmem>>
      %dma_wait3A_1063 = tpu.memref_squeeze %dma_wait3A_1062 : memref<1x1x32x128xf32, #tpu.memory_space<vmem>> -> memref<32x128xf32, #tpu.memory_space<vmem>>
      %dma_wait3A_1064 = arith.constant 0 : i32
      %dma_wait3A_1065 = arith.constant 0 : i32
      %dma_wait3A_1066 = tpu.memref_slice %arg3[%dma_wait3A_1064, %dma_wait3A_1065] : memref<32x1000000xf32, #tpu.memory_space<hbm>> -> memref<32x128xf32, #tpu.memory_space<hbm>>
      %dma_wait3A_1067 = arith.constant 0 : i32
      %dma_wait3A_1068 = arith.constant 0 : i32
      %dma_wait3A_1069 = tpu.memref_slice %arg6[%dma_wait3A_1058, %dma_wait3A_1059, %dma_wait3A_1067, %dma_wait3A_1068] : memref<2x8x32x128xf32, #tpu.memory_space<vmem>> -> memref<1x1x32x128xf32, #tpu.memory_space<vmem>>
      %dma_wait3A_1070 = tpu.memref_squeeze %dma_wait3A_1069 : memref<1x1x32x128xf32, #tpu.memory_space<vmem>> -> memref<32x128xf32, #tpu.memory_space<vmem>>
      %dma_wait3A_1071 = arith.constant 0 : i32
      %dma_wait3A_1072 = arith.constant 0 : i32
      %dma_wait3A_1073 = tpu.memref_slice %arg3[%dma_wait3A_1071, %dma_wait3A_1072] : memref<32x1000000xf32, #tpu.memory_space<hbm>> -> memref<32x128xf32, #tpu.memory_space<hbm>>
      tpu.wait_dma2 semaphore(%arg8 : memref<!tpu.dma_semaphore, #tpu.memory_space<semaphore_mem>>) src(%dma_wait3A_1073 : memref<32x128xf32, #tpu.memory_space<hbm>>) dst(%dma_wait3A_1070 : memref<32x128xf32, #tpu.memory_space<vmem>>)
      %slice3A_1074 = vector.extract_strided_slice %slice3A_945 {offsets = [0], sizes = [1], strides = [1]} : vector<8xi32> to vector<1xi32>
      %squeeze3A_1075 = vector.extract %slice3A_1074[0] : i32 from vector<1xi32>
      %and3A_1076 = arith.constant 127 : i32
      %and3A_1077 = arith.andi %squeeze3A_1075, %and3A_1076 : i32
      %broadcast_in_dim3A_1078 = vector.broadcast %and3A_1077 : i32 to vector<16xi32>
      %mul3A_1079 = arith.constant 8 : i32
      %mul3A_1080 = arith.muli %mul3A_944, %mul3A_1079 : i32
      %add3A_1081 = arith.constant 0 : i32
      %add3A_1082 = arith.addi %mul3A_1080, %add3A_1081 : i32
      %broadcast_in_dim3A_1083 = vector.broadcast %add3A_1082 : i32 to vector<16xi32>
      %gather3A_1084 = arith.constant 0 : i32
      %gather3A_1085 = arith.constant 0 : i32
      %gather3A_1086 = arith.constant 0 : i32
      %gather3A_1087 = arith.constant 0 : i32
      %gather3A_1088 = tpu.memref_slice %arg6[%gather3A_1084, %gather3A_1085, %gather3A_1086, %gather3A_1087] : memref<2x8x32x128xf32, #tpu.memory_space<vmem>> -> memref<1x1x32x128xf32, #tpu.memory_space<vmem>>
      %gather3A_1089 = tpu.memref_squeeze %gather3A_1088 : memref<1x1x32x128xf32, #tpu.memory_space<vmem>> -> memref<32x128xf32, #tpu.memory_space<vmem>>
      %gather3A_1090 = tpu.vector_load_idx %gather3A_1089[%iota3A, %broadcast_in_dim3A_1078] : memref<32x128xf32, #tpu.memory_space<vmem>>[vector<16xi32>, vector<16xi32>], vector<16xf32>,
      %gather3A_1091 = arith.constant 0 : i32
      %gather3A_1092 = arith.constant 0 : i32
      %gather3A_1093 = arith.constant 0 : i32
      %gather3A_1094 = arith.constant 0 : i32
      %gather3A_1095 = tpu.memref_slice %arg6[%gather3A_1091, %gather3A_1092, %gather3A_1093, %gather3A_1094] : memref<2x8x32x128xf32, #tpu.memory_space<vmem>> -> memref<1x1x32x128xf32, #tpu.memory_space<vmem>>
      %gather3A_1096 = tpu.memref_squeeze %gather3A_1095 : memref<1x1x32x128xf32, #tpu.memory_space<vmem>> -> memref<32x128xf32, #tpu.memory_space<vmem>>
      %gather3A_1097 = tpu.vector_load_idx %gather3A_1096[%add3A_5, %broadcast_in_dim3A_1078] : memref<32x128xf32, #tpu.memory_space<vmem>>[vector<16xi32>, vector<16xi32>], vector<16xf32>,
      tpu.vector_store_idx %arg7[%iota3A, %broadcast_in_dim3A_1083], %gather3A_1090 : memref<32x512xf32, #tpu.memory_space<vmem>>[vector<16xi32>, vector<16xi32>], vector<16xf32>,
      tpu.vector_store_idx %arg7[%add3A_5, %broadcast_in_dim3A_1083], %gather3A_1097 : memref<32x512xf32, #tpu.memory_space<vmem>>[vector<16xi32>, vector<16xi32>], vector<16xf32>,
      %slice3A_1098 = vector.extract_strided_slice %slice3A_945 {offsets = [1], sizes = [1], strides = [1]} : vector<8xi32> to vector<1xi32>
      %squeeze3A_1099 = vector.extract %slice3A_1098[0] : i32 from vector<1xi32>
      %and3A_1100 = arith.constant 127 : i32
      %and3A_1101 = arith.andi %squeeze3A_1099, %and3A_1100 : i32
      %broadcast_in_dim3A_1102 = vector.broadcast %and3A_1101 : i32 to vector<16xi32>
      %mul3A_1103 = arith.constant 8 : i32
      %mul3A_1104 = arith.muli %mul3A_944, %mul3A_1103 : i32
      %add3A_1105 = arith.constant 1 : i32
      %add3A_1106 = arith.addi %mul3A_1104, %add3A_1105 : i32
      %broadcast_in_dim3A_1107 = vector.broadcast %add3A_1106 : i32 to vector<16xi32>
      %gather3A_1108 = arith.constant 0 : i32
      %gather3A_1109 = arith.constant 1 : i32
      %gather3A_1110 = arith.constant 0 : i32
      %gather3A_1111 = arith.constant 0 : i32
      %gather3A_1112 = tpu.memref_slice %arg6[%gather3A_1108, %gather3A_1109, %gather3A_1110, %gather3A_1111] : memref<2x8x32x128xf32, #tpu.memory_space<vmem>> -> memref<1x1x32x128xf32, #tpu.memory_space<vmem>>
      %gather3A_1113 = tpu.memref_squeeze %gather3A_1112 : memref<1x1x32x128xf32, #tpu.memory_space<vmem>> -> memref<32x128xf32, #tpu.memory_space<vmem>>
      %gather3A_1114 = tpu.vector_load_idx %gather3A_1113[%iota3A, %broadcast_in_dim3A_1102] : memref<32x128xf32, #tpu.memory_space<vmem>>[vector<16xi32>, vector<16xi32>], vector<16xf32>,
      %gather3A_1115 = arith.constant 0 : i32
      %gather3A_1116 = arith.constant 1 : i32
      %gather3A_1117 = arith.constant 0 : i32
      %gather3A_1118 = arith.constant 0 : i32
      %gather3A_1119 = tpu.memref_slice %arg6[%gather3A_1115, %gather3A_1116, %gather3A_1117, %gather3A_1118] : memref<2x8x32x128xf32, #tpu.memory_space<vmem>> -> memref<1x1x32x128xf32, #tpu.memory_space<vmem>>
      %gather3A_1120 = tpu.memref_squeeze %gather3A_1119 : memref<1x1x32x128xf32, #tpu.memory_space<vmem>> -> memref<32x128xf32, #tpu.memory_space<vmem>>
      %gather3A_1121 = tpu.vector_load_idx %gather3A_1120[%add3A_5, %broadcast_in_dim3A_1102] : memref<32x128xf32, #tpu.memory_space<vmem>>[vector<16xi32>, vector<16xi32>], vector<16xf32>,
      tpu.vector_store_idx %arg7[%iota3A, %broadcast_in_dim3A_1107], %gather3A_1114 : memref<32x512xf32, #tpu.memory_space<vmem>>[vector<16xi32>, vector<16xi32>], vector<16xf32>,
      tpu.vector_store_idx %arg7[%add3A_5, %broadcast_in_dim3A_1107], %gather3A_1121 : memref<32x512xf32, #tpu.memory_space<vmem>>[vector<16xi32>, vector<16xi32>], vector<16xf32>,
      %slice3A_1122 = vector.extract_strided_slice %slice3A_945 {offsets = [2], sizes = [1], strides = [1]} : vector<8xi32> to vector<1xi32>
      %squeeze3A_1123 = vector.extract %slice3A_1122[0] : i32 from vector<1xi32>
      %and3A_1124 = arith.constant 127 : i32
      %and3A_1125 = arith.andi %squeeze3A_1123, %and3A_1124 : i32
      %broadcast_in_dim3A_1126 = vector.broadcast %and3A_1125 : i32 to vector<16xi32>
      %mul3A_1127 = arith.constant 8 : i32
      %mul3A_1128 = arith.muli %mul3A_944, %mul3A_1127 : i32
      %add3A_1129 = arith.constant 2 : i32
      %add3A_1130 = arith.addi %mul3A_1128, %add3A_1129 : i32
      %broadcast_in_dim3A_1131 = vector.broadcast %add3A_1130 : i32 to vector<16xi32>
      %gather3A_1132 = arith.constant 0 : i32
      %gather3A_1133 = arith.constant 2 : i32
      %gather3A_1134 = arith.constant 0 : i32
      %gather3A_1135 = arith.constant 0 : i32
      %gather3A_1136 = tpu.memref_slice %arg6[%gather3A_1132, %gather3A_1133, %gather3A_1134, %gather3A_1135] : memref<2x8x32x128xf32, #tpu.memory_space<vmem>> -> memref<1x1x32x128xf32, #tpu.memory_space<vmem>>
      %gather3A_1137 = tpu.memref_squeeze %gather3A_1136 : memref<1x1x32x128xf32, #tpu.memory_space<vmem>> -> memref<32x128xf32, #tpu.memory_space<vmem>>
      %gather3A_1138 = tpu.vector_load_idx %gather3A_1137[%iota3A, %broadcast_in_dim3A_1126] : memref<32x128xf32, #tpu.memory_space<vmem>>[vector<16xi32>, vector<16xi32>], vector<16xf32>,
      %gather3A_1139 = arith.constant 0 : i32
      %gather3A_1140 = arith.constant 2 : i32
      %gather3A_1141 = arith.constant 0 : i32
      %gather3A_1142 = arith.constant 0 : i32
      %gather3A_1143 = tpu.memref_slice %arg6[%gather3A_1139, %gather3A_1140, %gather3A_1141, %gather3A_1142] : memref<2x8x32x128xf32, #tpu.memory_space<vmem>> -> memref<1x1x32x128xf32, #tpu.memory_space<vmem>>
      %gather3A_1144 = tpu.memref_squeeze %gather3A_1143 : memref<1x1x32x128xf32, #tpu.memory_space<vmem>> -> memref<32x128xf32, #tpu.memory_space<vmem>>
      %gather3A_1145 = tpu.vector_load_idx %gather3A_1144[%add3A_5, %broadcast_in_dim3A_1126] : memref<32x128xf32, #tpu.memory_space<vmem>>[vector<16xi32>, vector<16xi32>], vector<16xf32>,
      tpu.vector_store_idx %arg7[%iota3A, %broadcast_in_dim3A_1131], %gather3A_1138 : memref<32x512xf32, #tpu.memory_space<vmem>>[vector<16xi32>, vector<16xi32>], vector<16xf32>,
      tpu.vector_store_idx %arg7[%add3A_5, %broadcast_in_dim3A_1131], %gather3A_1145 : memref<32x512xf32, #tpu.memory_space<vmem>>[vector<16xi32>, vector<16xi32>], vector<16xf32>,
      %slice3A_1146 = vector.extract_strided_slice %slice3A_945 {offsets = [3], sizes = [1], strides = [1]} : vector<8xi32> to vector<1xi32>
      %squeeze3A_1147 = vector.extract %slice3A_1146[0] : i32 from vector<1xi32>
      %and3A_1148 = arith.constant 127 : i32
      %and3A_1149 = arith.andi %squeeze3A_1147, %and3A_1148 : i32
      %broadcast_in_dim3A_1150 = vector.broadcast %and3A_1149 : i32 to vector<16xi32>
      %mul3A_1151 = arith.constant 8 : i32
      %mul3A_1152 = arith.muli %mul3A_944, %mul3A_1151 : i32
      %add3A_1153 = arith.constant 3 : i32
      %add3A_1154 = arith.addi %mul3A_1152, %add3A_1153 : i32
      %broadcast_in_dim3A_1155 = vector.broadcast %add3A_1154 : i32 to vector<16xi32>
      %gather3A_1156 = arith.constant 0 : i32
      %gather3A_1157 = arith.constant 3 : i32
      %gather3A_1158 = arith.constant 0 : i32
      %gather3A_1159 = arith.constant 0 : i32
      %gather3A_1160 = tpu.memref_slice %arg6[%gather3A_1156, %gather3A_1157, %gather3A_1158, %gather3A_1159] : memref<2x8x32x128xf32, #tpu.memory_space<vmem>> -> memref<1x1x32x128xf32, #tpu.memory_space<vmem>>
      %gather3A_1161 = tpu.memref_squeeze %gather3A_1160 : memref<1x1x32x128xf32, #tpu.memory_space<vmem>> -> memref<32x128xf32, #tpu.memory_space<vmem>>
      %gather3A_1162 = tpu.vector_load_idx %gather3A_1161[%iota3A, %broadcast_in_dim3A_1150] : memref<32x128xf32, #tpu.memory_space<vmem>>[vector<16xi32>, vector<16xi32>], vector<16xf32>,
      %gather3A_1163 = arith.constant 0 : i32
      %gather3A_1164 = arith.constant 3 : i32
      %gather3A_1165 = arith.constant 0 : i32
      %gather3A_1166 = arith.constant 0 : i32
      %gather3A_1167 = tpu.memref_slice %arg6[%gather3A_1163, %gather3A_1164, %gather3A_1165, %gather3A_1166] : memref<2x8x32x128xf32, #tpu.memory_space<vmem>> -> memref<1x1x32x128xf32, #tpu.memory_space<vmem>>
      %gather3A_1168 = tpu.memref_squeeze %gather3A_1167 : memref<1x1x32x128xf32, #tpu.memory_space<vmem>> -> memref<32x128xf32, #tpu.memory_space<vmem>>
      %gather3A_1169 = tpu.vector_load_idx %gather3A_1168[%add3A_5, %broadcast_in_dim3A_1150] : memref<32x128xf32, #tpu.memory_space<vmem>>[vector<16xi32>, vector<16xi32>], vector<16xf32>,
      tpu.vector_store_idx %arg7[%iota3A, %broadcast_in_dim3A_1155], %gather3A_1162 : memref<32x512xf32, #tpu.memory_space<vmem>>[vector<16xi32>, vector<16xi32>], vector<16xf32>,
      tpu.vector_store_idx %arg7[%add3A_5, %broadcast_in_dim3A_1155], %gather3A_1169 : memref<32x512xf32, #tpu.memory_space<vmem>>[vector<16xi32>, vector<16xi32>], vector<16xf32>,
      %slice3A_1170 = vector.extract_strided_slice %slice3A_945 {offsets = [4], sizes = [1], strides = [1]} : vector<8xi32> to vector<1xi32>
      %squeeze3A_1171 = vector.extract %slice3A_1170[0] : i32 from vector<1xi32>
      %and3A_1172 = arith.constant 127 : i32
      %and3A_1173 = arith.andi %squeeze3A_1171, %and3A_1172 : i32
      %broadcast_in_dim3A_1174 = vector.broadcast %and3A_1173 : i32 to vector<16xi32>
      %mul3A_1175 = arith.constant 8 : i32
      %mul3A_1176 = arith.muli %mul3A_944, %mul3A_1175 : i32
      %add3A_1177 = arith.constant 4 : i32
      %add3A_1178 = arith.addi %mul3A_1176, %add3A_1177 : i32
      %broadcast_in_dim3A_1179 = vector.broadcast %add3A_1178 : i32 to vector<16xi32>
      %gather3A_1180 = arith.constant 0 : i32
      %gather3A_1181 = arith.constant 4 : i32
      %gather3A_1182 = arith.constant 0 : i32
      %gather3A_1183 = arith.constant 0 : i32
      %gather3A_1184 = tpu.memref_slice %arg6[%gather3A_1180, %gather3A_1181, %gather3A_1182, %gather3A_1183] : memref<2x8x32x128xf32, #tpu.memory_space<vmem>> -> memref<1x1x32x128xf32, #tpu.memory_space<vmem>>
      %gather3A_1185 = tpu.memref_squeeze %gather3A_1184 : memref<1x1x32x128xf32, #tpu.memory_space<vmem>> -> memref<32x128xf32, #tpu.memory_space<vmem>>
      %gather3A_1186 = tpu.vector_load_idx %gather3A_1185[%iota3A, %broadcast_in_dim3A_1174] : memref<32x128xf32, #tpu.memory_space<vmem>>[vector<16xi32>, vector<16xi32>], vector<16xf32>,
      %gather3A_1187 = arith.constant 0 : i32
      %gather3A_1188 = arith.constant 4 : i32
      %gather3A_1189 = arith.constant 0 : i32
      %gather3A_1190 = arith.constant 0 : i32
      %gather3A_1191 = tpu.memref_slice %arg6[%gather3A_1187, %gather3A_1188, %gather3A_1189, %gather3A_1190] : memref<2x8x32x128xf32, #tpu.memory_space<vmem>> -> memref<1x1x32x128xf32, #tpu.memory_space<vmem>>
      %gather3A_1192 = tpu.memref_squeeze %gather3A_1191 : memref<1x1x32x128xf32, #tpu.memory_space<vmem>> -> memref<32x128xf32, #tpu.memory_space<vmem>>
      %gather3A_1193 = tpu.vector_load_idx %gather3A_1192[%add3A_5, %broadcast_in_dim3A_1174] : memref<32x128xf32, #tpu.memory_space<vmem>>[vector<16xi32>, vector<16xi32>], vector<16xf32>,
      tpu.vector_store_idx %arg7[%iota3A, %broadcast_in_dim3A_1179], %gather3A_1186 : memref<32x512xf32, #tpu.memory_space<vmem>>[vector<16xi32>, vector<16xi32>], vector<16xf32>,
      tpu.vector_store_idx %arg7[%add3A_5, %broadcast_in_dim3A_1179], %gather3A_1193 : memref<32x512xf32, #tpu.memory_space<vmem>>[vector<16xi32>, vector<16xi32>], vector<16xf32>,
      %slice3A_1194 = vector.extract_strided_slice %slice3A_945 {offsets = [5], sizes = [1], strides = [1]} : vector<8xi32> to vector<1xi32>
      %squeeze3A_1195 = vector.extract %slice3A_1194[0] : i32 from vector<1xi32>
      %and3A_1196 = arith.constant 127 : i32
      %and3A_1197 = arith.andi %squeeze3A_1195, %and3A_1196 : i32
      %broadcast_in_dim3A_1198 = vector.broadcast %and3A_1197 : i32 to vector<16xi32>
      %mul3A_1199 = arith.constant 8 : i32
      %mul3A_1200 = arith.muli %mul3A_944, %mul3A_1199 : i32
      %add3A_1201 = arith.constant 5 : i32
      %add3A_1202 = arith.addi %mul3A_1200, %add3A_1201 : i32
      %broadcast_in_dim3A_1203 = vector.broadcast %add3A_1202 : i32 to vector<16xi32>
      %gather3A_1204 = arith.constant 0 : i32
      %gather3A_1205 = arith.constant 5 : i32
      %gather3A_1206 = arith.constant 0 : i32
      %gather3A_1207 = arith.constant 0 : i32
      %gather3A_1208 = tpu.memref_slice %arg6[%gather3A_1204, %gather3A_1205, %gather3A_1206, %gather3A_1207] : memref<2x8x32x128xf32, #tpu.memory_space<vmem>> -> memref<1x1x32x128xf32, #tpu.memory_space<vmem>>
      %gather3A_1209 = tpu.memref_squeeze %gather3A_1208 : memref<1x1x32x128xf32, #tpu.memory_space<vmem>> -> memref<32x128xf32, #tpu.memory_space<vmem>>
      %gather3A_1210 = tpu.vector_load_idx %gather3A_1209[%iota3A, %broadcast_in_dim3A_1198] : memref<32x128xf32, #tpu.memory_space<vmem>>[vector<16xi32>, vector<16xi32>], vector<16xf32>,
      %gather3A_1211 = arith.constant 0 : i32
      %gather3A_1212 = arith.constant 5 : i32
      %gather3A_1213 = arith.constant 0 : i32
      %gather3A_1214 = arith.constant 0 : i32
      %gather3A_1215 = tpu.memref_slice %arg6[%gather3A_1211, %gather3A_1212, %gather3A_1213, %gather3A_1214] : memref<2x8x32x128xf32, #tpu.memory_space<vmem>> -> memref<1x1x32x128xf32, #tpu.memory_space<vmem>>
      %gather3A_1216 = tpu.memref_squeeze %gather3A_1215 : memref<1x1x32x128xf32, #tpu.memory_space<vmem>> -> memref<32x128xf32, #tpu.memory_space<vmem>>
      %gather3A_1217 = tpu.vector_load_idx %gather3A_1216[%add3A_5, %broadcast_in_dim3A_1198] : memref<32x128xf32, #tpu.memory_space<vmem>>[vector<16xi32>, vector<16xi32>], vector<16xf32>,
      tpu.vector_store_idx %arg7[%iota3A, %broadcast_in_dim3A_1203], %gather3A_1210 : memref<32x512xf32, #tpu.memory_space<vmem>>[vector<16xi32>, vector<16xi32>], vector<16xf32>,
      tpu.vector_store_idx %arg7[%add3A_5, %broadcast_in_dim3A_1203], %gather3A_1217 : memref<32x512xf32, #tpu.memory_space<vmem>>[vector<16xi32>, vector<16xi32>], vector<16xf32>,
      %slice3A_1218 = vector.extract_strided_slice %slice3A_945 {offsets = [6], sizes = [1], strides = [1]} : vector<8xi32> to vector<1xi32>
      %squeeze3A_1219 = vector.extract %slice3A_1218[0] : i32 from vector<1xi32>
      %and3A_1220 = arith.constant 127 : i32
      %and3A_1221 = arith.andi %squeeze3A_1219, %and3A_1220 : i32
      %broadcast_in_dim3A_1222 = vector.broadcast %and3A_1221 : i32 to vector<16xi32>
      %mul3A_1223 = arith.constant 8 : i32
      %mul3A_1224 = arith.muli %mul3A_944, %mul3A_1223 : i32
      %add3A_1225 = arith.constant 6 : i32
      %add3A_1226 = arith.addi %mul3A_1224, %add3A_1225 : i32
      %broadcast_in_dim3A_1227 = vector.broadcast %add3A_1226 : i32 to vector<16xi32>
      %gather3A_1228 = arith.constant 0 : i32
      %gather3A_1229 = arith.constant 6 : i32
      %gather3A_1230 = arith.constant 0 : i32
      %gather3A_1231 = arith.constant 0 : i32
      %gather3A_1232 = tpu.memref_slice %arg6[%gather3A_1228, %gather3A_1229, %gather3A_1230, %gather3A_1231] : memref<2x8x32x128xf32, #tpu.memory_space<vmem>> -> memref<1x1x32x128xf32, #tpu.memory_space<vmem>>
      %gather3A_1233 = tpu.memref_squeeze %gather3A_1232 : memref<1x1x32x128xf32, #tpu.memory_space<vmem>> -> memref<32x128xf32, #tpu.memory_space<vmem>>
      %gather3A_1234 = tpu.vector_load_idx %gather3A_1233[%iota3A, %broadcast_in_dim3A_1222] : memref<32x128xf32, #tpu.memory_space<vmem>>[vector<16xi32>, vector<16xi32>], vector<16xf32>,
      %gather3A_1235 = arith.constant 0 : i32
      %gather3A_1236 = arith.constant 6 : i32
      %gather3A_1237 = arith.constant 0 : i32
      %gather3A_1238 = arith.constant 0 : i32
      %gather3A_1239 = tpu.memref_slice %arg6[%gather3A_1235, %gather3A_1236, %gather3A_1237, %gather3A_1238] : memref<2x8x32x128xf32, #tpu.memory_space<vmem>> -> memref<1x1x32x128xf32, #tpu.memory_space<vmem>>
      %gather3A_1240 = tpu.memref_squeeze %gather3A_1239 : memref<1x1x32x128xf32, #tpu.memory_space<vmem>> -> memref<32x128xf32, #tpu.memory_space<vmem>>
      %gather3A_1241 = tpu.vector_load_idx %gather3A_1240[%add3A_5, %broadcast_in_dim3A_1222] : memref<32x128xf32, #tpu.memory_space<vmem>>[vector<16xi32>, vector<16xi32>], vector<16xf32>,
      tpu.vector_store_idx %arg7[%iota3A, %broadcast_in_dim3A_1227], %gather3A_1234 : memref<32x512xf32, #tpu.memory_space<vmem>>[vector<16xi32>, vector<16xi32>], vector<16xf32>,
      tpu.vector_store_idx %arg7[%add3A_5, %broadcast_in_dim3A_1227], %gather3A_1241 : memref<32x512xf32, #tpu.memory_space<vmem>>[vector<16xi32>, vector<16xi32>], vector<16xf32>,
      %slice3A_1242 = vector.extract_strided_slice %slice3A_945 {offsets = [7], sizes = [1], strides = [1]} : vector<8xi32> to vector<1xi32>
      %squeeze3A_1243 = vector.extract %slice3A_1242[0] : i32 from vector<1xi32>
      %and3A_1244 = arith.constant 127 : i32
      %and3A_1245 = arith.andi %squeeze3A_1243, %and3A_1244 : i32
      %broadcast_in_dim3A_1246 = vector.broadcast %and3A_1245 : i32 to vector<16xi32>
      %mul3A_1247 = arith.constant 8 : i32
      %mul3A_1248 = arith.muli %mul3A_944, %mul3A_1247 : i32
      %add3A_1249 = arith.constant 7 : i32
      %add3A_1250 = arith.addi %mul3A_1248, %add3A_1249 : i32
      %broadcast_in_dim3A_1251 = vector.broadcast %add3A_1250 : i32 to vector<16xi32>
      %gather3A_1252 = arith.constant 0 : i32
      %gather3A_1253 = arith.constant 7 : i32
      %gather3A_1254 = arith.constant 0 : i32
      %gather3A_1255 = arith.constant 0 : i32
      %gather3A_1256 = tpu.memref_slice %arg6[%gather3A_1252, %gather3A_1253, %gather3A_1254, %gather3A_1255] : memref<2x8x32x128xf32, #tpu.memory_space<vmem>> -> memref<1x1x32x128xf32, #tpu.memory_space<vmem>>
      %gather3A_1257 = tpu.memref_squeeze %gather3A_1256 : memref<1x1x32x128xf32, #tpu.memory_space<vmem>> -> memref<32x128xf32, #tpu.memory_space<vmem>>
      %gather3A_1258 = tpu.vector_load_idx %gather3A_1257[%iota3A, %broadcast_in_dim3A_1246] : memref<32x128xf32, #tpu.memory_space<vmem>>[vector<16xi32>, vector<16xi32>], vector<16xf32>,
      %gather3A_1259 = arith.constant 0 : i32
      %gather3A_1260 = arith.constant 7 : i32
      %gather3A_1261 = arith.constant 0 : i32
      %gather3A_1262 = arith.constant 0 : i32
      %gather3A_1263 = tpu.memref_slice %arg6[%gather3A_1259, %gather3A_1260, %gather3A_1261, %gather3A_1262] : memref<2x8x32x128xf32, #tpu.memory_space<vmem>> -> memref<1x1x32x128xf32, #tpu.memory_space<vmem>>
      %gather3A_1264 = tpu.memref_squeeze %gather3A_1263 : memref<1x1x32x128xf32, #tpu.memory_space<vmem>> -> memref<32x128xf32, #tpu.memory_space<vmem>>
      %gather3A_1265 = tpu.vector_load_idx %gather3A_1264[%add3A_5, %broadcast_in_dim3A_1246] : memref<32x128xf32, #tpu.memory_space<vmem>>[vector<16xi32>, vector<16xi32>], vector<16xf32>,
      tpu.vector_store_idx %arg7[%iota3A, %broadcast_in_dim3A_1251], %gather3A_1258 : memref<32x512xf32, #tpu.memory_space<vmem>>[vector<16xi32>, vector<16xi32>], vector<16xf32>,
      tpu.vector_store_idx %arg7[%add3A_5, %broadcast_in_dim3A_1251], %gather3A_1265 : memref<32x512xf32, #tpu.memory_space<vmem>>[vector<16xi32>, vector<16xi32>], vector<16xf32>,
      %slice3A_1266 = vector.extract_strided_slice %get3A_942 {offsets = [0], sizes = [8], strides = [1]} : vector<16xi32> to vector<8xi32>
      %slice3A_1267 = vector.extract_strided_slice %slice3A_1266 {offsets = [0], sizes = [1], strides = [1]} : vector<8xi32> to vector<1xi32>
      %squeeze3A_1268 = vector.extract %slice3A_1267[0] : i32 from vector<1xi32>
      %shift_right_logical3A_1269 = arith.constant 7 : i32
      %shift_right_logical3A_1270 = arith.shrui %squeeze3A_1268, %shift_right_logical3A_1269 : i32
      %mul3A_1271 = arith.constant 128 : i32
      %mul3A_1272 = arith.muli %shift_right_logical3A_1270, %mul3A_1271 : i32
      %multiple_of3A_1273 = tpu.assume_multiple %mul3A_1272, 128 : i32
      %dma_start3A_1274 = arith.constant 0 : i32
      %dma_start3A_1275 = arith.constant 0 : i32
      %dma_start3A_1276 = arith.constant 0 : i32
      %dma_start3A_1277 = arith.constant 0 : i32
      %dma_start3A_1278 = tpu.memref_slice %arg6[%dma_start3A_1274, %dma_start3A_1275, %dma_start3A_1276, %dma_start3A_1277] : memref<2x8x32x128xf32, #tpu.memory_space<vmem>> -> memref<1x1x32x128xf32, #tpu.memory_space<vmem>>
      %dma_start3A_1279 = tpu.memref_squeeze %dma_start3A_1278 : memref<1x1x32x128xf32, #tpu.memory_space<vmem>> -> memref<32x128xf32, #tpu.memory_space<vmem>>
      %dma_start3A_1280 = arith.constant 0 : i32
      %dma_start3A_1281 = tpu.memref_slice %arg3[%dma_start3A_1280, %multiple_of3A_1273] : memref<32x1000000xf32, #tpu.memory_space<hbm>> -> memref<32x128xf32, #tpu.memory_space<hbm>>
      %dma_start3A_1282 = arith.constant 0 : i32
      %dma_start3A_1283 = arith.constant 0 : i32
      %dma_start3A_1284 = tpu.memref_slice %arg6[%dma_start3A_1274, %dma_start3A_1275, %dma_start3A_1282, %dma_start3A_1283] : memref<2x8x32x128xf32, #tpu.memory_space<vmem>> -> memref<1x1x32x128xf32, #tpu.memory_space<vmem>>
      %dma_start3A_1285 = tpu.memref_squeeze %dma_start3A_1284 : memref<1x1x32x128xf32, #tpu.memory_space<vmem>> -> memref<32x128xf32, #tpu.memory_space<vmem>>
      %dma_start3A_1286 = arith.constant 0 : i32
      %dma_start3A_1287 = tpu.memref_slice %arg3[%dma_start3A_1286, %multiple_of3A_1273] : memref<32x1000000xf32, #tpu.memory_space<hbm>> -> memref<32x128xf32, #tpu.memory_space<hbm>>
      tpu.enqueue_dma source(%dma_start3A_1287 : memref<32x128xf32, #tpu.memory_space<hbm>>) target(%dma_start3A_1285 : memref<32x128xf32, #tpu.memory_space<vmem>>) target_semaphore(%arg8 : memref<!tpu.dma_semaphore, #tpu.memory_space<semaphore_mem>>)
      %slice3A_1288 = vector.extract_strided_slice %slice3A_1266 {offsets = [1], sizes = [1], strides = [1]} : vector<8xi32> to vector<1xi32>
      %squeeze3A_1289 = vector.extract %slice3A_1288[0] : i32 from vector<1xi32>
      %shift_right_logical3A_1290 = arith.constant 7 : i32
      %shift_right_logical3A_1291 = arith.shrui %squeeze3A_1289, %shift_right_logical3A_1290 : i32
      %mul3A_1292 = arith.constant 128 : i32
      %mul3A_1293 = arith.muli %shift_right_logical3A_1291, %mul3A_1292 : i32
      %multiple_of3A_1294 = tpu.assume_multiple %mul3A_1293, 128 : i32
      %dma_start3A_1295 = arith.constant 0 : i32
      %dma_start3A_1296 = arith.constant 1 : i32
      %dma_start3A_1297 = arith.constant 0 : i32
      %dma_start3A_1298 = arith.constant 0 : i32
      %dma_start3A_1299 = tpu.memref_slice %arg6[%dma_start3A_1295, %dma_start3A_1296, %dma_start3A_1297, %dma_start3A_1298] : memref<2x8x32x128xf32, #tpu.memory_space<vmem>> -> memref<1x1x32x128xf32, #tpu.memory_space<vmem>>
      %dma_start3A_1300 = tpu.memref_squeeze %dma_start3A_1299 : memref<1x1x32x128xf32, #tpu.memory_space<vmem>> -> memref<32x128xf32, #tpu.memory_space<vmem>>
      %dma_start3A_1301 = arith.constant 0 : i32
      %dma_start3A_1302 = tpu.memref_slice %arg3[%dma_start3A_1301, %multiple_of3A_1294] : memref<32x1000000xf32, #tpu.memory_space<hbm>> -> memref<32x128xf32, #tpu.memory_space<hbm>>
      %dma_start3A_1303 = arith.constant 0 : i32
      %dma_start3A_1304 = arith.constant 0 : i32
      %dma_start3A_1305 = tpu.memref_slice %arg6[%dma_start3A_1295, %dma_start3A_1296, %dma_start3A_1303, %dma_start3A_1304] : memref<2x8x32x128xf32, #tpu.memory_space<vmem>> -> memref<1x1x32x128xf32, #tpu.memory_space<vmem>>
      %dma_start3A_1306 = tpu.memref_squeeze %dma_start3A_1305 : memref<1x1x32x128xf32, #tpu.memory_space<vmem>> -> memref<32x128xf32, #tpu.memory_space<vmem>>
      %dma_start3A_1307 = arith.constant 0 : i32
      %dma_start3A_1308 = tpu.memref_slice %arg3[%dma_start3A_1307, %multiple_of3A_1294] : memref<32x1000000xf32, #tpu.memory_space<hbm>> -> memref<32x128xf32, #tpu.memory_space<hbm>>
      tpu.enqueue_dma source(%dma_start3A_1308 : memref<32x128xf32, #tpu.memory_space<hbm>>) target(%dma_start3A_1306 : memref<32x128xf32, #tpu.memory_space<vmem>>) target_semaphore(%arg8 : memref<!tpu.dma_semaphore, #tpu.memory_space<semaphore_mem>>)
      %slice3A_1309 = vector.extract_strided_slice %slice3A_1266 {offsets = [2], sizes = [1], strides = [1]} : vector<8xi32> to vector<1xi32>
      %squeeze3A_1310 = vector.extract %slice3A_1309[0] : i32 from vector<1xi32>
      %shift_right_logical3A_1311 = arith.constant 7 : i32
      %shift_right_logical3A_1312 = arith.shrui %squeeze3A_1310, %shift_right_logical3A_1311 : i32
      %mul3A_1313 = arith.constant 128 : i32
      %mul3A_1314 = arith.muli %shift_right_logical3A_1312, %mul3A_1313 : i32
      %multiple_of3A_1315 = tpu.assume_multiple %mul3A_1314, 128 : i32
      %dma_start3A_1316 = arith.constant 0 : i32
      %dma_start3A_1317 = arith.constant 2 : i32
      %dma_start3A_1318 = arith.constant 0 : i32
      %dma_start3A_1319 = arith.constant 0 : i32
      %dma_start3A_1320 = tpu.memref_slice %arg6[%dma_start3A_1316, %dma_start3A_1317, %dma_start3A_1318, %dma_start3A_1319] : memref<2x8x32x128xf32, #tpu.memory_space<vmem>> -> memref<1x1x32x128xf32, #tpu.memory_space<vmem>>
      %dma_start3A_1321 = tpu.memref_squeeze %dma_start3A_1320 : memref<1x1x32x128xf32, #tpu.memory_space<vmem>> -> memref<32x128xf32, #tpu.memory_space<vmem>>
      %dma_start3A_1322 = arith.constant 0 : i32
      %dma_start3A_1323 = tpu.memref_slice %arg3[%dma_start3A_1322, %multiple_of3A_1315] : memref<32x1000000xf32, #tpu.memory_space<hbm>> -> memref<32x128xf32, #tpu.memory_space<hbm>>
      %dma_start3A_1324 = arith.constant 0 : i32
      %dma_start3A_1325 = arith.constant 0 : i32
      %dma_start3A_1326 = tpu.memref_slice %arg6[%dma_start3A_1316, %dma_start3A_1317, %dma_start3A_1324, %dma_start3A_1325] : memref<2x8x32x128xf32, #tpu.memory_space<vmem>> -> memref<1x1x32x128xf32, #tpu.memory_space<vmem>>
      %dma_start3A_1327 = tpu.memref_squeeze %dma_start3A_1326 : memref<1x1x32x128xf32, #tpu.memory_space<vmem>> -> memref<32x128xf32, #tpu.memory_space<vmem>>
      %dma_start3A_1328 = arith.constant 0 : i32
      %dma_start3A_1329 = tpu.memref_slice %arg3[%dma_start3A_1328, %multiple_of3A_1315] : memref<32x1000000xf32, #tpu.memory_space<hbm>> -> memref<32x128xf32, #tpu.memory_space<hbm>>
      tpu.enqueue_dma source(%dma_start3A_1329 : memref<32x128xf32, #tpu.memory_space<hbm>>) target(%dma_start3A_1327 : memref<32x128xf32, #tpu.memory_space<vmem>>) target_semaphore(%arg8 : memref<!tpu.dma_semaphore, #tpu.memory_space<semaphore_mem>>)
      %slice3A_1330 = vector.extract_strided_slice %slice3A_1266 {offsets = [3], sizes = [1], strides = [1]} : vector<8xi32> to vector<1xi32>
      %squeeze3A_1331 = vector.extract %slice3A_1330[0] : i32 from vector<1xi32>
      %shift_right_logical3A_1332 = arith.constant 7 : i32
      %shift_right_logical3A_1333 = arith.shrui %squeeze3A_1331, %shift_right_logical3A_1332 : i32
      %mul3A_1334 = arith.constant 128 : i32
      %mul3A_1335 = arith.muli %shift_right_logical3A_1333, %mul3A_1334 : i32
      %multiple_of3A_1336 = tpu.assume_multiple %mul3A_1335, 128 : i32
      %dma_start3A_1337 = arith.constant 0 : i32
      %dma_start3A_1338 = arith.constant 3 : i32
      %dma_start3A_1339 = arith.constant 0 : i32
      %dma_start3A_1340 = arith.constant 0 : i32
      %dma_start3A_1341 = tpu.memref_slice %arg6[%dma_start3A_1337, %dma_start3A_1338, %dma_start3A_1339, %dma_start3A_1340] : memref<2x8x32x128xf32, #tpu.memory_space<vmem>> -> memref<1x1x32x128xf32, #tpu.memory_space<vmem>>
      %dma_start3A_1342 = tpu.memref_squeeze %dma_start3A_1341 : memref<1x1x32x128xf32, #tpu.memory_space<vmem>> -> memref<32x128xf32, #tpu.memory_space<vmem>>
      %dma_start3A_1343 = arith.constant 0 : i32
      %dma_start3A_1344 = tpu.memref_slice %arg3[%dma_start3A_1343, %multiple_of3A_1336] : memref<32x1000000xf32, #tpu.memory_space<hbm>> -> memref<32x128xf32, #tpu.memory_space<hbm>>
      %dma_start3A_1345 = arith.constant 0 : i32
      %dma_start3A_1346 = arith.constant 0 : i32
      %dma_start3A_1347 = tpu.memref_slice %arg6[%dma_start3A_1337, %dma_start3A_1338, %dma_start3A_1345, %dma_start3A_1346] : memref<2x8x32x128xf32, #tpu.memory_space<vmem>> -> memref<1x1x32x128xf32, #tpu.memory_space<vmem>>
      %dma_start3A_1348 = tpu.memref_squeeze %dma_start3A_1347 : memref<1x1x32x128xf32, #tpu.memory_space<vmem>> -> memref<32x128xf32, #tpu.memory_space<vmem>>
      %dma_start3A_1349 = arith.constant 0 : i32
      %dma_start3A_1350 = tpu.memref_slice %arg3[%dma_start3A_1349, %multiple_of3A_1336] : memref<32x1000000xf32, #tpu.memory_space<hbm>> -> memref<32x128xf32, #tpu.memory_space<hbm>>
      tpu.enqueue_dma source(%dma_start3A_1350 : memref<32x128xf32, #tpu.memory_space<hbm>>) target(%dma_start3A_1348 : memref<32x128xf32, #tpu.memory_space<vmem>>) target_semaphore(%arg8 : memref<!tpu.dma_semaphore, #tpu.memory_space<semaphore_mem>>)
      %slice3A_1351 = vector.extract_strided_slice %slice3A_1266 {offsets = [4], sizes = [1], strides = [1]} : vector<8xi32> to vector<1xi32>
      %squeeze3A_1352 = vector.extract %slice3A_1351[0] : i32 from vector<1xi32>
      %shift_right_logical3A_1353 = arith.constant 7 : i32
      %shift_right_logical3A_1354 = arith.shrui %squeeze3A_1352, %shift_right_logical3A_1353 : i32
      %mul3A_1355 = arith.constant 128 : i32
      %mul3A_1356 = arith.muli %shift_right_logical3A_1354, %mul3A_1355 : i32
      %multiple_of3A_1357 = tpu.assume_multiple %mul3A_1356, 128 : i32
      %dma_start3A_1358 = arith.constant 0 : i32
      %dma_start3A_1359 = arith.constant 4 : i32
      %dma_start3A_1360 = arith.constant 0 : i32
      %dma_start3A_1361 = arith.constant 0 : i32
      %dma_start3A_1362 = tpu.memref_slice %arg6[%dma_start3A_1358, %dma_start3A_1359, %dma_start3A_1360, %dma_start3A_1361] : memref<2x8x32x128xf32, #tpu.memory_space<vmem>> -> memref<1x1x32x128xf32, #tpu.memory_space<vmem>>
      %dma_start3A_1363 = tpu.memref_squeeze %dma_start3A_1362 : memref<1x1x32x128xf32, #tpu.memory_space<vmem>> -> memref<32x128xf32, #tpu.memory_space<vmem>>
      %dma_start3A_1364 = arith.constant 0 : i32
      %dma_start3A_1365 = tpu.memref_slice %arg3[%dma_start3A_1364, %multiple_of3A_1357] : memref<32x1000000xf32, #tpu.memory_space<hbm>> -> memref<32x128xf32, #tpu.memory_space<hbm>>
      %dma_start3A_1366 = arith.constant 0 : i32
      %dma_start3A_1367 = arith.constant 0 : i32
      %dma_start3A_1368 = tpu.memref_slice %arg6[%dma_start3A_1358, %dma_start3A_1359, %dma_start3A_1366, %dma_start3A_1367] : memref<2x8x32x128xf32, #tpu.memory_space<vmem>> -> memref<1x1x32x128xf32, #tpu.memory_space<vmem>>
      %dma_start3A_1369 = tpu.memref_squeeze %dma_start3A_1368 : memref<1x1x32x128xf32, #tpu.memory_space<vmem>> -> memref<32x128xf32, #tpu.memory_space<vmem>>
      %dma_start3A_1370 = arith.constant 0 : i32
      %dma_start3A_1371 = tpu.memref_slice %arg3[%dma_start3A_1370, %multiple_of3A_1357] : memref<32x1000000xf32, #tpu.memory_space<hbm>> -> memref<32x128xf32, #tpu.memory_space<hbm>>
      tpu.enqueue_dma source(%dma_start3A_1371 : memref<32x128xf32, #tpu.memory_space<hbm>>) target(%dma_start3A_1369 : memref<32x128xf32, #tpu.memory_space<vmem>>) target_semaphore(%arg8 : memref<!tpu.dma_semaphore, #tpu.memory_space<semaphore_mem>>)
      %slice3A_1372 = vector.extract_strided_slice %slice3A_1266 {offsets = [5], sizes = [1], strides = [1]} : vector<8xi32> to vector<1xi32>
      %squeeze3A_1373 = vector.extract %slice3A_1372[0] : i32 from vector<1xi32>
      %shift_right_logical3A_1374 = arith.constant 7 : i32
      %shift_right_logical3A_1375 = arith.shrui %squeeze3A_1373, %shift_right_logical3A_1374 : i32
      %mul3A_1376 = arith.constant 128 : i32
      %mul3A_1377 = arith.muli %shift_right_logical3A_1375, %mul3A_1376 : i32
      %multiple_of3A_1378 = tpu.assume_multiple %mul3A_1377, 128 : i32
      %dma_start3A_1379 = arith.constant 0 : i32
      %dma_start3A_1380 = arith.constant 5 : i32
      %dma_start3A_1381 = arith.constant 0 : i32
      %dma_start3A_1382 = arith.constant 0 : i32
      %dma_start3A_1383 = tpu.memref_slice %arg6[%dma_start3A_1379, %dma_start3A_1380, %dma_start3A_1381, %dma_start3A_1382] : memref<2x8x32x128xf32, #tpu.memory_space<vmem>> -> memref<1x1x32x128xf32, #tpu.memory_space<vmem>>
      %dma_start3A_1384 = tpu.memref_squeeze %dma_start3A_1383 : memref<1x1x32x128xf32, #tpu.memory_space<vmem>> -> memref<32x128xf32, #tpu.memory_space<vmem>>
      %dma_start3A_1385 = arith.constant 0 : i32
      %dma_start3A_1386 = tpu.memref_slice %arg3[%dma_start3A_1385, %multiple_of3A_1378] : memref<32x1000000xf32, #tpu.memory_space<hbm>> -> memref<32x128xf32, #tpu.memory_space<hbm>>
      %dma_start3A_1387 = arith.constant 0 : i32
      %dma_start3A_1388 = arith.constant 0 : i32
      %dma_start3A_1389 = tpu.memref_slice %arg6[%dma_start3A_1379, %dma_start3A_1380, %dma_start3A_1387, %dma_start3A_1388] : memref<2x8x32x128xf32, #tpu.memory_space<vmem>> -> memref<1x1x32x128xf32, #tpu.memory_space<vmem>>
      %dma_start3A_1390 = tpu.memref_squeeze %dma_start3A_1389 : memref<1x1x32x128xf32, #tpu.memory_space<vmem>> -> memref<32x128xf32, #tpu.memory_space<vmem>>
      %dma_start3A_1391 = arith.constant 0 : i32
      %dma_start3A_1392 = tpu.memref_slice %arg3[%dma_start3A_1391, %multiple_of3A_1378] : memref<32x1000000xf32, #tpu.memory_space<hbm>> -> memref<32x128xf32, #tpu.memory_space<hbm>>
      tpu.enqueue_dma source(%dma_start3A_1392 : memref<32x128xf32, #tpu.memory_space<hbm>>) target(%dma_start3A_1390 : memref<32x128xf32, #tpu.memory_space<vmem>>) target_semaphore(%arg8 : memref<!tpu.dma_semaphore, #tpu.memory_space<semaphore_mem>>)
      %slice3A_1393 = vector.extract_strided_slice %slice3A_1266 {offsets = [6], sizes = [1], strides = [1]} : vector<8xi32> to vector<1xi32>
      %squeeze3A_1394 = vector.extract %slice3A_1393[0] : i32 from vector<1xi32>
      %shift_right_logical3A_1395 = arith.constant 7 : i32
      %shift_right_logical3A_1396 = arith.shrui %squeeze3A_1394, %shift_right_logical3A_1395 : i32
      %mul3A_1397 = arith.constant 128 : i32
      %mul3A_1398 = arith.muli %shift_right_logical3A_1396, %mul3A_1397 : i32
      %multiple_of3A_1399 = tpu.assume_multiple %mul3A_1398, 128 : i32
      %dma_start3A_1400 = arith.constant 0 : i32
      %dma_start3A_1401 = arith.constant 6 : i32
      %dma_start3A_1402 = arith.constant 0 : i32
      %dma_start3A_1403 = arith.constant 0 : i32
      %dma_start3A_1404 = tpu.memref_slice %arg6[%dma_start3A_1400, %dma_start3A_1401, %dma_start3A_1402, %dma_start3A_1403] : memref<2x8x32x128xf32, #tpu.memory_space<vmem>> -> memref<1x1x32x128xf32, #tpu.memory_space<vmem>>
      %dma_start3A_1405 = tpu.memref_squeeze %dma_start3A_1404 : memref<1x1x32x128xf32, #tpu.memory_space<vmem>> -> memref<32x128xf32, #tpu.memory_space<vmem>>
      %dma_start3A_1406 = arith.constant 0 : i32
      %dma_start3A_1407 = tpu.memref_slice %arg3[%dma_start3A_1406, %multiple_of3A_1399] : memref<32x1000000xf32, #tpu.memory_space<hbm>> -> memref<32x128xf32, #tpu.memory_space<hbm>>
      %dma_start3A_1408 = arith.constant 0 : i32
      %dma_start3A_1409 = arith.constant 0 : i32
      %dma_start3A_1410 = tpu.memref_slice %arg6[%dma_start3A_1400, %dma_start3A_1401, %dma_start3A_1408, %dma_start3A_1409] : memref<2x8x32x128xf32, #tpu.memory_space<vmem>> -> memref<1x1x32x128xf32, #tpu.memory_space<vmem>>
      %dma_start3A_1411 = tpu.memref_squeeze %dma_start3A_1410 : memref<1x1x32x128xf32, #tpu.memory_space<vmem>> -> memref<32x128xf32, #tpu.memory_space<vmem>>
      %dma_start3A_1412 = arith.constant 0 : i32
      %dma_start3A_1413 = tpu.memref_slice %arg3[%dma_start3A_1412, %multiple_of3A_1399] : memref<32x1000000xf32, #tpu.memory_space<hbm>> -> memref<32x128xf32, #tpu.memory_space<hbm>>
      tpu.enqueue_dma source(%dma_start3A_1413 : memref<32x128xf32, #tpu.memory_space<hbm>>) target(%dma_start3A_1411 : memref<32x128xf32, #tpu.memory_space<vmem>>) target_semaphore(%arg8 : memref<!tpu.dma_semaphore, #tpu.memory_space<semaphore_mem>>)
      %slice3A_1414 = vector.extract_strided_slice %slice3A_1266 {offsets = [7], sizes = [1], strides = [1]} : vector<8xi32> to vector<1xi32>
      %squeeze3A_1415 = vector.extract %slice3A_1414[0] : i32 from vector<1xi32>
      %shift_right_logical3A_1416 = arith.constant 7 : i32
      %shift_right_logical3A_1417 = arith.shrui %squeeze3A_1415, %shift_right_logical3A_1416 : i32
      %mul3A_1418 = arith.constant 128 : i32
      %mul3A_1419 = arith.muli %shift_right_logical3A_1417, %mul3A_1418 : i32
      %multiple_of3A_1420 = tpu.assume_multiple %mul3A_1419, 128 : i32
      %dma_start3A_1421 = arith.constant 0 : i32
      %dma_start3A_1422 = arith.constant 7 : i32
      %dma_start3A_1423 = arith.constant 0 : i32
      %dma_start3A_1424 = arith.constant 0 : i32
      %dma_start3A_1425 = tpu.memref_slice %arg6[%dma_start3A_1421, %dma_start3A_1422, %dma_start3A_1423, %dma_start3A_1424] : memref<2x8x32x128xf32, #tpu.memory_space<vmem>> -> memref<1x1x32x128xf32, #tpu.memory_space<vmem>>
      %dma_start3A_1426 = tpu.memref_squeeze %dma_start3A_1425 : memref<1x1x32x128xf32, #tpu.memory_space<vmem>> -> memref<32x128xf32, #tpu.memory_space<vmem>>
      %dma_start3A_1427 = arith.constant 0 : i32
      %dma_start3A_1428 = tpu.memref_slice %arg3[%dma_start3A_1427, %multiple_of3A_1420] : memref<32x1000000xf32, #tpu.memory_space<hbm>> -> memref<32x128xf32, #tpu.memory_space<hbm>>
      %dma_start3A_1429 = arith.constant 0 : i32
      %dma_start3A_1430 = arith.constant 0 : i32
      %dma_start3A_1431 = tpu.memref_slice %arg6[%dma_start3A_1421, %dma_start3A_1422, %dma_start3A_1429, %dma_start3A_1430] : memref<2x8x32x128xf32, #tpu.memory_space<vmem>> -> memref<1x1x32x128xf32, #tpu.memory_space<vmem>>
      %dma_start3A_1432 = tpu.memref_squeeze %dma_start3A_1431 : memref<1x1x32x128xf32, #tpu.memory_space<vmem>> -> memref<32x128xf32, #tpu.memory_space<vmem>>
      %dma_start3A_1433 = arith.constant 0 : i32
      %dma_start3A_1434 = tpu.memref_slice %arg3[%dma_start3A_1433, %multiple_of3A_1420] : memref<32x1000000xf32, #tpu.memory_space<hbm>> -> memref<32x128xf32, #tpu.memory_space<hbm>>
      tpu.enqueue_dma source(%dma_start3A_1434 : memref<32x128xf32, #tpu.memory_space<hbm>>) target(%dma_start3A_1432 : memref<32x128xf32, #tpu.memory_space<vmem>>) target_semaphore(%arg8 : memref<!tpu.dma_semaphore, #tpu.memory_space<semaphore_mem>>)
      %mul3A_1435 = arith.constant 2 : i32
      %mul3A_1436 = arith.muli %mul3A_1435, %scan3A_935 : i32
      %add3A_1437 = arith.constant 1 : i32
      %add3A_1438 = arith.addi %mul3A_1436, %add3A_1437 : i32
      %slice3A_1439 = vector.extract_strided_slice %scan3A_936 {offsets = [8], sizes = [8], strides = [1]} : vector<16xi32> to vector<8xi32>
      %dma_wait3A_1440 = arith.constant 1 : i32
      %dma_wait3A_1441 = arith.constant 0 : i32
      %dma_wait3A_1442 = arith.constant 0 : i32
      %dma_wait3A_1443 = arith.constant 0 : i32
      %dma_wait3A_1444 = tpu.memref_slice %arg6[%dma_wait3A_1440, %dma_wait3A_1441, %dma_wait3A_1442, %dma_wait3A_1443] : memref<2x8x32x128xf32, #tpu.memory_space<vmem>> -> memref<1x1x32x128xf32, #tpu.memory_space<vmem>>
      %dma_wait3A_1445 = tpu.memref_squeeze %dma_wait3A_1444 : memref<1x1x32x128xf32, #tpu.memory_space<vmem>> -> memref<32x128xf32, #tpu.memory_space<vmem>>
      %dma_wait3A_1446 = arith.constant 0 : i32
      %dma_wait3A_1447 = arith.constant 0 : i32
      %dma_wait3A_1448 = tpu.memref_slice %arg3[%dma_wait3A_1446, %dma_wait3A_1447] : memref<32x1000000xf32, #tpu.memory_space<hbm>> -> memref<32x128xf32, #tpu.memory_space<hbm>>
      %dma_wait3A_1449 = arith.constant 0 : i32
      %dma_wait3A_1450 = arith.constant 0 : i32
      %dma_wait3A_1451 = tpu.memref_slice %arg6[%dma_wait3A_1440, %dma_wait3A_1441, %dma_wait3A_1449, %dma_wait3A_1450] : memref<2x8x32x128xf32, #tpu.memory_space<vmem>> -> memref<1x1x32x128xf32, #tpu.memory_space<vmem>>
      %dma_wait3A_1452 = tpu.memref_squeeze %dma_wait3A_1451 : memref<1x1x32x128xf32, #tpu.memory_space<vmem>> -> memref<32x128xf32, #tpu.memory_space<vmem>>
      %dma_wait3A_1453 = arith.constant 0 : i32
      %dma_wait3A_1454 = arith.constant 0 : i32
      %dma_wait3A_1455 = tpu.memref_slice %arg3[%dma_wait3A_1453, %dma_wait3A_1454] : memref<32x1000000xf32, #tpu.memory_space<hbm>> -> memref<32x128xf32, #tpu.memory_space<hbm>>
      tpu.wait_dma2 semaphore(%arg9 : memref<!tpu.dma_semaphore, #tpu.memory_space<semaphore_mem>>) src(%dma_wait3A_1455 : memref<32x128xf32, #tpu.memory_space<hbm>>) dst(%dma_wait3A_1452 : memref<32x128xf32, #tpu.memory_space<vmem>>)
      %dma_wait3A_1456 = arith.constant 1 : i32
      %dma_wait3A_1457 = arith.constant 1 : i32
      %dma_wait3A_1458 = arith.constant 0 : i32
      %dma_wait3A_1459 = arith.constant 0 : i32
      %dma_wait3A_1460 = tpu.memref_slice %arg6[%dma_wait3A_1456, %dma_wait3A_1457, %dma_wait3A_1458, %dma_wait3A_1459] : memref<2x8x32x128xf32, #tpu.memory_space<vmem>> -> memref<1x1x32x128xf32, #tpu.memory_space<vmem>>
      %dma_wait3A_1461 = tpu.memref_squeeze %dma_wait3A_1460 : memref<1x1x32x128xf32, #tpu.memory_space<vmem>> -> memref<32x128xf32, #tpu.memory_space<vmem>>
      %dma_wait3A_1462 = arith.constant 0 : i32
      %dma_wait3A_1463 = arith.constant 0 : i32
      %dma_wait3A_1464 = tpu.memref_slice %arg3[%dma_wait3A_1462, %dma_wait3A_1463] : memref<32x1000000xf32, #tpu.memory_space<hbm>> -> memref<32x128xf32, #tpu.memory_space<hbm>>
      %dma_wait3A_1465 = arith.constant 0 : i32
      %dma_wait3A_1466 = arith.constant 0 : i32
      %dma_wait3A_1467 = tpu.memref_slice %arg6[%dma_wait3A_1456, %dma_wait3A_1457, %dma_wait3A_1465, %dma_wait3A_1466] : memref<2x8x32x128xf32, #tpu.memory_space<vmem>> -> memref<1x1x32x128xf32, #tpu.memory_space<vmem>>
      %dma_wait3A_1468 = tpu.memref_squeeze %dma_wait3A_1467 : memref<1x1x32x128xf32, #tpu.memory_space<vmem>> -> memref<32x128xf32, #tpu.memory_space<vmem>>
      %dma_wait3A_1469 = arith.constant 0 : i32
      %dma_wait3A_1470 = arith.constant 0 : i32
      %dma_wait3A_1471 = tpu.memref_slice %arg3[%dma_wait3A_1469, %dma_wait3A_1470] : memref<32x1000000xf32, #tpu.memory_space<hbm>> -> memref<32x128xf32, #tpu.memory_space<hbm>>
      tpu.wait_dma2 semaphore(%arg9 : memref<!tpu.dma_semaphore, #tpu.memory_space<semaphore_mem>>) src(%dma_wait3A_1471 : memref<32x128xf32, #tpu.memory_space<hbm>>) dst(%dma_wait3A_1468 : memref<32x128xf32, #tpu.memory_space<vmem>>)
      %dma_wait3A_1472 = arith.constant 1 : i32
      %dma_wait3A_1473 = arith.constant 2 : i32
      %dma_wait3A_1474 = arith.constant 0 : i32
      %dma_wait3A_1475 = arith.constant 0 : i32
      %dma_wait3A_1476 = tpu.memref_slice %arg6[%dma_wait3A_1472, %dma_wait3A_1473, %dma_wait3A_1474, %dma_wait3A_1475] : memref<2x8x32x128xf32, #tpu.memory_space<vmem>> -> memref<1x1x32x128xf32, #tpu.memory_space<vmem>>
      %dma_wait3A_1477 = tpu.memref_squeeze %dma_wait3A_1476 : memref<1x1x32x128xf32, #tpu.memory_space<vmem>> -> memref<32x128xf32, #tpu.memory_space<vmem>>
      %dma_wait3A_1478 = arith.constant 0 : i32
      %dma_wait3A_1479 = arith.constant 0 : i32
      %dma_wait3A_1480 = tpu.memref_slice %arg3[%dma_wait3A_1478, %dma_wait3A_1479] : memref<32x1000000xf32, #tpu.memory_space<hbm>> -> memref<32x128xf32, #tpu.memory_space<hbm>>
      %dma_wait3A_1481 = arith.constant 0 : i32
      %dma_wait3A_1482 = arith.constant 0 : i32
      %dma_wait3A_1483 = tpu.memref_slice %arg6[%dma_wait3A_1472, %dma_wait3A_1473, %dma_wait3A_1481, %dma_wait3A_1482] : memref<2x8x32x128xf32, #tpu.memory_space<vmem>> -> memref<1x1x32x128xf32, #tpu.memory_space<vmem>>
      %dma_wait3A_1484 = tpu.memref_squeeze %dma_wait3A_1483 : memref<1x1x32x128xf32, #tpu.memory_space<vmem>> -> memref<32x128xf32, #tpu.memory_space<vmem>>
      %dma_wait3A_1485 = arith.constant 0 : i32
      %dma_wait3A_1486 = arith.constant 0 : i32
      %dma_wait3A_1487 = tpu.memref_slice %arg3[%dma_wait3A_1485, %dma_wait3A_1486] : memref<32x1000000xf32, #tpu.memory_space<hbm>> -> memref<32x128xf32, #tpu.memory_space<hbm>>
      tpu.wait_dma2 semaphore(%arg9 : memref<!tpu.dma_semaphore, #tpu.memory_space<semaphore_mem>>) src(%dma_wait3A_1487 : memref<32x128xf32, #tpu.memory_space<hbm>>) dst(%dma_wait3A_1484 : memref<32x128xf32, #tpu.memory_space<vmem>>)
      %dma_wait3A_1488 = arith.constant 1 : i32
      %dma_wait3A_1489 = arith.constant 3 : i32
      %dma_wait3A_1490 = arith.constant 0 : i32
      %dma_wait3A_1491 = arith.constant 0 : i32
      %dma_wait3A_1492 = tpu.memref_slice %arg6[%dma_wait3A_1488, %dma_wait3A_1489, %dma_wait3A_1490, %dma_wait3A_1491] : memref<2x8x32x128xf32, #tpu.memory_space<vmem>> -> memref<1x1x32x128xf32, #tpu.memory_space<vmem>>
      %dma_wait3A_1493 = tpu.memref_squeeze %dma_wait3A_1492 : memref<1x1x32x128xf32, #tpu.memory_space<vmem>> -> memref<32x128xf32, #tpu.memory_space<vmem>>
      %dma_wait3A_1494 = arith.constant 0 : i32
      %dma_wait3A_1495 = arith.constant 0 : i32
      %dma_wait3A_1496 = tpu.memref_slice %arg3[%dma_wait3A_1494, %dma_wait3A_1495] : memref<32x1000000xf32, #tpu.memory_space<hbm>> -> memref<32x128xf32, #tpu.memory_space<hbm>>
      %dma_wait3A_1497 = arith.constant 0 : i32
      %dma_wait3A_1498 = arith.constant 0 : i32
      %dma_wait3A_1499 = tpu.memref_slice %arg6[%dma_wait3A_1488, %dma_wait3A_1489, %dma_wait3A_1497, %dma_wait3A_1498] : memref<2x8x32x128xf32, #tpu.memory_space<vmem>> -> memref<1x1x32x128xf32, #tpu.memory_space<vmem>>
      %dma_wait3A_1500 = tpu.memref_squeeze %dma_wait3A_1499 : memref<1x1x32x128xf32, #tpu.memory_space<vmem>> -> memref<32x128xf32, #tpu.memory_space<vmem>>
      %dma_wait3A_1501 = arith.constant 0 : i32
      %dma_wait3A_1502 = arith.constant 0 : i32
      %dma_wait3A_1503 = tpu.memref_slice %arg3[%dma_wait3A_1501, %dma_wait3A_1502] : memref<32x1000000xf32, #tpu.memory_space<hbm>> -> memref<32x128xf32, #tpu.memory_space<hbm>>
      tpu.wait_dma2 semaphore(%arg9 : memref<!tpu.dma_semaphore, #tpu.memory_space<semaphore_mem>>) src(%dma_wait3A_1503 : memref<32x128xf32, #tpu.memory_space<hbm>>) dst(%dma_wait3A_1500 : memref<32x128xf32, #tpu.memory_space<vmem>>)
      %dma_wait3A_1504 = arith.constant 1 : i32
      %dma_wait3A_1505 = arith.constant 4 : i32
      %dma_wait3A_1506 = arith.constant 0 : i32
      %dma_wait3A_1507 = arith.constant 0 : i32
      %dma_wait3A_1508 = tpu.memref_slice %arg6[%dma_wait3A_1504, %dma_wait3A_1505, %dma_wait3A_1506, %dma_wait3A_1507] : memref<2x8x32x128xf32, #tpu.memory_space<vmem>> -> memref<1x1x32x128xf32, #tpu.memory_space<vmem>>
      %dma_wait3A_1509 = tpu.memref_squeeze %dma_wait3A_1508 : memref<1x1x32x128xf32, #tpu.memory_space<vmem>> -> memref<32x128xf32, #tpu.memory_space<vmem>>
      %dma_wait3A_1510 = arith.constant 0 : i32
      %dma_wait3A_1511 = arith.constant 0 : i32
      %dma_wait3A_1512 = tpu.memref_slice %arg3[%dma_wait3A_1510, %dma_wait3A_1511] : memref<32x1000000xf32, #tpu.memory_space<hbm>> -> memref<32x128xf32, #tpu.memory_space<hbm>>
      %dma_wait3A_1513 = arith.constant 0 : i32
      %dma_wait3A_1514 = arith.constant 0 : i32
      %dma_wait3A_1515 = tpu.memref_slice %arg6[%dma_wait3A_1504, %dma_wait3A_1505, %dma_wait3A_1513, %dma_wait3A_1514] : memref<2x8x32x128xf32, #tpu.memory_space<vmem>> -> memref<1x1x32x128xf32, #tpu.memory_space<vmem>>
      %dma_wait3A_1516 = tpu.memref_squeeze %dma_wait3A_1515 : memref<1x1x32x128xf32, #tpu.memory_space<vmem>> -> memref<32x128xf32, #tpu.memory_space<vmem>>
      %dma_wait3A_1517 = arith.constant 0 : i32
      %dma_wait3A_1518 = arith.constant 0 : i32
      %dma_wait3A_1519 = tpu.memref_slice %arg3[%dma_wait3A_1517, %dma_wait3A_1518] : memref<32x1000000xf32, #tpu.memory_space<hbm>> -> memref<32x128xf32, #tpu.memory_space<hbm>>
      tpu.wait_dma2 semaphore(%arg9 : memref<!tpu.dma_semaphore, #tpu.memory_space<semaphore_mem>>) src(%dma_wait3A_1519 : memref<32x128xf32, #tpu.memory_space<hbm>>) dst(%dma_wait3A_1516 : memref<32x128xf32, #tpu.memory_space<vmem>>)
      %dma_wait3A_1520 = arith.constant 1 : i32
      %dma_wait3A_1521 = arith.constant 5 : i32
      %dma_wait3A_1522 = arith.constant 0 : i32
      %dma_wait3A_1523 = arith.constant 0 : i32
      %dma_wait3A_1524 = tpu.memref_slice %arg6[%dma_wait3A_1520, %dma_wait3A_1521, %dma_wait3A_1522, %dma_wait3A_1523] : memref<2x8x32x128xf32, #tpu.memory_space<vmem>> -> memref<1x1x32x128xf32, #tpu.memory_space<vmem>>
      %dma_wait3A_1525 = tpu.memref_squeeze %dma_wait3A_1524 : memref<1x1x32x128xf32, #tpu.memory_space<vmem>> -> memref<32x128xf32, #tpu.memory_space<vmem>>
      %dma_wait3A_1526 = arith.constant 0 : i32
      %dma_wait3A_1527 = arith.constant 0 : i32
      %dma_wait3A_1528 = tpu.memref_slice %arg3[%dma_wait3A_1526, %dma_wait3A_1527] : memref<32x1000000xf32, #tpu.memory_space<hbm>> -> memref<32x128xf32, #tpu.memory_space<hbm>>
      %dma_wait3A_1529 = arith.constant 0 : i32
      %dma_wait3A_1530 = arith.constant 0 : i32
      %dma_wait3A_1531 = tpu.memref_slice %arg6[%dma_wait3A_1520, %dma_wait3A_1521, %dma_wait3A_1529, %dma_wait3A_1530] : memref<2x8x32x128xf32, #tpu.memory_space<vmem>> -> memref<1x1x32x128xf32, #tpu.memory_space<vmem>>
      %dma_wait3A_1532 = tpu.memref_squeeze %dma_wait3A_1531 : memref<1x1x32x128xf32, #tpu.memory_space<vmem>> -> memref<32x128xf32, #tpu.memory_space<vmem>>
      %dma_wait3A_1533 = arith.constant 0 : i32
      %dma_wait3A_1534 = arith.constant 0 : i32
      %dma_wait3A_1535 = tpu.memref_slice %arg3[%dma_wait3A_1533, %dma_wait3A_1534] : memref<32x1000000xf32, #tpu.memory_space<hbm>> -> memref<32x128xf32, #tpu.memory_space<hbm>>
      tpu.wait_dma2 semaphore(%arg9 : memref<!tpu.dma_semaphore, #tpu.memory_space<semaphore_mem>>) src(%dma_wait3A_1535 : memref<32x128xf32, #tpu.memory_space<hbm>>) dst(%dma_wait3A_1532 : memref<32x128xf32, #tpu.memory_space<vmem>>)
      %dma_wait3A_1536 = arith.constant 1 : i32
      %dma_wait3A_1537 = arith.constant 6 : i32
      %dma_wait3A_1538 = arith.constant 0 : i32
      %dma_wait3A_1539 = arith.constant 0 : i32
      %dma_wait3A_1540 = tpu.memref_slice %arg6[%dma_wait3A_1536, %dma_wait3A_1537, %dma_wait3A_1538, %dma_wait3A_1539] : memref<2x8x32x128xf32, #tpu.memory_space<vmem>> -> memref<1x1x32x128xf32, #tpu.memory_space<vmem>>
      %dma_wait3A_1541 = tpu.memref_squeeze %dma_wait3A_1540 : memref<1x1x32x128xf32, #tpu.memory_space<vmem>> -> memref<32x128xf32, #tpu.memory_space<vmem>>
      %dma_wait3A_1542 = arith.constant 0 : i32
      %dma_wait3A_1543 = arith.constant 0 : i32
      %dma_wait3A_1544 = tpu.memref_slice %arg3[%dma_wait3A_1542, %dma_wait3A_1543] : memref<32x1000000xf32, #tpu.memory_space<hbm>> -> memref<32x128xf32, #tpu.memory_space<hbm>>
      %dma_wait3A_1545 = arith.constant 0 : i32
      %dma_wait3A_1546 = arith.constant 0 : i32
      %dma_wait3A_1547 = tpu.memref_slice %arg6[%dma_wait3A_1536, %dma_wait3A_1537, %dma_wait3A_1545, %dma_wait3A_1546] : memref<2x8x32x128xf32, #tpu.memory_space<vmem>> -> memref<1x1x32x128xf32, #tpu.memory_space<vmem>>
      %dma_wait3A_1548 = tpu.memref_squeeze %dma_wait3A_1547 : memref<1x1x32x128xf32, #tpu.memory_space<vmem>> -> memref<32x128xf32, #tpu.memory_space<vmem>>
      %dma_wait3A_1549 = arith.constant 0 : i32
      %dma_wait3A_1550 = arith.constant 0 : i32
      %dma_wait3A_1551 = tpu.memref_slice %arg3[%dma_wait3A_1549, %dma_wait3A_1550] : memref<32x1000000xf32, #tpu.memory_space<hbm>> -> memref<32x128xf32, #tpu.memory_space<hbm>>
      tpu.wait_dma2 semaphore(%arg9 : memref<!tpu.dma_semaphore, #tpu.memory_space<semaphore_mem>>) src(%dma_wait3A_1551 : memref<32x128xf32, #tpu.memory_space<hbm>>) dst(%dma_wait3A_1548 : memref<32x128xf32, #tpu.memory_space<vmem>>)
      %dma_wait3A_1552 = arith.constant 1 : i32
      %dma_wait3A_1553 = arith.constant 7 : i32
      %dma_wait3A_1554 = arith.constant 0 : i32
      %dma_wait3A_1555 = arith.constant 0 : i32
      %dma_wait3A_1556 = tpu.memref_slice %arg6[%dma_wait3A_1552, %dma_wait3A_1553, %dma_wait3A_1554, %dma_wait3A_1555] : memref<2x8x32x128xf32, #tpu.memory_space<vmem>> -> memref<1x1x32x128xf32, #tpu.memory_space<vmem>>
      %dma_wait3A_1557 = tpu.memref_squeeze %dma_wait3A_1556 : memref<1x1x32x128xf32, #tpu.memory_space<vmem>> -> memref<32x128xf32, #tpu.memory_space<vmem>>
      %dma_wait3A_1558 = arith.constant 0 : i32
      %dma_wait3A_1559 = arith.constant 0 : i32
      %dma_wait3A_1560 = tpu.memref_slice %arg3[%dma_wait3A_1558, %dma_wait3A_1559] : memref<32x1000000xf32, #tpu.memory_space<hbm>> -> memref<32x128xf32, #tpu.memory_space<hbm>>
      %dma_wait3A_1561 = arith.constant 0 : i32
      %dma_wait3A_1562 = arith.constant 0 : i32
      %dma_wait3A_1563 = tpu.memref_slice %arg6[%dma_wait3A_1552, %dma_wait3A_1553, %dma_wait3A_1561, %dma_wait3A_1562] : memref<2x8x32x128xf32, #tpu.memory_space<vmem>> -> memref<1x1x32x128xf32, #tpu.memory_space<vmem>>
      %dma_wait3A_1564 = tpu.memref_squeeze %dma_wait3A_1563 : memref<1x1x32x128xf32, #tpu.memory_space<vmem>> -> memref<32x128xf32, #tpu.memory_space<vmem>>
      %dma_wait3A_1565 = arith.constant 0 : i32
      %dma_wait3A_1566 = arith.constant 0 : i32
      %dma_wait3A_1567 = tpu.memref_slice %arg3[%dma_wait3A_1565, %dma_wait3A_1566] : memref<32x1000000xf32, #tpu.memory_space<hbm>> -> memref<32x128xf32, #tpu.memory_space<hbm>>
      tpu.wait_dma2 semaphore(%arg9 : memref<!tpu.dma_semaphore, #tpu.memory_space<semaphore_mem>>) src(%dma_wait3A_1567 : memref<32x128xf32, #tpu.memory_space<hbm>>) dst(%dma_wait3A_1564 : memref<32x128xf32, #tpu.memory_space<vmem>>)
      %slice3A_1568 = vector.extract_strided_slice %slice3A_1439 {offsets = [0], sizes = [1], strides = [1]} : vector<8xi32> to vector<1xi32>
      %squeeze3A_1569 = vector.extract %slice3A_1568[0] : i32 from vector<1xi32>
      %and3A_1570 = arith.constant 127 : i32
      %and3A_1571 = arith.andi %squeeze3A_1569, %and3A_1570 : i32
      %broadcast_in_dim3A_1572 = vector.broadcast %and3A_1571 : i32 to vector<16xi32>
      %mul3A_1573 = arith.constant 8 : i32
      %mul3A_1574 = arith.muli %add3A_1438, %mul3A_1573 : i32
      %add3A_1575 = arith.constant 0 : i32
      %add3A_1576 = arith.addi %mul3A_1574, %add3A_1575 : i32
      %broadcast_in_dim3A_1577 = vector.broadcast %add3A_1576 : i32 to vector<16xi32>
      %gather3A_1578 = arith.constant 1 : i32
      %gather3A_1579 = arith.constant 0 : i32
      %gather3A_1580 = arith.constant 0 : i32
      %gather3A_1581 = arith.constant 0 : i32
      %gather3A_1582 = tpu.memref_slice %arg6[%gather3A_1578, %gather3A_1579, %gather3A_1580, %gather3A_1581] : memref<2x8x32x128xf32, #tpu.memory_space<vmem>> -> memref<1x1x32x128xf32, #tpu.memory_space<vmem>>
      %gather3A_1583 = tpu.memref_squeeze %gather3A_1582 : memref<1x1x32x128xf32, #tpu.memory_space<vmem>> -> memref<32x128xf32, #tpu.memory_space<vmem>>
      %gather3A_1584 = tpu.vector_load_idx %gather3A_1583[%iota3A, %broadcast_in_dim3A_1572] : memref<32x128xf32, #tpu.memory_space<vmem>>[vector<16xi32>, vector<16xi32>], vector<16xf32>,
      %gather3A_1585 = arith.constant 1 : i32
      %gather3A_1586 = arith.constant 0 : i32
      %gather3A_1587 = arith.constant 0 : i32
      %gather3A_1588 = arith.constant 0 : i32
      %gather3A_1589 = tpu.memref_slice %arg6[%gather3A_1585, %gather3A_1586, %gather3A_1587, %gather3A_1588] : memref<2x8x32x128xf32, #tpu.memory_space<vmem>> -> memref<1x1x32x128xf32, #tpu.memory_space<vmem>>
      %gather3A_1590 = tpu.memref_squeeze %gather3A_1589 : memref<1x1x32x128xf32, #tpu.memory_space<vmem>> -> memref<32x128xf32, #tpu.memory_space<vmem>>
      %gather3A_1591 = tpu.vector_load_idx %gather3A_1590[%add3A_5, %broadcast_in_dim3A_1572] : memref<32x128xf32, #tpu.memory_space<vmem>>[vector<16xi32>, vector<16xi32>], vector<16xf32>,
      tpu.vector_store_idx %arg7[%iota3A, %broadcast_in_dim3A_1577], %gather3A_1584 : memref<32x512xf32, #tpu.memory_space<vmem>>[vector<16xi32>, vector<16xi32>], vector<16xf32>,
      tpu.vector_store_idx %arg7[%add3A_5, %broadcast_in_dim3A_1577], %gather3A_1591 : memref<32x512xf32, #tpu.memory_space<vmem>>[vector<16xi32>, vector<16xi32>], vector<16xf32>,
      %slice3A_1592 = vector.extract_strided_slice %slice3A_1439 {offsets = [1], sizes = [1], strides = [1]} : vector<8xi32> to vector<1xi32>
      %squeeze3A_1593 = vector.extract %slice3A_1592[0] : i32 from vector<1xi32>
      %and3A_1594 = arith.constant 127 : i32
      %and3A_1595 = arith.andi %squeeze3A_1593, %and3A_1594 : i32
      %broadcast_in_dim3A_1596 = vector.broadcast %and3A_1595 : i32 to vector<16xi32>
      %mul3A_1597 = arith.constant 8 : i32
      %mul3A_1598 = arith.muli %add3A_1438, %mul3A_1597 : i32
      %add3A_1599 = arith.constant 1 : i32
      %add3A_1600 = arith.addi %mul3A_1598, %add3A_1599 : i32
      %broadcast_in_dim3A_1601 = vector.broadcast %add3A_1600 : i32 to vector<16xi32>
      %gather3A_1602 = arith.constant 1 : i32
      %gather3A_1603 = arith.constant 1 : i32
      %gather3A_1604 = arith.constant 0 : i32
      %gather3A_1605 = arith.constant 0 : i32
      %gather3A_1606 = tpu.memref_slice %arg6[%gather3A_1602, %gather3A_1603, %gather3A_1604, %gather3A_1605] : memref<2x8x32x128xf32, #tpu.memory_space<vmem>> -> memref<1x1x32x128xf32, #tpu.memory_space<vmem>>
      %gather3A_1607 = tpu.memref_squeeze %gather3A_1606 : memref<1x1x32x128xf32, #tpu.memory_space<vmem>> -> memref<32x128xf32, #tpu.memory_space<vmem>>
      %gather3A_1608 = tpu.vector_load_idx %gather3A_1607[%iota3A, %broadcast_in_dim3A_1596] : memref<32x128xf32, #tpu.memory_space<vmem>>[vector<16xi32>, vector<16xi32>], vector<16xf32>,
      %gather3A_1609 = arith.constant 1 : i32
      %gather3A_1610 = arith.constant 1 : i32
      %gather3A_1611 = arith.constant 0 : i32
      %gather3A_1612 = arith.constant 0 : i32
      %gather3A_1613 = tpu.memref_slice %arg6[%gather3A_1609, %gather3A_1610, %gather3A_1611, %gather3A_1612] : memref<2x8x32x128xf32, #tpu.memory_space<vmem>> -> memref<1x1x32x128xf32, #tpu.memory_space<vmem>>
      %gather3A_1614 = tpu.memref_squeeze %gather3A_1613 : memref<1x1x32x128xf32, #tpu.memory_space<vmem>> -> memref<32x128xf32, #tpu.memory_space<vmem>>
      %gather3A_1615 = tpu.vector_load_idx %gather3A_1614[%add3A_5, %broadcast_in_dim3A_1596] : memref<32x128xf32, #tpu.memory_space<vmem>>[vector<16xi32>, vector<16xi32>], vector<16xf32>,
      tpu.vector_store_idx %arg7[%iota3A, %broadcast_in_dim3A_1601], %gather3A_1608 : memref<32x512xf32, #tpu.memory_space<vmem>>[vector<16xi32>, vector<16xi32>], vector<16xf32>,
      tpu.vector_store_idx %arg7[%add3A_5, %broadcast_in_dim3A_1601], %gather3A_1615 : memref<32x512xf32, #tpu.memory_space<vmem>>[vector<16xi32>, vector<16xi32>], vector<16xf32>,
      %slice3A_1616 = vector.extract_strided_slice %slice3A_1439 {offsets = [2], sizes = [1], strides = [1]} : vector<8xi32> to vector<1xi32>
      %squeeze3A_1617 = vector.extract %slice3A_1616[0] : i32 from vector<1xi32>
      %and3A_1618 = arith.constant 127 : i32
      %and3A_1619 = arith.andi %squeeze3A_1617, %and3A_1618 : i32
      %broadcast_in_dim3A_1620 = vector.broadcast %and3A_1619 : i32 to vector<16xi32>
      %mul3A_1621 = arith.constant 8 : i32
      %mul3A_1622 = arith.muli %add3A_1438, %mul3A_1621 : i32
      %add3A_1623 = arith.constant 2 : i32
      %add3A_1624 = arith.addi %mul3A_1622, %add3A_1623 : i32
      %broadcast_in_dim3A_1625 = vector.broadcast %add3A_1624 : i32 to vector<16xi32>
      %gather3A_1626 = arith.constant 1 : i32
      %gather3A_1627 = arith.constant 2 : i32
      %gather3A_1628 = arith.constant 0 : i32
      %gather3A_1629 = arith.constant 0 : i32
      %gather3A_1630 = tpu.memref_slice %arg6[%gather3A_1626, %gather3A_1627, %gather3A_1628, %gather3A_1629] : memref<2x8x32x128xf32, #tpu.memory_space<vmem>> -> memref<1x1x32x128xf32, #tpu.memory_space<vmem>>
      %gather3A_1631 = tpu.memref_squeeze %gather3A_1630 : memref<1x1x32x128xf32, #tpu.memory_space<vmem>> -> memref<32x128xf32, #tpu.memory_space<vmem>>
      %gather3A_1632 = tpu.vector_load_idx %gather3A_1631[%iota3A, %broadcast_in_dim3A_1620] : memref<32x128xf32, #tpu.memory_space<vmem>>[vector<16xi32>, vector<16xi32>], vector<16xf32>,
      %gather3A_1633 = arith.constant 1 : i32
      %gather3A_1634 = arith.constant 2 : i32
      %gather3A_1635 = arith.constant 0 : i32
      %gather3A_1636 = arith.constant 0 : i32
      %gather3A_1637 = tpu.memref_slice %arg6[%gather3A_1633, %gather3A_1634, %gather3A_1635, %gather3A_1636] : memref<2x8x32x128xf32, #tpu.memory_space<vmem>> -> memref<1x1x32x128xf32, #tpu.memory_space<vmem>>
      %gather3A_1638 = tpu.memref_squeeze %gather3A_1637 : memref<1x1x32x128xf32, #tpu.memory_space<vmem>> -> memref<32x128xf32, #tpu.memory_space<vmem>>
      %gather3A_1639 = tpu.vector_load_idx %gather3A_1638[%add3A_5, %broadcast_in_dim3A_1620] : memref<32x128xf32, #tpu.memory_space<vmem>>[vector<16xi32>, vector<16xi32>], vector<16xf32>,
      tpu.vector_store_idx %arg7[%iota3A, %broadcast_in_dim3A_1625], %gather3A_1632 : memref<32x512xf32, #tpu.memory_space<vmem>>[vector<16xi32>, vector<16xi32>], vector<16xf32>,
      tpu.vector_store_idx %arg7[%add3A_5, %broadcast_in_dim3A_1625], %gather3A_1639 : memref<32x512xf32, #tpu.memory_space<vmem>>[vector<16xi32>, vector<16xi32>], vector<16xf32>,
      %slice3A_1640 = vector.extract_strided_slice %slice3A_1439 {offsets = [3], sizes = [1], strides = [1]} : vector<8xi32> to vector<1xi32>
      %squeeze3A_1641 = vector.extract %slice3A_1640[0] : i32 from vector<1xi32>
      %and3A_1642 = arith.constant 127 : i32
      %and3A_1643 = arith.andi %squeeze3A_1641, %and3A_1642 : i32
      %broadcast_in_dim3A_1644 = vector.broadcast %and3A_1643 : i32 to vector<16xi32>
      %mul3A_1645 = arith.constant 8 : i32
      %mul3A_1646 = arith.muli %add3A_1438, %mul3A_1645 : i32
      %add3A_1647 = arith.constant 3 : i32
      %add3A_1648 = arith.addi %mul3A_1646, %add3A_1647 : i32
      %broadcast_in_dim3A_1649 = vector.broadcast %add3A_1648 : i32 to vector<16xi32>
      %gather3A_1650 = arith.constant 1 : i32
      %gather3A_1651 = arith.constant 3 : i32
      %gather3A_1652 = arith.constant 0 : i32
      %gather3A_1653 = arith.constant 0 : i32
      %gather3A_1654 = tpu.memref_slice %arg6[%gather3A_1650, %gather3A_1651, %gather3A_1652, %gather3A_1653] : memref<2x8x32x128xf32, #tpu.memory_space<vmem>> -> memref<1x1x32x128xf32, #tpu.memory_space<vmem>>
      %gather3A_1655 = tpu.memref_squeeze %gather3A_1654 : memref<1x1x32x128xf32, #tpu.memory_space<vmem>> -> memref<32x128xf32, #tpu.memory_space<vmem>>
      %gather3A_1656 = tpu.vector_load_idx %gather3A_1655[%iota3A, %broadcast_in_dim3A_1644] : memref<32x128xf32, #tpu.memory_space<vmem>>[vector<16xi32>, vector<16xi32>], vector<16xf32>,
      %gather3A_1657 = arith.constant 1 : i32
      %gather3A_1658 = arith.constant 3 : i32
      %gather3A_1659 = arith.constant 0 : i32
      %gather3A_1660 = arith.constant 0 : i32
      %gather3A_1661 = tpu.memref_slice %arg6[%gather3A_1657, %gather3A_1658, %gather3A_1659, %gather3A_1660] : memref<2x8x32x128xf32, #tpu.memory_space<vmem>> -> memref<1x1x32x128xf32, #tpu.memory_space<vmem>>
      %gather3A_1662 = tpu.memref_squeeze %gather3A_1661 : memref<1x1x32x128xf32, #tpu.memory_space<vmem>> -> memref<32x128xf32, #tpu.memory_space<vmem>>
      %gather3A_1663 = tpu.vector_load_idx %gather3A_1662[%add3A_5, %broadcast_in_dim3A_1644] : memref<32x128xf32, #tpu.memory_space<vmem>>[vector<16xi32>, vector<16xi32>], vector<16xf32>,
      tpu.vector_store_idx %arg7[%iota3A, %broadcast_in_dim3A_1649], %gather3A_1656 : memref<32x512xf32, #tpu.memory_space<vmem>>[vector<16xi32>, vector<16xi32>], vector<16xf32>,
      tpu.vector_store_idx %arg7[%add3A_5, %broadcast_in_dim3A_1649], %gather3A_1663 : memref<32x512xf32, #tpu.memory_space<vmem>>[vector<16xi32>, vector<16xi32>], vector<16xf32>,
      %slice3A_1664 = vector.extract_strided_slice %slice3A_1439 {offsets = [4], sizes = [1], strides = [1]} : vector<8xi32> to vector<1xi32>
      %squeeze3A_1665 = vector.extract %slice3A_1664[0] : i32 from vector<1xi32>
      %and3A_1666 = arith.constant 127 : i32
      %and3A_1667 = arith.andi %squeeze3A_1665, %and3A_1666 : i32
      %broadcast_in_dim3A_1668 = vector.broadcast %and3A_1667 : i32 to vector<16xi32>
      %mul3A_1669 = arith.constant 8 : i32
      %mul3A_1670 = arith.muli %add3A_1438, %mul3A_1669 : i32
      %add3A_1671 = arith.constant 4 : i32
      %add3A_1672 = arith.addi %mul3A_1670, %add3A_1671 : i32
      %broadcast_in_dim3A_1673 = vector.broadcast %add3A_1672 : i32 to vector<16xi32>
      %gather3A_1674 = arith.constant 1 : i32
      %gather3A_1675 = arith.constant 4 : i32
      %gather3A_1676 = arith.constant 0 : i32
      %gather3A_1677 = arith.constant 0 : i32
      %gather3A_1678 = tpu.memref_slice %arg6[%gather3A_1674, %gather3A_1675, %gather3A_1676, %gather3A_1677] : memref<2x8x32x128xf32, #tpu.memory_space<vmem>> -> memref<1x1x32x128xf32, #tpu.memory_space<vmem>>
      %gather3A_1679 = tpu.memref_squeeze %gather3A_1678 : memref<1x1x32x128xf32, #tpu.memory_space<vmem>> -> memref<32x128xf32, #tpu.memory_space<vmem>>
      %gather3A_1680 = tpu.vector_load_idx %gather3A_1679[%iota3A, %broadcast_in_dim3A_1668] : memref<32x128xf32, #tpu.memory_space<vmem>>[vector<16xi32>, vector<16xi32>], vector<16xf32>,
      %gather3A_1681 = arith.constant 1 : i32
      %gather3A_1682 = arith.constant 4 : i32
      %gather3A_1683 = arith.constant 0 : i32
      %gather3A_1684 = arith.constant 0 : i32
      %gather3A_1685 = tpu.memref_slice %arg6[%gather3A_1681, %gather3A_1682, %gather3A_1683, %gather3A_1684] : memref<2x8x32x128xf32, #tpu.memory_space<vmem>> -> memref<1x1x32x128xf32, #tpu.memory_space<vmem>>
      %gather3A_1686 = tpu.memref_squeeze %gather3A_1685 : memref<1x1x32x128xf32, #tpu.memory_space<vmem>> -> memref<32x128xf32, #tpu.memory_space<vmem>>
      %gather3A_1687 = tpu.vector_load_idx %gather3A_1686[%add3A_5, %broadcast_in_dim3A_1668] : memref<32x128xf32, #tpu.memory_space<vmem>>[vector<16xi32>, vector<16xi32>], vector<16xf32>,
      tpu.vector_store_idx %arg7[%iota3A, %broadcast_in_dim3A_1673], %gather3A_1680 : memref<32x512xf32, #tpu.memory_space<vmem>>[vector<16xi32>, vector<16xi32>], vector<16xf32>,
      tpu.vector_store_idx %arg7[%add3A_5, %broadcast_in_dim3A_1673], %gather3A_1687 : memref<32x512xf32, #tpu.memory_space<vmem>>[vector<16xi32>, vector<16xi32>], vector<16xf32>,
      %slice3A_1688 = vector.extract_strided_slice %slice3A_1439 {offsets = [5], sizes = [1], strides = [1]} : vector<8xi32> to vector<1xi32>
      %squeeze3A_1689 = vector.extract %slice3A_1688[0] : i32 from vector<1xi32>
      %and3A_1690 = arith.constant 127 : i32
      %and3A_1691 = arith.andi %squeeze3A_1689, %and3A_1690 : i32
      %broadcast_in_dim3A_1692 = vector.broadcast %and3A_1691 : i32 to vector<16xi32>
      %mul3A_1693 = arith.constant 8 : i32
      %mul3A_1694 = arith.muli %add3A_1438, %mul3A_1693 : i32
      %add3A_1695 = arith.constant 5 : i32
      %add3A_1696 = arith.addi %mul3A_1694, %add3A_1695 : i32
      %broadcast_in_dim3A_1697 = vector.broadcast %add3A_1696 : i32 to vector<16xi32>
      %gather3A_1698 = arith.constant 1 : i32
      %gather3A_1699 = arith.constant 5 : i32
      %gather3A_1700 = arith.constant 0 : i32
      %gather3A_1701 = arith.constant 0 : i32
      %gather3A_1702 = tpu.memref_slice %arg6[%gather3A_1698, %gather3A_1699, %gather3A_1700, %gather3A_1701] : memref<2x8x32x128xf32, #tpu.memory_space<vmem>> -> memref<1x1x32x128xf32, #tpu.memory_space<vmem>>
      %gather3A_1703 = tpu.memref_squeeze %gather3A_1702 : memref<1x1x32x128xf32, #tpu.memory_space<vmem>> -> memref<32x128xf32, #tpu.memory_space<vmem>>
      %gather3A_1704 = tpu.vector_load_idx %gather3A_1703[%iota3A, %broadcast_in_dim3A_1692] : memref<32x128xf32, #tpu.memory_space<vmem>>[vector<16xi32>, vector<16xi32>], vector<16xf32>,
      %gather3A_1705 = arith.constant 1 : i32
      %gather3A_1706 = arith.constant 5 : i32
      %gather3A_1707 = arith.constant 0 : i32
      %gather3A_1708 = arith.constant 0 : i32
      %gather3A_1709 = tpu.memref_slice %arg6[%gather3A_1705, %gather3A_1706, %gather3A_1707, %gather3A_1708] : memref<2x8x32x128xf32, #tpu.memory_space<vmem>> -> memref<1x1x32x128xf32, #tpu.memory_space<vmem>>
      %gather3A_1710 = tpu.memref_squeeze %gather3A_1709 : memref<1x1x32x128xf32, #tpu.memory_space<vmem>> -> memref<32x128xf32, #tpu.memory_space<vmem>>
      %gather3A_1711 = tpu.vector_load_idx %gather3A_1710[%add3A_5, %broadcast_in_dim3A_1692] : memref<32x128xf32, #tpu.memory_space<vmem>>[vector<16xi32>, vector<16xi32>], vector<16xf32>,
      tpu.vector_store_idx %arg7[%iota3A, %broadcast_in_dim3A_1697], %gather3A_1704 : memref<32x512xf32, #tpu.memory_space<vmem>>[vector<16xi32>, vector<16xi32>], vector<16xf32>,
      tpu.vector_store_idx %arg7[%add3A_5, %broadcast_in_dim3A_1697], %gather3A_1711 : memref<32x512xf32, #tpu.memory_space<vmem>>[vector<16xi32>, vector<16xi32>], vector<16xf32>,
      %slice3A_1712 = vector.extract_strided_slice %slice3A_1439 {offsets = [6], sizes = [1], strides = [1]} : vector<8xi32> to vector<1xi32>
      %squeeze3A_1713 = vector.extract %slice3A_1712[0] : i32 from vector<1xi32>
      %and3A_1714 = arith.constant 127 : i32
      %and3A_1715 = arith.andi %squeeze3A_1713, %and3A_1714 : i32
      %broadcast_in_dim3A_1716 = vector.broadcast %and3A_1715 : i32 to vector<16xi32>
      %mul3A_1717 = arith.constant 8 : i32
      %mul3A_1718 = arith.muli %add3A_1438, %mul3A_1717 : i32
      %add3A_1719 = arith.constant 6 : i32
      %add3A_1720 = arith.addi %mul3A_1718, %add3A_1719 : i32
      %broadcast_in_dim3A_1721 = vector.broadcast %add3A_1720 : i32 to vector<16xi32>
      %gather3A_1722 = arith.constant 1 : i32
      %gather3A_1723 = arith.constant 6 : i32
      %gather3A_1724 = arith.constant 0 : i32
      %gather3A_1725 = arith.constant 0 : i32
      %gather3A_1726 = tpu.memref_slice %arg6[%gather3A_1722, %gather3A_1723, %gather3A_1724, %gather3A_1725] : memref<2x8x32x128xf32, #tpu.memory_space<vmem>> -> memref<1x1x32x128xf32, #tpu.memory_space<vmem>>
      %gather3A_1727 = tpu.memref_squeeze %gather3A_1726 : memref<1x1x32x128xf32, #tpu.memory_space<vmem>> -> memref<32x128xf32, #tpu.memory_space<vmem>>
      %gather3A_1728 = tpu.vector_load_idx %gather3A_1727[%iota3A, %broadcast_in_dim3A_1716] : memref<32x128xf32, #tpu.memory_space<vmem>>[vector<16xi32>, vector<16xi32>], vector<16xf32>,
      %gather3A_1729 = arith.constant 1 : i32
      %gather3A_1730 = arith.constant 6 : i32
      %gather3A_1731 = arith.constant 0 : i32
      %gather3A_1732 = arith.constant 0 : i32
      %gather3A_1733 = tpu.memref_slice %arg6[%gather3A_1729, %gather3A_1730, %gather3A_1731, %gather3A_1732] : memref<2x8x32x128xf32, #tpu.memory_space<vmem>> -> memref<1x1x32x128xf32, #tpu.memory_space<vmem>>
      %gather3A_1734 = tpu.memref_squeeze %gather3A_1733 : memref<1x1x32x128xf32, #tpu.memory_space<vmem>> -> memref<32x128xf32, #tpu.memory_space<vmem>>
      %gather3A_1735 = tpu.vector_load_idx %gather3A_1734[%add3A_5, %broadcast_in_dim3A_1716] : memref<32x128xf32, #tpu.memory_space<vmem>>[vector<16xi32>, vector<16xi32>], vector<16xf32>,
      tpu.vector_store_idx %arg7[%iota3A, %broadcast_in_dim3A_1721], %gather3A_1728 : memref<32x512xf32, #tpu.memory_space<vmem>>[vector<16xi32>, vector<16xi32>], vector<16xf32>,
      tpu.vector_store_idx %arg7[%add3A_5, %broadcast_in_dim3A_1721], %gather3A_1735 : memref<32x512xf32, #tpu.memory_space<vmem>>[vector<16xi32>, vector<16xi32>], vector<16xf32>,
      %slice3A_1736 = vector.extract_strided_slice %slice3A_1439 {offsets = [7], sizes = [1], strides = [1]} : vector<8xi32> to vector<1xi32>
      %squeeze3A_1737 = vector.extract %slice3A_1736[0] : i32 from vector<1xi32>
      %and3A_1738 = arith.constant 127 : i32
      %and3A_1739 = arith.andi %squeeze3A_1737, %and3A_1738 : i32
      %broadcast_in_dim3A_1740 = vector.broadcast %and3A_1739 : i32 to vector<16xi32>
      %mul3A_1741 = arith.constant 8 : i32
      %mul3A_1742 = arith.muli %add3A_1438, %mul3A_1741 : i32
      %add3A_1743 = arith.constant 7 : i32
      %add3A_1744 = arith.addi %mul3A_1742, %add3A_1743 : i32
      %broadcast_in_dim3A_1745 = vector.broadcast %add3A_1744 : i32 to vector<16xi32>
      %gather3A_1746 = arith.constant 1 : i32
      %gather3A_1747 = arith.constant 7 : i32
      %gather3A_1748 = arith.constant 0 : i32
      %gather3A_1749 = arith.constant 0 : i32
      %gather3A_1750 = tpu.memref_slice %arg6[%gather3A_1746, %gather3A_1747, %gather3A_1748, %gather3A_1749] : memref<2x8x32x128xf32, #tpu.memory_space<vmem>> -> memref<1x1x32x128xf32, #tpu.memory_space<vmem>>
      %gather3A_1751 = tpu.memref_squeeze %gather3A_1750 : memref<1x1x32x128xf32, #tpu.memory_space<vmem>> -> memref<32x128xf32, #tpu.memory_space<vmem>>
      %gather3A_1752 = tpu.vector_load_idx %gather3A_1751[%iota3A, %broadcast_in_dim3A_1740] : memref<32x128xf32, #tpu.memory_space<vmem>>[vector<16xi32>, vector<16xi32>], vector<16xf32>,
      %gather3A_1753 = arith.constant 1 : i32
      %gather3A_1754 = arith.constant 7 : i32
      %gather3A_1755 = arith.constant 0 : i32
      %gather3A_1756 = arith.constant 0 : i32
      %gather3A_1757 = tpu.memref_slice %arg6[%gather3A_1753, %gather3A_1754, %gather3A_1755, %gather3A_1756] : memref<2x8x32x128xf32, #tpu.memory_space<vmem>> -> memref<1x1x32x128xf32, #tpu.memory_space<vmem>>
      %gather3A_1758 = tpu.memref_squeeze %gather3A_1757 : memref<1x1x32x128xf32, #tpu.memory_space<vmem>> -> memref<32x128xf32, #tpu.memory_space<vmem>>
      %gather3A_1759 = tpu.vector_load_idx %gather3A_1758[%add3A_5, %broadcast_in_dim3A_1740] : memref<32x128xf32, #tpu.memory_space<vmem>>[vector<16xi32>, vector<16xi32>], vector<16xf32>,
      tpu.vector_store_idx %arg7[%iota3A, %broadcast_in_dim3A_1745], %gather3A_1752 : memref<32x512xf32, #tpu.memory_space<vmem>>[vector<16xi32>, vector<16xi32>], vector<16xf32>,
      tpu.vector_store_idx %arg7[%add3A_5, %broadcast_in_dim3A_1745], %gather3A_1759 : memref<32x512xf32, #tpu.memory_space<vmem>>[vector<16xi32>, vector<16xi32>], vector<16xf32>,
      %slice3A_1760 = vector.extract_strided_slice %get3A_942 {offsets = [8], sizes = [8], strides = [1]} : vector<16xi32> to vector<8xi32>
      %slice3A_1761 = vector.extract_strided_slice %slice3A_1760 {offsets = [0], sizes = [1], strides = [1]} : vector<8xi32> to vector<1xi32>
      %squeeze3A_1762 = vector.extract %slice3A_1761[0] : i32 from vector<1xi32>
      %shift_right_logical3A_1763 = arith.constant 7 : i32
      %shift_right_logical3A_1764 = arith.shrui %squeeze3A_1762, %shift_right_logical3A_1763 : i32
      %mul3A_1765 = arith.constant 128 : i32
      %mul3A_1766 = arith.muli %shift_right_logical3A_1764, %mul3A_1765 : i32
      %multiple_of3A_1767 = tpu.assume_multiple %mul3A_1766, 128 : i32
      %dma_start3A_1768 = arith.constant 1 : i32
      %dma_start3A_1769 = arith.constant 0 : i32
      %dma_start3A_1770 = arith.constant 0 : i32
      %dma_start3A_1771 = arith.constant 0 : i32
      %dma_start3A_1772 = tpu.memref_slice %arg6[%dma_start3A_1768, %dma_start3A_1769, %dma_start3A_1770, %dma_start3A_1771] : memref<2x8x32x128xf32, #tpu.memory_space<vmem>> -> memref<1x1x32x128xf32, #tpu.memory_space<vmem>>
      %dma_start3A_1773 = tpu.memref_squeeze %dma_start3A_1772 : memref<1x1x32x128xf32, #tpu.memory_space<vmem>> -> memref<32x128xf32, #tpu.memory_space<vmem>>
      %dma_start3A_1774 = arith.constant 0 : i32
      %dma_start3A_1775 = tpu.memref_slice %arg3[%dma_start3A_1774, %multiple_of3A_1767] : memref<32x1000000xf32, #tpu.memory_space<hbm>> -> memref<32x128xf32, #tpu.memory_space<hbm>>
      %dma_start3A_1776 = arith.constant 0 : i32
      %dma_start3A_1777 = arith.constant 0 : i32
      %dma_start3A_1778 = tpu.memref_slice %arg6[%dma_start3A_1768, %dma_start3A_1769, %dma_start3A_1776, %dma_start3A_1777] : memref<2x8x32x128xf32, #tpu.memory_space<vmem>> -> memref<1x1x32x128xf32, #tpu.memory_space<vmem>>
      %dma_start3A_1779 = tpu.memref_squeeze %dma_start3A_1778 : memref<1x1x32x128xf32, #tpu.memory_space<vmem>> -> memref<32x128xf32, #tpu.memory_space<vmem>>
      %dma_start3A_1780 = arith.constant 0 : i32
      %dma_start3A_1781 = tpu.memref_slice %arg3[%dma_start3A_1780, %multiple_of3A_1767] : memref<32x1000000xf32, #tpu.memory_space<hbm>> -> memref<32x128xf32, #tpu.memory_space<hbm>>
      tpu.enqueue_dma source(%dma_start3A_1781 : memref<32x128xf32, #tpu.memory_space<hbm>>) target(%dma_start3A_1779 : memref<32x128xf32, #tpu.memory_space<vmem>>) target_semaphore(%arg9 : memref<!tpu.dma_semaphore, #tpu.memory_space<semaphore_mem>>)
      %slice3A_1782 = vector.extract_strided_slice %slice3A_1760 {offsets = [1], sizes = [1], strides = [1]} : vector<8xi32> to vector<1xi32>
      %squeeze3A_1783 = vector.extract %slice3A_1782[0] : i32 from vector<1xi32>
      %shift_right_logical3A_1784 = arith.constant 7 : i32
      %shift_right_logical3A_1785 = arith.shrui %squeeze3A_1783, %shift_right_logical3A_1784 : i32
      %mul3A_1786 = arith.constant 128 : i32
      %mul3A_1787 = arith.muli %shift_right_logical3A_1785, %mul3A_1786 : i32
      %multiple_of3A_1788 = tpu.assume_multiple %mul3A_1787, 128 : i32
      %dma_start3A_1789 = arith.constant 1 : i32
      %dma_start3A_1790 = arith.constant 1 : i32
      %dma_start3A_1791 = arith.constant 0 : i32
      %dma_start3A_1792 = arith.constant 0 : i32
      %dma_start3A_1793 = tpu.memref_slice %arg6[%dma_start3A_1789, %dma_start3A_1790, %dma_start3A_1791, %dma_start3A_1792] : memref<2x8x32x128xf32, #tpu.memory_space<vmem>> -> memref<1x1x32x128xf32, #tpu.memory_space<vmem>>
      %dma_start3A_1794 = tpu.memref_squeeze %dma_start3A_1793 : memref<1x1x32x128xf32, #tpu.memory_space<vmem>> -> memref<32x128xf32, #tpu.memory_space<vmem>>
      %dma_start3A_1795 = arith.constant 0 : i32
      %dma_start3A_1796 = tpu.memref_slice %arg3[%dma_start3A_1795, %multiple_of3A_1788] : memref<32x1000000xf32, #tpu.memory_space<hbm>> -> memref<32x128xf32, #tpu.memory_space<hbm>>
      %dma_start3A_1797 = arith.constant 0 : i32
      %dma_start3A_1798 = arith.constant 0 : i32
      %dma_start3A_1799 = tpu.memref_slice %arg6[%dma_start3A_1789, %dma_start3A_1790, %dma_start3A_1797, %dma_start3A_1798] : memref<2x8x32x128xf32, #tpu.memory_space<vmem>> -> memref<1x1x32x128xf32, #tpu.memory_space<vmem>>
      %dma_start3A_1800 = tpu.memref_squeeze %dma_start3A_1799 : memref<1x1x32x128xf32, #tpu.memory_space<vmem>> -> memref<32x128xf32, #tpu.memory_space<vmem>>
      %dma_start3A_1801 = arith.constant 0 : i32
      %dma_start3A_1802 = tpu.memref_slice %arg3[%dma_start3A_1801, %multiple_of3A_1788] : memref<32x1000000xf32, #tpu.memory_space<hbm>> -> memref<32x128xf32, #tpu.memory_space<hbm>>
      tpu.enqueue_dma source(%dma_start3A_1802 : memref<32x128xf32, #tpu.memory_space<hbm>>) target(%dma_start3A_1800 : memref<32x128xf32, #tpu.memory_space<vmem>>) target_semaphore(%arg9 : memref<!tpu.dma_semaphore, #tpu.memory_space<semaphore_mem>>)
      %slice3A_1803 = vector.extract_strided_slice %slice3A_1760 {offsets = [2], sizes = [1], strides = [1]} : vector<8xi32> to vector<1xi32>
      %squeeze3A_1804 = vector.extract %slice3A_1803[0] : i32 from vector<1xi32>
      %shift_right_logical3A_1805 = arith.constant 7 : i32
      %shift_right_logical3A_1806 = arith.shrui %squeeze3A_1804, %shift_right_logical3A_1805 : i32
      %mul3A_1807 = arith.constant 128 : i32
      %mul3A_1808 = arith.muli %shift_right_logical3A_1806, %mul3A_1807 : i32
      %multiple_of3A_1809 = tpu.assume_multiple %mul3A_1808, 128 : i32
      %dma_start3A_1810 = arith.constant 1 : i32
      %dma_start3A_1811 = arith.constant 2 : i32
      %dma_start3A_1812 = arith.constant 0 : i32
      %dma_start3A_1813 = arith.constant 0 : i32
      %dma_start3A_1814 = tpu.memref_slice %arg6[%dma_start3A_1810, %dma_start3A_1811, %dma_start3A_1812, %dma_start3A_1813] : memref<2x8x32x128xf32, #tpu.memory_space<vmem>> -> memref<1x1x32x128xf32, #tpu.memory_space<vmem>>
      %dma_start3A_1815 = tpu.memref_squeeze %dma_start3A_1814 : memref<1x1x32x128xf32, #tpu.memory_space<vmem>> -> memref<32x128xf32, #tpu.memory_space<vmem>>
      %dma_start3A_1816 = arith.constant 0 : i32
      %dma_start3A_1817 = tpu.memref_slice %arg3[%dma_start3A_1816, %multiple_of3A_1809] : memref<32x1000000xf32, #tpu.memory_space<hbm>> -> memref<32x128xf32, #tpu.memory_space<hbm>>
      %dma_start3A_1818 = arith.constant 0 : i32
      %dma_start3A_1819 = arith.constant 0 : i32
      %dma_start3A_1820 = tpu.memref_slice %arg6[%dma_start3A_1810, %dma_start3A_1811, %dma_start3A_1818, %dma_start3A_1819] : memref<2x8x32x128xf32, #tpu.memory_space<vmem>> -> memref<1x1x32x128xf32, #tpu.memory_space<vmem>>
      %dma_start3A_1821 = tpu.memref_squeeze %dma_start3A_1820 : memref<1x1x32x128xf32, #tpu.memory_space<vmem>> -> memref<32x128xf32, #tpu.memory_space<vmem>>
      %dma_start3A_1822 = arith.constant 0 : i32
      %dma_start3A_1823 = tpu.memref_slice %arg3[%dma_start3A_1822, %multiple_of3A_1809] : memref<32x1000000xf32, #tpu.memory_space<hbm>> -> memref<32x128xf32, #tpu.memory_space<hbm>>
      tpu.enqueue_dma source(%dma_start3A_1823 : memref<32x128xf32, #tpu.memory_space<hbm>>) target(%dma_start3A_1821 : memref<32x128xf32, #tpu.memory_space<vmem>>) target_semaphore(%arg9 : memref<!tpu.dma_semaphore, #tpu.memory_space<semaphore_mem>>)
      %slice3A_1824 = vector.extract_strided_slice %slice3A_1760 {offsets = [3], sizes = [1], strides = [1]} : vector<8xi32> to vector<1xi32>
      %squeeze3A_1825 = vector.extract %slice3A_1824[0] : i32 from vector<1xi32>
      %shift_right_logical3A_1826 = arith.constant 7 : i32
      %shift_right_logical3A_1827 = arith.shrui %squeeze3A_1825, %shift_right_logical3A_1826 : i32
      %mul3A_1828 = arith.constant 128 : i32
      %mul3A_1829 = arith.muli %shift_right_logical3A_1827, %mul3A_1828 : i32
      %multiple_of3A_1830 = tpu.assume_multiple %mul3A_1829, 128 : i32
      %dma_start3A_1831 = arith.constant 1 : i32
      %dma_start3A_1832 = arith.constant 3 : i32
      %dma_start3A_1833 = arith.constant 0 : i32
      %dma_start3A_1834 = arith.constant 0 : i32
      %dma_start3A_1835 = tpu.memref_slice %arg6[%dma_start3A_1831, %dma_start3A_1832, %dma_start3A_1833, %dma_start3A_1834] : memref<2x8x32x128xf32, #tpu.memory_space<vmem>> -> memref<1x1x32x128xf32, #tpu.memory_space<vmem>>
      %dma_start3A_1836 = tpu.memref_squeeze %dma_start3A_1835 : memref<1x1x32x128xf32, #tpu.memory_space<vmem>> -> memref<32x128xf32, #tpu.memory_space<vmem>>
      %dma_start3A_1837 = arith.constant 0 : i32
      %dma_start3A_1838 = tpu.memref_slice %arg3[%dma_start3A_1837, %multiple_of3A_1830] : memref<32x1000000xf32, #tpu.memory_space<hbm>> -> memref<32x128xf32, #tpu.memory_space<hbm>>
      %dma_start3A_1839 = arith.constant 0 : i32
      %dma_start3A_1840 = arith.constant 0 : i32
      %dma_start3A_1841 = tpu.memref_slice %arg6[%dma_start3A_1831, %dma_start3A_1832, %dma_start3A_1839, %dma_start3A_1840] : memref<2x8x32x128xf32, #tpu.memory_space<vmem>> -> memref<1x1x32x128xf32, #tpu.memory_space<vmem>>
      %dma_start3A_1842 = tpu.memref_squeeze %dma_start3A_1841 : memref<1x1x32x128xf32, #tpu.memory_space<vmem>> -> memref<32x128xf32, #tpu.memory_space<vmem>>
      %dma_start3A_1843 = arith.constant 0 : i32
      %dma_start3A_1844 = tpu.memref_slice %arg3[%dma_start3A_1843, %multiple_of3A_1830] : memref<32x1000000xf32, #tpu.memory_space<hbm>> -> memref<32x128xf32, #tpu.memory_space<hbm>>
      tpu.enqueue_dma source(%dma_start3A_1844 : memref<32x128xf32, #tpu.memory_space<hbm>>) target(%dma_start3A_1842 : memref<32x128xf32, #tpu.memory_space<vmem>>) target_semaphore(%arg9 : memref<!tpu.dma_semaphore, #tpu.memory_space<semaphore_mem>>)
      %slice3A_1845 = vector.extract_strided_slice %slice3A_1760 {offsets = [4], sizes = [1], strides = [1]} : vector<8xi32> to vector<1xi32>
      %squeeze3A_1846 = vector.extract %slice3A_1845[0] : i32 from vector<1xi32>
      %shift_right_logical3A_1847 = arith.constant 7 : i32
      %shift_right_logical3A_1848 = arith.shrui %squeeze3A_1846, %shift_right_logical3A_1847 : i32
      %mul3A_1849 = arith.constant 128 : i32
      %mul3A_1850 = arith.muli %shift_right_logical3A_1848, %mul3A_1849 : i32
      %multiple_of3A_1851 = tpu.assume_multiple %mul3A_1850, 128 : i32
      %dma_start3A_1852 = arith.constant 1 : i32
      %dma_start3A_1853 = arith.constant 4 : i32
      %dma_start3A_1854 = arith.constant 0 : i32
      %dma_start3A_1855 = arith.constant 0 : i32
      %dma_start3A_1856 = tpu.memref_slice %arg6[%dma_start3A_1852, %dma_start3A_1853, %dma_start3A_1854, %dma_start3A_1855] : memref<2x8x32x128xf32, #tpu.memory_space<vmem>> -> memref<1x1x32x128xf32, #tpu.memory_space<vmem>>
      %dma_start3A_1857 = tpu.memref_squeeze %dma_start3A_1856 : memref<1x1x32x128xf32, #tpu.memory_space<vmem>> -> memref<32x128xf32, #tpu.memory_space<vmem>>
      %dma_start3A_1858 = arith.constant 0 : i32
      %dma_start3A_1859 = tpu.memref_slice %arg3[%dma_start3A_1858, %multiple_of3A_1851] : memref<32x1000000xf32, #tpu.memory_space<hbm>> -> memref<32x128xf32, #tpu.memory_space<hbm>>
      %dma_start3A_1860 = arith.constant 0 : i32
      %dma_start3A_1861 = arith.constant 0 : i32
      %dma_start3A_1862 = tpu.memref_slice %arg6[%dma_start3A_1852, %dma_start3A_1853, %dma_start3A_1860, %dma_start3A_1861] : memref<2x8x32x128xf32, #tpu.memory_space<vmem>> -> memref<1x1x32x128xf32, #tpu.memory_space<vmem>>
      %dma_start3A_1863 = tpu.memref_squeeze %dma_start3A_1862 : memref<1x1x32x128xf32, #tpu.memory_space<vmem>> -> memref<32x128xf32, #tpu.memory_space<vmem>>
      %dma_start3A_1864 = arith.constant 0 : i32
      %dma_start3A_1865 = tpu.memref_slice %arg3[%dma_start3A_1864, %multiple_of3A_1851] : memref<32x1000000xf32, #tpu.memory_space<hbm>> -> memref<32x128xf32, #tpu.memory_space<hbm>>
      tpu.enqueue_dma source(%dma_start3A_1865 : memref<32x128xf32, #tpu.memory_space<hbm>>) target(%dma_start3A_1863 : memref<32x128xf32, #tpu.memory_space<vmem>>) target_semaphore(%arg9 : memref<!tpu.dma_semaphore, #tpu.memory_space<semaphore_mem>>)
      %slice3A_1866 = vector.extract_strided_slice %slice3A_1760 {offsets = [5], sizes = [1], strides = [1]} : vector<8xi32> to vector<1xi32>
      %squeeze3A_1867 = vector.extract %slice3A_1866[0] : i32 from vector<1xi32>
      %shift_right_logical3A_1868 = arith.constant 7 : i32
      %shift_right_logical3A_1869 = arith.shrui %squeeze3A_1867, %shift_right_logical3A_1868 : i32
      %mul3A_1870 = arith.constant 128 : i32
      %mul3A_1871 = arith.muli %shift_right_logical3A_1869, %mul3A_1870 : i32
      %multiple_of3A_1872 = tpu.assume_multiple %mul3A_1871, 128 : i32
      %dma_start3A_1873 = arith.constant 1 : i32
      %dma_start3A_1874 = arith.constant 5 : i32
      %dma_start3A_1875 = arith.constant 0 : i32
      %dma_start3A_1876 = arith.constant 0 : i32
      %dma_start3A_1877 = tpu.memref_slice %arg6[%dma_start3A_1873, %dma_start3A_1874, %dma_start3A_1875, %dma_start3A_1876] : memref<2x8x32x128xf32, #tpu.memory_space<vmem>> -> memref<1x1x32x128xf32, #tpu.memory_space<vmem>>
      %dma_start3A_1878 = tpu.memref_squeeze %dma_start3A_1877 : memref<1x1x32x128xf32, #tpu.memory_space<vmem>> -> memref<32x128xf32, #tpu.memory_space<vmem>>
      %dma_start3A_1879 = arith.constant 0 : i32
      %dma_start3A_1880 = tpu.memref_slice %arg3[%dma_start3A_1879, %multiple_of3A_1872] : memref<32x1000000xf32, #tpu.memory_space<hbm>> -> memref<32x128xf32, #tpu.memory_space<hbm>>
      %dma_start3A_1881 = arith.constant 0 : i32
      %dma_start3A_1882 = arith.constant 0 : i32
      %dma_start3A_1883 = tpu.memref_slice %arg6[%dma_start3A_1873, %dma_start3A_1874, %dma_start3A_1881, %dma_start3A_1882] : memref<2x8x32x128xf32, #tpu.memory_space<vmem>> -> memref<1x1x32x128xf32, #tpu.memory_space<vmem>>
      %dma_start3A_1884 = tpu.memref_squeeze %dma_start3A_1883 : memref<1x1x32x128xf32, #tpu.memory_space<vmem>> -> memref<32x128xf32, #tpu.memory_space<vmem>>
      %dma_start3A_1885 = arith.constant 0 : i32
      %dma_start3A_1886 = tpu.memref_slice %arg3[%dma_start3A_1885, %multiple_of3A_1872] : memref<32x1000000xf32, #tpu.memory_space<hbm>> -> memref<32x128xf32, #tpu.memory_space<hbm>>
      tpu.enqueue_dma source(%dma_start3A_1886 : memref<32x128xf32, #tpu.memory_space<hbm>>) target(%dma_start3A_1884 : memref<32x128xf32, #tpu.memory_space<vmem>>) target_semaphore(%arg9 : memref<!tpu.dma_semaphore, #tpu.memory_space<semaphore_mem>>)
      %slice3A_1887 = vector.extract_strided_slice %slice3A_1760 {offsets = [6], sizes = [1], strides = [1]} : vector<8xi32> to vector<1xi32>
      %squeeze3A_1888 = vector.extract %slice3A_1887[0] : i32 from vector<1xi32>
      %shift_right_logical3A_1889 = arith.constant 7 : i32
      %shift_right_logical3A_1890 = arith.shrui %squeeze3A_1888, %shift_right_logical3A_1889 : i32
      %mul3A_1891 = arith.constant 128 : i32
      %mul3A_1892 = arith.muli %shift_right_logical3A_1890, %mul3A_1891 : i32
      %multiple_of3A_1893 = tpu.assume_multiple %mul3A_1892, 128 : i32
      %dma_start3A_1894 = arith.constant 1 : i32
      %dma_start3A_1895 = arith.constant 6 : i32
      %dma_start3A_1896 = arith.constant 0 : i32
      %dma_start3A_1897 = arith.constant 0 : i32
      %dma_start3A_1898 = tpu.memref_slice %arg6[%dma_start3A_1894, %dma_start3A_1895, %dma_start3A_1896, %dma_start3A_1897] : memref<2x8x32x128xf32, #tpu.memory_space<vmem>> -> memref<1x1x32x128xf32, #tpu.memory_space<vmem>>
      %dma_start3A_1899 = tpu.memref_squeeze %dma_start3A_1898 : memref<1x1x32x128xf32, #tpu.memory_space<vmem>> -> memref<32x128xf32, #tpu.memory_space<vmem>>
      %dma_start3A_1900 = arith.constant 0 : i32
      %dma_start3A_1901 = tpu.memref_slice %arg3[%dma_start3A_1900, %multiple_of3A_1893] : memref<32x1000000xf32, #tpu.memory_space<hbm>> -> memref<32x128xf32, #tpu.memory_space<hbm>>
      %dma_start3A_1902 = arith.constant 0 : i32
      %dma_start3A_1903 = arith.constant 0 : i32
      %dma_start3A_1904 = tpu.memref_slice %arg6[%dma_start3A_1894, %dma_start3A_1895, %dma_start3A_1902, %dma_start3A_1903] : memref<2x8x32x128xf32, #tpu.memory_space<vmem>> -> memref<1x1x32x128xf32, #tpu.memory_space<vmem>>
      %dma_start3A_1905 = tpu.memref_squeeze %dma_start3A_1904 : memref<1x1x32x128xf32, #tpu.memory_space<vmem>> -> memref<32x128xf32, #tpu.memory_space<vmem>>
      %dma_start3A_1906 = arith.constant 0 : i32
      %dma_start3A_1907 = tpu.memref_slice %arg3[%dma_start3A_1906, %multiple_of3A_1893] : memref<32x1000000xf32, #tpu.memory_space<hbm>> -> memref<32x128xf32, #tpu.memory_space<hbm>>
      tpu.enqueue_dma source(%dma_start3A_1907 : memref<32x128xf32, #tpu.memory_space<hbm>>) target(%dma_start3A_1905 : memref<32x128xf32, #tpu.memory_space<vmem>>) target_semaphore(%arg9 : memref<!tpu.dma_semaphore, #tpu.memory_space<semaphore_mem>>)
      %slice3A_1908 = vector.extract_strided_slice %slice3A_1760 {offsets = [7], sizes = [1], strides = [1]} : vector<8xi32> to vector<1xi32>
      %squeeze3A_1909 = vector.extract %slice3A_1908[0] : i32 from vector<1xi32>
      %shift_right_logical3A_1910 = arith.constant 7 : i32
      %shift_right_logical3A_1911 = arith.shrui %squeeze3A_1909, %shift_right_logical3A_1910 : i32
      %mul3A_1912 = arith.constant 128 : i32
      %mul3A_1913 = arith.muli %shift_right_logical3A_1911, %mul3A_1912 : i32
      %multiple_of3A_1914 = tpu.assume_multiple %mul3A_1913, 128 : i32
      %dma_start3A_1915 = arith.constant 1 : i32
      %dma_start3A_1916 = arith.constant 7 : i32
      %dma_start3A_1917 = arith.constant 0 : i32
      %dma_start3A_1918 = arith.constant 0 : i32
      %dma_start3A_1919 = tpu.memref_slice %arg6[%dma_start3A_1915, %dma_start3A_1916, %dma_start3A_1917, %dma_start3A_1918] : memref<2x8x32x128xf32, #tpu.memory_space<vmem>> -> memref<1x1x32x128xf32, #tpu.memory_space<vmem>>
      %dma_start3A_1920 = tpu.memref_squeeze %dma_start3A_1919 : memref<1x1x32x128xf32, #tpu.memory_space<vmem>> -> memref<32x128xf32, #tpu.memory_space<vmem>>
      %dma_start3A_1921 = arith.constant 0 : i32
      %dma_start3A_1922 = tpu.memref_slice %arg3[%dma_start3A_1921, %multiple_of3A_1914] : memref<32x1000000xf32, #tpu.memory_space<hbm>> -> memref<32x128xf32, #tpu.memory_space<hbm>>
      %dma_start3A_1923 = arith.constant 0 : i32
      %dma_start3A_1924 = arith.constant 0 : i32
      %dma_start3A_1925 = tpu.memref_slice %arg6[%dma_start3A_1915, %dma_start3A_1916, %dma_start3A_1923, %dma_start3A_1924] : memref<2x8x32x128xf32, #tpu.memory_space<vmem>> -> memref<1x1x32x128xf32, #tpu.memory_space<vmem>>
      %dma_start3A_1926 = tpu.memref_squeeze %dma_start3A_1925 : memref<1x1x32x128xf32, #tpu.memory_space<vmem>> -> memref<32x128xf32, #tpu.memory_space<vmem>>
      %dma_start3A_1927 = arith.constant 0 : i32
      %dma_start3A_1928 = tpu.memref_slice %arg3[%dma_start3A_1927, %multiple_of3A_1914] : memref<32x1000000xf32, #tpu.memory_space<hbm>> -> memref<32x128xf32, #tpu.memory_space<hbm>>
      tpu.enqueue_dma source(%dma_start3A_1928 : memref<32x128xf32, #tpu.memory_space<hbm>>) target(%dma_start3A_1926 : memref<32x128xf32, #tpu.memory_space<vmem>>) target_semaphore(%arg9 : memref<!tpu.dma_semaphore, #tpu.memory_space<semaphore_mem>>)
      scf.yield %get3A_942 : vector<16xi32>
    }
    %scan3A_344 = arith.constant 31 : i32
    %slice3A_345 = vector.extract_strided_slice %scan3A_343 {offsets = [0], sizes = [8], strides = [1]} : vector<16xi32> to vector<8xi32>
    %dma_wait3A = arith.constant 0 : i32
    %dma_wait3A_346 = arith.constant 0 : i32
    %dma_wait3A_347 = arith.constant 0 : i32
    %dma_wait3A_348 = arith.constant 0 : i32
    %dma_wait3A_349 = tpu.memref_slice %arg6[%dma_wait3A, %dma_wait3A_346, %dma_wait3A_347, %dma_wait3A_348] : memref<2x8x32x128xf32, #tpu.memory_space<vmem>> -> memref<1x1x32x128xf32, #tpu.memory_space<vmem>>
    %dma_wait3A_350 = tpu.memref_squeeze %dma_wait3A_349 : memref<1x1x32x128xf32, #tpu.memory_space<vmem>> -> memref<32x128xf32, #tpu.memory_space<vmem>>
    %dma_wait3A_351 = arith.constant 0 : i32
    %dma_wait3A_352 = arith.constant 0 : i32
    %dma_wait3A_353 = tpu.memref_slice %arg3[%dma_wait3A_351, %dma_wait3A_352] : memref<32x1000000xf32, #tpu.memory_space<hbm>> -> memref<32x128xf32, #tpu.memory_space<hbm>>
    %dma_wait3A_354 = arith.constant 0 : i32
    %dma_wait3A_355 = arith.constant 0 : i32
    %dma_wait3A_356 = tpu.memref_slice %arg6[%dma_wait3A, %dma_wait3A_346, %dma_wait3A_354, %dma_wait3A_355] : memref<2x8x32x128xf32, #tpu.memory_space<vmem>> -> memref<1x1x32x128xf32, #tpu.memory_space<vmem>>
    %dma_wait3A_357 = tpu.memref_squeeze %dma_wait3A_356 : memref<1x1x32x128xf32, #tpu.memory_space<vmem>> -> memref<32x128xf32, #tpu.memory_space<vmem>>
    %dma_wait3A_358 = arith.constant 0 : i32
    %dma_wait3A_359 = arith.constant 0 : i32
    %dma_wait3A_360 = tpu.memref_slice %arg3[%dma_wait3A_358, %dma_wait3A_359] : memref<32x1000000xf32, #tpu.memory_space<hbm>> -> memref<32x128xf32, #tpu.memory_space<hbm>>
    tpu.wait_dma2 semaphore(%arg8 : memref<!tpu.dma_semaphore, #tpu.memory_space<semaphore_mem>>) src(%dma_wait3A_360 : memref<32x128xf32, #tpu.memory_space<hbm>>) dst(%dma_wait3A_357 : memref<32x128xf32, #tpu.memory_space<vmem>>)
    %dma_wait3A_361 = arith.constant 0 : i32
    %dma_wait3A_362 = arith.constant 1 : i32
    %dma_wait3A_363 = arith.constant 0 : i32
    %dma_wait3A_364 = arith.constant 0 : i32
    %dma_wait3A_365 = tpu.memref_slice %arg6[%dma_wait3A_361, %dma_wait3A_362, %dma_wait3A_363, %dma_wait3A_364] : memref<2x8x32x128xf32, #tpu.memory_space<vmem>> -> memref<1x1x32x128xf32, #tpu.memory_space<vmem>>
    %dma_wait3A_366 = tpu.memref_squeeze %dma_wait3A_365 : memref<1x1x32x128xf32, #tpu.memory_space<vmem>> -> memref<32x128xf32, #tpu.memory_space<vmem>>
    %dma_wait3A_367 = arith.constant 0 : i32
    %dma_wait3A_368 = arith.constant 0 : i32
    %dma_wait3A_369 = tpu.memref_slice %arg3[%dma_wait3A_367, %dma_wait3A_368] : memref<32x1000000xf32, #tpu.memory_space<hbm>> -> memref<32x128xf32, #tpu.memory_space<hbm>>
    %dma_wait3A_370 = arith.constant 0 : i32
    %dma_wait3A_371 = arith.constant 0 : i32
    %dma_wait3A_372 = tpu.memref_slice %arg6[%dma_wait3A_361, %dma_wait3A_362, %dma_wait3A_370, %dma_wait3A_371] : memref<2x8x32x128xf32, #tpu.memory_space<vmem>> -> memref<1x1x32x128xf32, #tpu.memory_space<vmem>>
    %dma_wait3A_373 = tpu.memref_squeeze %dma_wait3A_372 : memref<1x1x32x128xf32, #tpu.memory_space<vmem>> -> memref<32x128xf32, #tpu.memory_space<vmem>>
    %dma_wait3A_374 = arith.constant 0 : i32
    %dma_wait3A_375 = arith.constant 0 : i32
    %dma_wait3A_376 = tpu.memref_slice %arg3[%dma_wait3A_374, %dma_wait3A_375] : memref<32x1000000xf32, #tpu.memory_space<hbm>> -> memref<32x128xf32, #tpu.memory_space<hbm>>
    tpu.wait_dma2 semaphore(%arg8 : memref<!tpu.dma_semaphore, #tpu.memory_space<semaphore_mem>>) src(%dma_wait3A_376 : memref<32x128xf32, #tpu.memory_space<hbm>>) dst(%dma_wait3A_373 : memref<32x128xf32, #tpu.memory_space<vmem>>)
    %dma_wait3A_377 = arith.constant 0 : i32
    %dma_wait3A_378 = arith.constant 2 : i32
    %dma_wait3A_379 = arith.constant 0 : i32
    %dma_wait3A_380 = arith.constant 0 : i32
    %dma_wait3A_381 = tpu.memref_slice %arg6[%dma_wait3A_377, %dma_wait3A_378, %dma_wait3A_379, %dma_wait3A_380] : memref<2x8x32x128xf32, #tpu.memory_space<vmem>> -> memref<1x1x32x128xf32, #tpu.memory_space<vmem>>
    %dma_wait3A_382 = tpu.memref_squeeze %dma_wait3A_381 : memref<1x1x32x128xf32, #tpu.memory_space<vmem>> -> memref<32x128xf32, #tpu.memory_space<vmem>>
    %dma_wait3A_383 = arith.constant 0 : i32
    %dma_wait3A_384 = arith.constant 0 : i32
    %dma_wait3A_385 = tpu.memref_slice %arg3[%dma_wait3A_383, %dma_wait3A_384] : memref<32x1000000xf32, #tpu.memory_space<hbm>> -> memref<32x128xf32, #tpu.memory_space<hbm>>
    %dma_wait3A_386 = arith.constant 0 : i32
    %dma_wait3A_387 = arith.constant 0 : i32
    %dma_wait3A_388 = tpu.memref_slice %arg6[%dma_wait3A_377, %dma_wait3A_378, %dma_wait3A_386, %dma_wait3A_387] : memref<2x8x32x128xf32, #tpu.memory_space<vmem>> -> memref<1x1x32x128xf32, #tpu.memory_space<vmem>>
    %dma_wait3A_389 = tpu.memref_squeeze %dma_wait3A_388 : memref<1x1x32x128xf32, #tpu.memory_space<vmem>> -> memref<32x128xf32, #tpu.memory_space<vmem>>
    %dma_wait3A_390 = arith.constant 0 : i32
    %dma_wait3A_391 = arith.constant 0 : i32
    %dma_wait3A_392 = tpu.memref_slice %arg3[%dma_wait3A_390, %dma_wait3A_391] : memref<32x1000000xf32, #tpu.memory_space<hbm>> -> memref<32x128xf32, #tpu.memory_space<hbm>>
    tpu.wait_dma2 semaphore(%arg8 : memref<!tpu.dma_semaphore, #tpu.memory_space<semaphore_mem>>) src(%dma_wait3A_392 : memref<32x128xf32, #tpu.memory_space<hbm>>) dst(%dma_wait3A_389 : memref<32x128xf32, #tpu.memory_space<vmem>>)
    %dma_wait3A_393 = arith.constant 0 : i32
    %dma_wait3A_394 = arith.constant 3 : i32
    %dma_wait3A_395 = arith.constant 0 : i32
    %dma_wait3A_396 = arith.constant 0 : i32
    %dma_wait3A_397 = tpu.memref_slice %arg6[%dma_wait3A_393, %dma_wait3A_394, %dma_wait3A_395, %dma_wait3A_396] : memref<2x8x32x128xf32, #tpu.memory_space<vmem>> -> memref<1x1x32x128xf32, #tpu.memory_space<vmem>>
    %dma_wait3A_398 = tpu.memref_squeeze %dma_wait3A_397 : memref<1x1x32x128xf32, #tpu.memory_space<vmem>> -> memref<32x128xf32, #tpu.memory_space<vmem>>
    %dma_wait3A_399 = arith.constant 0 : i32
    %dma_wait3A_400 = arith.constant 0 : i32
    %dma_wait3A_401 = tpu.memref_slice %arg3[%dma_wait3A_399, %dma_wait3A_400] : memref<32x1000000xf32, #tpu.memory_space<hbm>> -> memref<32x128xf32, #tpu.memory_space<hbm>>
    %dma_wait3A_402 = arith.constant 0 : i32
    %dma_wait3A_403 = arith.constant 0 : i32
    %dma_wait3A_404 = tpu.memref_slice %arg6[%dma_wait3A_393, %dma_wait3A_394, %dma_wait3A_402, %dma_wait3A_403] : memref<2x8x32x128xf32, #tpu.memory_space<vmem>> -> memref<1x1x32x128xf32, #tpu.memory_space<vmem>>
    %dma_wait3A_405 = tpu.memref_squeeze %dma_wait3A_404 : memref<1x1x32x128xf32, #tpu.memory_space<vmem>> -> memref<32x128xf32, #tpu.memory_space<vmem>>
    %dma_wait3A_406 = arith.constant 0 : i32
    %dma_wait3A_407 = arith.constant 0 : i32
    %dma_wait3A_408 = tpu.memref_slice %arg3[%dma_wait3A_406, %dma_wait3A_407] : memref<32x1000000xf32, #tpu.memory_space<hbm>> -> memref<32x128xf32, #tpu.memory_space<hbm>>
    tpu.wait_dma2 semaphore(%arg8 : memref<!tpu.dma_semaphore, #tpu.memory_space<semaphore_mem>>) src(%dma_wait3A_408 : memref<32x128xf32, #tpu.memory_space<hbm>>) dst(%dma_wait3A_405 : memref<32x128xf32, #tpu.memory_space<vmem>>)
    %dma_wait3A_409 = arith.constant 0 : i32
    %dma_wait3A_410 = arith.constant 4 : i32
    %dma_wait3A_411 = arith.constant 0 : i32
    %dma_wait3A_412 = arith.constant 0 : i32
    %dma_wait3A_413 = tpu.memref_slice %arg6[%dma_wait3A_409, %dma_wait3A_410, %dma_wait3A_411, %dma_wait3A_412] : memref<2x8x32x128xf32, #tpu.memory_space<vmem>> -> memref<1x1x32x128xf32, #tpu.memory_space<vmem>>
    %dma_wait3A_414 = tpu.memref_squeeze %dma_wait3A_413 : memref<1x1x32x128xf32, #tpu.memory_space<vmem>> -> memref<32x128xf32, #tpu.memory_space<vmem>>
    %dma_wait3A_415 = arith.constant 0 : i32
    %dma_wait3A_416 = arith.constant 0 : i32
    %dma_wait3A_417 = tpu.memref_slice %arg3[%dma_wait3A_415, %dma_wait3A_416] : memref<32x1000000xf32, #tpu.memory_space<hbm>> -> memref<32x128xf32, #tpu.memory_space<hbm>>
    %dma_wait3A_418 = arith.constant 0 : i32
    %dma_wait3A_419 = arith.constant 0 : i32
    %dma_wait3A_420 = tpu.memref_slice %arg6[%dma_wait3A_409, %dma_wait3A_410, %dma_wait3A_418, %dma_wait3A_419] : memref<2x8x32x128xf32, #tpu.memory_space<vmem>> -> memref<1x1x32x128xf32, #tpu.memory_space<vmem>>
    %dma_wait3A_421 = tpu.memref_squeeze %dma_wait3A_420 : memref<1x1x32x128xf32, #tpu.memory_space<vmem>> -> memref<32x128xf32, #tpu.memory_space<vmem>>
    %dma_wait3A_422 = arith.constant 0 : i32
    %dma_wait3A_423 = arith.constant 0 : i32
    %dma_wait3A_424 = tpu.memref_slice %arg3[%dma_wait3A_422, %dma_wait3A_423] : memref<32x1000000xf32, #tpu.memory_space<hbm>> -> memref<32x128xf32, #tpu.memory_space<hbm>>
    tpu.wait_dma2 semaphore(%arg8 : memref<!tpu.dma_semaphore, #tpu.memory_space<semaphore_mem>>) src(%dma_wait3A_424 : memref<32x128xf32, #tpu.memory_space<hbm>>) dst(%dma_wait3A_421 : memref<32x128xf32, #tpu.memory_space<vmem>>)
    %dma_wait3A_425 = arith.constant 0 : i32
    %dma_wait3A_426 = arith.constant 5 : i32
    %dma_wait3A_427 = arith.constant 0 : i32
    %dma_wait3A_428 = arith.constant 0 : i32
    %dma_wait3A_429 = tpu.memref_slice %arg6[%dma_wait3A_425, %dma_wait3A_426, %dma_wait3A_427, %dma_wait3A_428] : memref<2x8x32x128xf32, #tpu.memory_space<vmem>> -> memref<1x1x32x128xf32, #tpu.memory_space<vmem>>
    %dma_wait3A_430 = tpu.memref_squeeze %dma_wait3A_429 : memref<1x1x32x128xf32, #tpu.memory_space<vmem>> -> memref<32x128xf32, #tpu.memory_space<vmem>>
    %dma_wait3A_431 = arith.constant 0 : i32
    %dma_wait3A_432 = arith.constant 0 : i32
    %dma_wait3A_433 = tpu.memref_slice %arg3[%dma_wait3A_431, %dma_wait3A_432] : memref<32x1000000xf32, #tpu.memory_space<hbm>> -> memref<32x128xf32, #tpu.memory_space<hbm>>
    %dma_wait3A_434 = arith.constant 0 : i32
    %dma_wait3A_435 = arith.constant 0 : i32
    %dma_wait3A_436 = tpu.memref_slice %arg6[%dma_wait3A_425, %dma_wait3A_426, %dma_wait3A_434, %dma_wait3A_435] : memref<2x8x32x128xf32, #tpu.memory_space<vmem>> -> memref<1x1x32x128xf32, #tpu.memory_space<vmem>>
    %dma_wait3A_437 = tpu.memref_squeeze %dma_wait3A_436 : memref<1x1x32x128xf32, #tpu.memory_space<vmem>> -> memref<32x128xf32, #tpu.memory_space<vmem>>
    %dma_wait3A_438 = arith.constant 0 : i32
    %dma_wait3A_439 = arith.constant 0 : i32
    %dma_wait3A_440 = tpu.memref_slice %arg3[%dma_wait3A_438, %dma_wait3A_439] : memref<32x1000000xf32, #tpu.memory_space<hbm>> -> memref<32x128xf32, #tpu.memory_space<hbm>>
    tpu.wait_dma2 semaphore(%arg8 : memref<!tpu.dma_semaphore, #tpu.memory_space<semaphore_mem>>) src(%dma_wait3A_440 : memref<32x128xf32, #tpu.memory_space<hbm>>) dst(%dma_wait3A_437 : memref<32x128xf32, #tpu.memory_space<vmem>>)
    %dma_wait3A_441 = arith.constant 0 : i32
    %dma_wait3A_442 = arith.constant 6 : i32
    %dma_wait3A_443 = arith.constant 0 : i32
    %dma_wait3A_444 = arith.constant 0 : i32
    %dma_wait3A_445 = tpu.memref_slice %arg6[%dma_wait3A_441, %dma_wait3A_442, %dma_wait3A_443, %dma_wait3A_444] : memref<2x8x32x128xf32, #tpu.memory_space<vmem>> -> memref<1x1x32x128xf32, #tpu.memory_space<vmem>>
    %dma_wait3A_446 = tpu.memref_squeeze %dma_wait3A_445 : memref<1x1x32x128xf32, #tpu.memory_space<vmem>> -> memref<32x128xf32, #tpu.memory_space<vmem>>
    %dma_wait3A_447 = arith.constant 0 : i32
    %dma_wait3A_448 = arith.constant 0 : i32
    %dma_wait3A_449 = tpu.memref_slice %arg3[%dma_wait3A_447, %dma_wait3A_448] : memref<32x1000000xf32, #tpu.memory_space<hbm>> -> memref<32x128xf32, #tpu.memory_space<hbm>>
    %dma_wait3A_450 = arith.constant 0 : i32
    %dma_wait3A_451 = arith.constant 0 : i32
    %dma_wait3A_452 = tpu.memref_slice %arg6[%dma_wait3A_441, %dma_wait3A_442, %dma_wait3A_450, %dma_wait3A_451] : memref<2x8x32x128xf32, #tpu.memory_space<vmem>> -> memref<1x1x32x128xf32, #tpu.memory_space<vmem>>
    %dma_wait3A_453 = tpu.memref_squeeze %dma_wait3A_452 : memref<1x1x32x128xf32, #tpu.memory_space<vmem>> -> memref<32x128xf32, #tpu.memory_space<vmem>>
    %dma_wait3A_454 = arith.constant 0 : i32
    %dma_wait3A_455 = arith.constant 0 : i32
    %dma_wait3A_456 = tpu.memref_slice %arg3[%dma_wait3A_454, %dma_wait3A_455] : memref<32x1000000xf32, #tpu.memory_space<hbm>> -> memref<32x128xf32, #tpu.memory_space<hbm>>
    tpu.wait_dma2 semaphore(%arg8 : memref<!tpu.dma_semaphore, #tpu.memory_space<semaphore_mem>>) src(%dma_wait3A_456 : memref<32x128xf32, #tpu.memory_space<hbm>>) dst(%dma_wait3A_453 : memref<32x128xf32, #tpu.memory_space<vmem>>)
    %dma_wait3A_457 = arith.constant 0 : i32
    %dma_wait3A_458 = arith.constant 7 : i32
    %dma_wait3A_459 = arith.constant 0 : i32
    %dma_wait3A_460 = arith.constant 0 : i32
    %dma_wait3A_461 = tpu.memref_slice %arg6[%dma_wait3A_457, %dma_wait3A_458, %dma_wait3A_459, %dma_wait3A_460] : memref<2x8x32x128xf32, #tpu.memory_space<vmem>> -> memref<1x1x32x128xf32, #tpu.memory_space<vmem>>
    %dma_wait3A_462 = tpu.memref_squeeze %dma_wait3A_461 : memref<1x1x32x128xf32, #tpu.memory_space<vmem>> -> memref<32x128xf32, #tpu.memory_space<vmem>>
    %dma_wait3A_463 = arith.constant 0 : i32
    %dma_wait3A_464 = arith.constant 0 : i32
    %dma_wait3A_465 = tpu.memref_slice %arg3[%dma_wait3A_463, %dma_wait3A_464] : memref<32x1000000xf32, #tpu.memory_space<hbm>> -> memref<32x128xf32, #tpu.memory_space<hbm>>
    %dma_wait3A_466 = arith.constant 0 : i32
    %dma_wait3A_467 = arith.constant 0 : i32
    %dma_wait3A_468 = tpu.memref_slice %arg6[%dma_wait3A_457, %dma_wait3A_458, %dma_wait3A_466, %dma_wait3A_467] : memref<2x8x32x128xf32, #tpu.memory_space<vmem>> -> memref<1x1x32x128xf32, #tpu.memory_space<vmem>>
    %dma_wait3A_469 = tpu.memref_squeeze %dma_wait3A_468 : memref<1x1x32x128xf32, #tpu.memory_space<vmem>> -> memref<32x128xf32, #tpu.memory_space<vmem>>
    %dma_wait3A_470 = arith.constant 0 : i32
    %dma_wait3A_471 = arith.constant 0 : i32
    %dma_wait3A_472 = tpu.memref_slice %arg3[%dma_wait3A_470, %dma_wait3A_471] : memref<32x1000000xf32, #tpu.memory_space<hbm>> -> memref<32x128xf32, #tpu.memory_space<hbm>>
    tpu.wait_dma2 semaphore(%arg8 : memref<!tpu.dma_semaphore, #tpu.memory_space<semaphore_mem>>) src(%dma_wait3A_472 : memref<32x128xf32, #tpu.memory_space<hbm>>) dst(%dma_wait3A_469 : memref<32x128xf32, #tpu.memory_space<vmem>>)
    %slice3A_473 = vector.extract_strided_slice %slice3A_345 {offsets = [0], sizes = [1], strides = [1]} : vector<8xi32> to vector<1xi32>
    %squeeze3A_474 = vector.extract %slice3A_473[0] : i32 from vector<1xi32>
    %and3A = arith.constant 127 : i32
    %and3A_475 = arith.andi %squeeze3A_474, %and3A : i32
    %broadcast_in_dim3A = vector.broadcast %and3A_475 : i32 to vector<16xi32>
    %broadcast_in_dim3A_476 = arith.constant 496 : i32
    %broadcast_in_dim3A_477 = vector.broadcast %broadcast_in_dim3A_476 : i32 to vector<16xi32>
    %gather3A = arith.constant 0 : i32
    %gather3A_478 = arith.constant 0 : i32
    %gather3A_479 = arith.constant 0 : i32
    %gather3A_480 = arith.constant 0 : i32
    %gather3A_481 = tpu.memref_slice %arg6[%gather3A, %gather3A_478, %gather3A_479, %gather3A_480] : memref<2x8x32x128xf32, #tpu.memory_space<vmem>> -> memref<1x1x32x128xf32, #tpu.memory_space<vmem>>
    %gather3A_482 = tpu.memref_squeeze %gather3A_481 : memref<1x1x32x128xf32, #tpu.memory_space<vmem>> -> memref<32x128xf32, #tpu.memory_space<vmem>>
    %gather3A_483 = tpu.vector_load_idx %gather3A_482[%iota3A, %broadcast_in_dim3A] : memref<32x128xf32, #tpu.memory_space<vmem>>[vector<16xi32>, vector<16xi32>], vector<16xf32>,
    %gather3A_484 = arith.constant 0 : i32
    %gather3A_485 = arith.constant 0 : i32
    %gather3A_486 = arith.constant 0 : i32
    %gather3A_487 = arith.constant 0 : i32
    %gather3A_488 = tpu.memref_slice %arg6[%gather3A_484, %gather3A_485, %gather3A_486, %gather3A_487] : memref<2x8x32x128xf32, #tpu.memory_space<vmem>> -> memref<1x1x32x128xf32, #tpu.memory_space<vmem>>
    %gather3A_489 = tpu.memref_squeeze %gather3A_488 : memref<1x1x32x128xf32, #tpu.memory_space<vmem>> -> memref<32x128xf32, #tpu.memory_space<vmem>>
    %gather3A_490 = tpu.vector_load_idx %gather3A_489[%add3A_5, %broadcast_in_dim3A] : memref<32x128xf32, #tpu.memory_space<vmem>>[vector<16xi32>, vector<16xi32>], vector<16xf32>,
    tpu.vector_store_idx %arg7[%iota3A, %broadcast_in_dim3A_477], %gather3A_483 : memref<32x512xf32, #tpu.memory_space<vmem>>[vector<16xi32>, vector<16xi32>], vector<16xf32>,
    tpu.vector_store_idx %arg7[%add3A_5, %broadcast_in_dim3A_477], %gather3A_490 : memref<32x512xf32, #tpu.memory_space<vmem>>[vector<16xi32>, vector<16xi32>], vector<16xf32>,
    %slice3A_491 = vector.extract_strided_slice %slice3A_345 {offsets = [1], sizes = [1], strides = [1]} : vector<8xi32> to vector<1xi32>
    %squeeze3A_492 = vector.extract %slice3A_491[0] : i32 from vector<1xi32>
    %and3A_493 = arith.constant 127 : i32
    %and3A_494 = arith.andi %squeeze3A_492, %and3A_493 : i32
    %broadcast_in_dim3A_495 = vector.broadcast %and3A_494 : i32 to vector<16xi32>
    %broadcast_in_dim3A_496 = arith.constant 497 : i32
    %broadcast_in_dim3A_497 = vector.broadcast %broadcast_in_dim3A_496 : i32 to vector<16xi32>
    %gather3A_498 = arith.constant 0 : i32
    %gather3A_499 = arith.constant 1 : i32
    %gather3A_500 = arith.constant 0 : i32
    %gather3A_501 = arith.constant 0 : i32
    %gather3A_502 = tpu.memref_slice %arg6[%gather3A_498, %gather3A_499, %gather3A_500, %gather3A_501] : memref<2x8x32x128xf32, #tpu.memory_space<vmem>> -> memref<1x1x32x128xf32, #tpu.memory_space<vmem>>
    %gather3A_503 = tpu.memref_squeeze %gather3A_502 : memref<1x1x32x128xf32, #tpu.memory_space<vmem>> -> memref<32x128xf32, #tpu.memory_space<vmem>>
    %gather3A_504 = tpu.vector_load_idx %gather3A_503[%iota3A, %broadcast_in_dim3A_495] : memref<32x128xf32, #tpu.memory_space<vmem>>[vector<16xi32>, vector<16xi32>], vector<16xf32>,
    %gather3A_505 = arith.constant 0 : i32
    %gather3A_506 = arith.constant 1 : i32
    %gather3A_507 = arith.constant 0 : i32
    %gather3A_508 = arith.constant 0 : i32
    %gather3A_509 = tpu.memref_slice %arg6[%gather3A_505, %gather3A_506, %gather3A_507, %gather3A_508] : memref<2x8x32x128xf32, #tpu.memory_space<vmem>> -> memref<1x1x32x128xf32, #tpu.memory_space<vmem>>
    %gather3A_510 = tpu.memref_squeeze %gather3A_509 : memref<1x1x32x128xf32, #tpu.memory_space<vmem>> -> memref<32x128xf32, #tpu.memory_space<vmem>>
    %gather3A_511 = tpu.vector_load_idx %gather3A_510[%add3A_5, %broadcast_in_dim3A_495] : memref<32x128xf32, #tpu.memory_space<vmem>>[vector<16xi32>, vector<16xi32>], vector<16xf32>,
    tpu.vector_store_idx %arg7[%iota3A, %broadcast_in_dim3A_497], %gather3A_504 : memref<32x512xf32, #tpu.memory_space<vmem>>[vector<16xi32>, vector<16xi32>], vector<16xf32>,
    tpu.vector_store_idx %arg7[%add3A_5, %broadcast_in_dim3A_497], %gather3A_511 : memref<32x512xf32, #tpu.memory_space<vmem>>[vector<16xi32>, vector<16xi32>], vector<16xf32>,
    %slice3A_512 = vector.extract_strided_slice %slice3A_345 {offsets = [2], sizes = [1], strides = [1]} : vector<8xi32> to vector<1xi32>
    %squeeze3A_513 = vector.extract %slice3A_512[0] : i32 from vector<1xi32>
    %and3A_514 = arith.constant 127 : i32
    %and3A_515 = arith.andi %squeeze3A_513, %and3A_514 : i32
    %broadcast_in_dim3A_516 = vector.broadcast %and3A_515 : i32 to vector<16xi32>
    %broadcast_in_dim3A_517 = arith.constant 498 : i32
    %broadcast_in_dim3A_518 = vector.broadcast %broadcast_in_dim3A_517 : i32 to vector<16xi32>
    %gather3A_519 = arith.constant 0 : i32
    %gather3A_520 = arith.constant 2 : i32
    %gather3A_521 = arith.constant 0 : i32
    %gather3A_522 = arith.constant 0 : i32
    %gather3A_523 = tpu.memref_slice %arg6[%gather3A_519, %gather3A_520, %gather3A_521, %gather3A_522] : memref<2x8x32x128xf32, #tpu.memory_space<vmem>> -> memref<1x1x32x128xf32, #tpu.memory_space<vmem>>
    %gather3A_524 = tpu.memref_squeeze %gather3A_523 : memref<1x1x32x128xf32, #tpu.memory_space<vmem>> -> memref<32x128xf32, #tpu.memory_space<vmem>>
    %gather3A_525 = tpu.vector_load_idx %gather3A_524[%iota3A, %broadcast_in_dim3A_516] : memref<32x128xf32, #tpu.memory_space<vmem>>[vector<16xi32>, vector<16xi32>], vector<16xf32>,
    %gather3A_526 = arith.constant 0 : i32
    %gather3A_527 = arith.constant 2 : i32
    %gather3A_528 = arith.constant 0 : i32
    %gather3A_529 = arith.constant 0 : i32
    %gather3A_530 = tpu.memref_slice %arg6[%gather3A_526, %gather3A_527, %gather3A_528, %gather3A_529] : memref<2x8x32x128xf32, #tpu.memory_space<vmem>> -> memref<1x1x32x128xf32, #tpu.memory_space<vmem>>
    %gather3A_531 = tpu.memref_squeeze %gather3A_530 : memref<1x1x32x128xf32, #tpu.memory_space<vmem>> -> memref<32x128xf32, #tpu.memory_space<vmem>>
    %gather3A_532 = tpu.vector_load_idx %gather3A_531[%add3A_5, %broadcast_in_dim3A_516] : memref<32x128xf32, #tpu.memory_space<vmem>>[vector<16xi32>, vector<16xi32>], vector<16xf32>,
    tpu.vector_store_idx %arg7[%iota3A, %broadcast_in_dim3A_518], %gather3A_525 : memref<32x512xf32, #tpu.memory_space<vmem>>[vector<16xi32>, vector<16xi32>], vector<16xf32>,
    tpu.vector_store_idx %arg7[%add3A_5, %broadcast_in_dim3A_518], %gather3A_532 : memref<32x512xf32, #tpu.memory_space<vmem>>[vector<16xi32>, vector<16xi32>], vector<16xf32>,
    %slice3A_533 = vector.extract_strided_slice %slice3A_345 {offsets = [3], sizes = [1], strides = [1]} : vector<8xi32> to vector<1xi32>
    %squeeze3A_534 = vector.extract %slice3A_533[0] : i32 from vector<1xi32>
    %and3A_535 = arith.constant 127 : i32
    %and3A_536 = arith.andi %squeeze3A_534, %and3A_535 : i32
    %broadcast_in_dim3A_537 = vector.broadcast %and3A_536 : i32 to vector<16xi32>
    %broadcast_in_dim3A_538 = arith.constant 499 : i32
    %broadcast_in_dim3A_539 = vector.broadcast %broadcast_in_dim3A_538 : i32 to vector<16xi32>
    %gather3A_540 = arith.constant 0 : i32
    %gather3A_541 = arith.constant 3 : i32
    %gather3A_542 = arith.constant 0 : i32
    %gather3A_543 = arith.constant 0 : i32
    %gather3A_544 = tpu.memref_slice %arg6[%gather3A_540, %gather3A_541, %gather3A_542, %gather3A_543] : memref<2x8x32x128xf32, #tpu.memory_space<vmem>> -> memref<1x1x32x128xf32, #tpu.memory_space<vmem>>
    %gather3A_545 = tpu.memref_squeeze %gather3A_544 : memref<1x1x32x128xf32, #tpu.memory_space<vmem>> -> memref<32x128xf32, #tpu.memory_space<vmem>>
    %gather3A_546 = tpu.vector_load_idx %gather3A_545[%iota3A, %broadcast_in_dim3A_537] : memref<32x128xf32, #tpu.memory_space<vmem>>[vector<16xi32>, vector<16xi32>], vector<16xf32>,
    %gather3A_547 = arith.constant 0 : i32
    %gather3A_548 = arith.constant 3 : i32
    %gather3A_549 = arith.constant 0 : i32
    %gather3A_550 = arith.constant 0 : i32
    %gather3A_551 = tpu.memref_slice %arg6[%gather3A_547, %gather3A_548, %gather3A_549, %gather3A_550] : memref<2x8x32x128xf32, #tpu.memory_space<vmem>> -> memref<1x1x32x128xf32, #tpu.memory_space<vmem>>
    %gather3A_552 = tpu.memref_squeeze %gather3A_551 : memref<1x1x32x128xf32, #tpu.memory_space<vmem>> -> memref<32x128xf32, #tpu.memory_space<vmem>>
    %gather3A_553 = tpu.vector_load_idx %gather3A_552[%add3A_5, %broadcast_in_dim3A_537] : memref<32x128xf32, #tpu.memory_space<vmem>>[vector<16xi32>, vector<16xi32>], vector<16xf32>,
    tpu.vector_store_idx %arg7[%iota3A, %broadcast_in_dim3A_539], %gather3A_546 : memref<32x512xf32, #tpu.memory_space<vmem>>[vector<16xi32>, vector<16xi32>], vector<16xf32>,
    tpu.vector_store_idx %arg7[%add3A_5, %broadcast_in_dim3A_539], %gather3A_553 : memref<32x512xf32, #tpu.memory_space<vmem>>[vector<16xi32>, vector<16xi32>], vector<16xf32>,
    %slice3A_554 = vector.extract_strided_slice %slice3A_345 {offsets = [4], sizes = [1], strides = [1]} : vector<8xi32> to vector<1xi32>
    %squeeze3A_555 = vector.extract %slice3A_554[0] : i32 from vector<1xi32>
    %and3A_556 = arith.constant 127 : i32
    %and3A_557 = arith.andi %squeeze3A_555, %and3A_556 : i32
    %broadcast_in_dim3A_558 = vector.broadcast %and3A_557 : i32 to vector<16xi32>
    %broadcast_in_dim3A_559 = arith.constant 500 : i32
    %broadcast_in_dim3A_560 = vector.broadcast %broadcast_in_dim3A_559 : i32 to vector<16xi32>
    %gather3A_561 = arith.constant 0 : i32
    %gather3A_562 = arith.constant 4 : i32
    %gather3A_563 = arith.constant 0 : i32
    %gather3A_564 = arith.constant 0 : i32
    %gather3A_565 = tpu.memref_slice %arg6[%gather3A_561, %gather3A_562, %gather3A_563, %gather3A_564] : memref<2x8x32x128xf32, #tpu.memory_space<vmem>> -> memref<1x1x32x128xf32, #tpu.memory_space<vmem>>
    %gather3A_566 = tpu.memref_squeeze %gather3A_565 : memref<1x1x32x128xf32, #tpu.memory_space<vmem>> -> memref<32x128xf32, #tpu.memory_space<vmem>>
    %gather3A_567 = tpu.vector_load_idx %gather3A_566[%iota3A, %broadcast_in_dim3A_558] : memref<32x128xf32, #tpu.memory_space<vmem>>[vector<16xi32>, vector<16xi32>], vector<16xf32>,
    %gather3A_568 = arith.constant 0 : i32
    %gather3A_569 = arith.constant 4 : i32
    %gather3A_570 = arith.constant 0 : i32
    %gather3A_571 = arith.constant 0 : i32
    %gather3A_572 = tpu.memref_slice %arg6[%gather3A_568, %gather3A_569, %gather3A_570, %gather3A_571] : memref<2x8x32x128xf32, #tpu.memory_space<vmem>> -> memref<1x1x32x128xf32, #tpu.memory_space<vmem>>
    %gather3A_573 = tpu.memref_squeeze %gather3A_572 : memref<1x1x32x128xf32, #tpu.memory_space<vmem>> -> memref<32x128xf32, #tpu.memory_space<vmem>>
    %gather3A_574 = tpu.vector_load_idx %gather3A_573[%add3A_5, %broadcast_in_dim3A_558] : memref<32x128xf32, #tpu.memory_space<vmem>>[vector<16xi32>, vector<16xi32>], vector<16xf32>,
    tpu.vector_store_idx %arg7[%iota3A, %broadcast_in_dim3A_560], %gather3A_567 : memref<32x512xf32, #tpu.memory_space<vmem>>[vector<16xi32>, vector<16xi32>], vector<16xf32>,
    tpu.vector_store_idx %arg7[%add3A_5, %broadcast_in_dim3A_560], %gather3A_574 : memref<32x512xf32, #tpu.memory_space<vmem>>[vector<16xi32>, vector<16xi32>], vector<16xf32>,
    %slice3A_575 = vector.extract_strided_slice %slice3A_345 {offsets = [5], sizes = [1], strides = [1]} : vector<8xi32> to vector<1xi32>
    %squeeze3A_576 = vector.extract %slice3A_575[0] : i32 from vector<1xi32>
    %and3A_577 = arith.constant 127 : i32
    %and3A_578 = arith.andi %squeeze3A_576, %and3A_577 : i32
    %broadcast_in_dim3A_579 = vector.broadcast %and3A_578 : i32 to vector<16xi32>
    %broadcast_in_dim3A_580 = arith.constant 501 : i32
    %broadcast_in_dim3A_581 = vector.broadcast %broadcast_in_dim3A_580 : i32 to vector<16xi32>
    %gather3A_582 = arith.constant 0 : i32
    %gather3A_583 = arith.constant 5 : i32
    %gather3A_584 = arith.constant 0 : i32
    %gather3A_585 = arith.constant 0 : i32
    %gather3A_586 = tpu.memref_slice %arg6[%gather3A_582, %gather3A_583, %gather3A_584, %gather3A_585] : memref<2x8x32x128xf32, #tpu.memory_space<vmem>> -> memref<1x1x32x128xf32, #tpu.memory_space<vmem>>
    %gather3A_587 = tpu.memref_squeeze %gather3A_586 : memref<1x1x32x128xf32, #tpu.memory_space<vmem>> -> memref<32x128xf32, #tpu.memory_space<vmem>>
    %gather3A_588 = tpu.vector_load_idx %gather3A_587[%iota3A, %broadcast_in_dim3A_579] : memref<32x128xf32, #tpu.memory_space<vmem>>[vector<16xi32>, vector<16xi32>], vector<16xf32>,
    %gather3A_589 = arith.constant 0 : i32
    %gather3A_590 = arith.constant 5 : i32
    %gather3A_591 = arith.constant 0 : i32
    %gather3A_592 = arith.constant 0 : i32
    %gather3A_593 = tpu.memref_slice %arg6[%gather3A_589, %gather3A_590, %gather3A_591, %gather3A_592] : memref<2x8x32x128xf32, #tpu.memory_space<vmem>> -> memref<1x1x32x128xf32, #tpu.memory_space<vmem>>
    %gather3A_594 = tpu.memref_squeeze %gather3A_593 : memref<1x1x32x128xf32, #tpu.memory_space<vmem>> -> memref<32x128xf32, #tpu.memory_space<vmem>>
    %gather3A_595 = tpu.vector_load_idx %gather3A_594[%add3A_5, %broadcast_in_dim3A_579] : memref<32x128xf32, #tpu.memory_space<vmem>>[vector<16xi32>, vector<16xi32>], vector<16xf32>,
    tpu.vector_store_idx %arg7[%iota3A, %broadcast_in_dim3A_581], %gather3A_588 : memref<32x512xf32, #tpu.memory_space<vmem>>[vector<16xi32>, vector<16xi32>], vector<16xf32>,
    tpu.vector_store_idx %arg7[%add3A_5, %broadcast_in_dim3A_581], %gather3A_595 : memref<32x512xf32, #tpu.memory_space<vmem>>[vector<16xi32>, vector<16xi32>], vector<16xf32>,
    %slice3A_596 = vector.extract_strided_slice %slice3A_345 {offsets = [6], sizes = [1], strides = [1]} : vector<8xi32> to vector<1xi32>
    %squeeze3A_597 = vector.extract %slice3A_596[0] : i32 from vector<1xi32>
    %and3A_598 = arith.constant 127 : i32
    %and3A_599 = arith.andi %squeeze3A_597, %and3A_598 : i32
    %broadcast_in_dim3A_600 = vector.broadcast %and3A_599 : i32 to vector<16xi32>
    %broadcast_in_dim3A_601 = arith.constant 502 : i32
    %broadcast_in_dim3A_602 = vector.broadcast %broadcast_in_dim3A_601 : i32 to vector<16xi32>
    %gather3A_603 = arith.constant 0 : i32
    %gather3A_604 = arith.constant 6 : i32
    %gather3A_605 = arith.constant 0 : i32
    %gather3A_606 = arith.constant 0 : i32
    %gather3A_607 = tpu.memref_slice %arg6[%gather3A_603, %gather3A_604, %gather3A_605, %gather3A_606] : memref<2x8x32x128xf32, #tpu.memory_space<vmem>> -> memref<1x1x32x128xf32, #tpu.memory_space<vmem>>
    %gather3A_608 = tpu.memref_squeeze %gather3A_607 : memref<1x1x32x128xf32, #tpu.memory_space<vmem>> -> memref<32x128xf32, #tpu.memory_space<vmem>>
    %gather3A_609 = tpu.vector_load_idx %gather3A_608[%iota3A, %broadcast_in_dim3A_600] : memref<32x128xf32, #tpu.memory_space<vmem>>[vector<16xi32>, vector<16xi32>], vector<16xf32>,
    %gather3A_610 = arith.constant 0 : i32
    %gather3A_611 = arith.constant 6 : i32
    %gather3A_612 = arith.constant 0 : i32
    %gather3A_613 = arith.constant 0 : i32
    %gather3A_614 = tpu.memref_slice %arg6[%gather3A_610, %gather3A_611, %gather3A_612, %gather3A_613] : memref<2x8x32x128xf32, #tpu.memory_space<vmem>> -> memref<1x1x32x128xf32, #tpu.memory_space<vmem>>
    %gather3A_615 = tpu.memref_squeeze %gather3A_614 : memref<1x1x32x128xf32, #tpu.memory_space<vmem>> -> memref<32x128xf32, #tpu.memory_space<vmem>>
    %gather3A_616 = tpu.vector_load_idx %gather3A_615[%add3A_5, %broadcast_in_dim3A_600] : memref<32x128xf32, #tpu.memory_space<vmem>>[vector<16xi32>, vector<16xi32>], vector<16xf32>,
    tpu.vector_store_idx %arg7[%iota3A, %broadcast_in_dim3A_602], %gather3A_609 : memref<32x512xf32, #tpu.memory_space<vmem>>[vector<16xi32>, vector<16xi32>], vector<16xf32>,
    tpu.vector_store_idx %arg7[%add3A_5, %broadcast_in_dim3A_602], %gather3A_616 : memref<32x512xf32, #tpu.memory_space<vmem>>[vector<16xi32>, vector<16xi32>], vector<16xf32>,
    %slice3A_617 = vector.extract_strided_slice %slice3A_345 {offsets = [7], sizes = [1], strides = [1]} : vector<8xi32> to vector<1xi32>
    %squeeze3A_618 = vector.extract %slice3A_617[0] : i32 from vector<1xi32>
    %and3A_619 = arith.constant 127 : i32
    %and3A_620 = arith.andi %squeeze3A_618, %and3A_619 : i32
    %broadcast_in_dim3A_621 = vector.broadcast %and3A_620 : i32 to vector<16xi32>
    %broadcast_in_dim3A_622 = arith.constant 503 : i32
    %broadcast_in_dim3A_623 = vector.broadcast %broadcast_in_dim3A_622 : i32 to vector<16xi32>
    %gather3A_624 = arith.constant 0 : i32
    %gather3A_625 = arith.constant 7 : i32
    %gather3A_626 = arith.constant 0 : i32
    %gather3A_627 = arith.constant 0 : i32
    %gather3A_628 = tpu.memref_slice %arg6[%gather3A_624, %gather3A_625, %gather3A_626, %gather3A_627] : memref<2x8x32x128xf32, #tpu.memory_space<vmem>> -> memref<1x1x32x128xf32, #tpu.memory_space<vmem>>
    %gather3A_629 = tpu.memref_squeeze %gather3A_628 : memref<1x1x32x128xf32, #tpu.memory_space<vmem>> -> memref<32x128xf32, #tpu.memory_space<vmem>>
    %gather3A_630 = tpu.vector_load_idx %gather3A_629[%iota3A, %broadcast_in_dim3A_621] : memref<32x128xf32, #tpu.memory_space<vmem>>[vector<16xi32>, vector<16xi32>], vector<16xf32>,
    %gather3A_631 = arith.constant 0 : i32
    %gather3A_632 = arith.constant 7 : i32
    %gather3A_633 = arith.constant 0 : i32
    %gather3A_634 = arith.constant 0 : i32
    %gather3A_635 = tpu.memref_slice %arg6[%gather3A_631, %gather3A_632, %gather3A_633, %gather3A_634] : memref<2x8x32x128xf32, #tpu.memory_space<vmem>> -> memref<1x1x32x128xf32, #tpu.memory_space<vmem>>
    %gather3A_636 = tpu.memref_squeeze %gather3A_635 : memref<1x1x32x128xf32, #tpu.memory_space<vmem>> -> memref<32x128xf32, #tpu.memory_space<vmem>>
    %gather3A_637 = tpu.vector_load_idx %gather3A_636[%add3A_5, %broadcast_in_dim3A_621] : memref<32x128xf32, #tpu.memory_space<vmem>>[vector<16xi32>, vector<16xi32>], vector<16xf32>,
    tpu.vector_store_idx %arg7[%iota3A, %broadcast_in_dim3A_623], %gather3A_630 : memref<32x512xf32, #tpu.memory_space<vmem>>[vector<16xi32>, vector<16xi32>], vector<16xf32>,
    tpu.vector_store_idx %arg7[%add3A_5, %broadcast_in_dim3A_623], %gather3A_637 : memref<32x512xf32, #tpu.memory_space<vmem>>[vector<16xi32>, vector<16xi32>], vector<16xf32>,
    %slice3A_638 = vector.extract_strided_slice %scan3A_343 {offsets = [8], sizes = [8], strides = [1]} : vector<16xi32> to vector<8xi32>
    %dma_wait3A_639 = arith.constant 1 : i32
    %dma_wait3A_640 = arith.constant 0 : i32
    %dma_wait3A_641 = arith.constant 0 : i32
    %dma_wait3A_642 = arith.constant 0 : i32
    %dma_wait3A_643 = tpu.memref_slice %arg6[%dma_wait3A_639, %dma_wait3A_640, %dma_wait3A_641, %dma_wait3A_642] : memref<2x8x32x128xf32, #tpu.memory_space<vmem>> -> memref<1x1x32x128xf32, #tpu.memory_space<vmem>>
    %dma_wait3A_644 = tpu.memref_squeeze %dma_wait3A_643 : memref<1x1x32x128xf32, #tpu.memory_space<vmem>> -> memref<32x128xf32, #tpu.memory_space<vmem>>
    %dma_wait3A_645 = arith.constant 0 : i32
    %dma_wait3A_646 = arith.constant 0 : i32
    %dma_wait3A_647 = tpu.memref_slice %arg3[%dma_wait3A_645, %dma_wait3A_646] : memref<32x1000000xf32, #tpu.memory_space<hbm>> -> memref<32x128xf32, #tpu.memory_space<hbm>>
    %dma_wait3A_648 = arith.constant 0 : i32
    %dma_wait3A_649 = arith.constant 0 : i32
    %dma_wait3A_650 = tpu.memref_slice %arg6[%dma_wait3A_639, %dma_wait3A_640, %dma_wait3A_648, %dma_wait3A_649] : memref<2x8x32x128xf32, #tpu.memory_space<vmem>> -> memref<1x1x32x128xf32, #tpu.memory_space<vmem>>
    %dma_wait3A_651 = tpu.memref_squeeze %dma_wait3A_650 : memref<1x1x32x128xf32, #tpu.memory_space<vmem>> -> memref<32x128xf32, #tpu.memory_space<vmem>>
    %dma_wait3A_652 = arith.constant 0 : i32
    %dma_wait3A_653 = arith.constant 0 : i32
    %dma_wait3A_654 = tpu.memref_slice %arg3[%dma_wait3A_652, %dma_wait3A_653] : memref<32x1000000xf32, #tpu.memory_space<hbm>> -> memref<32x128xf32, #tpu.memory_space<hbm>>
    tpu.wait_dma2 semaphore(%arg9 : memref<!tpu.dma_semaphore, #tpu.memory_space<semaphore_mem>>) src(%dma_wait3A_654 : memref<32x128xf32, #tpu.memory_space<hbm>>) dst(%dma_wait3A_651 : memref<32x128xf32, #tpu.memory_space<vmem>>)
    %dma_wait3A_655 = arith.constant 1 : i32
    %dma_wait3A_656 = arith.constant 1 : i32
    %dma_wait3A_657 = arith.constant 0 : i32
    %dma_wait3A_658 = arith.constant 0 : i32
    %dma_wait3A_659 = tpu.memref_slice %arg6[%dma_wait3A_655, %dma_wait3A_656, %dma_wait3A_657, %dma_wait3A_658] : memref<2x8x32x128xf32, #tpu.memory_space<vmem>> -> memref<1x1x32x128xf32, #tpu.memory_space<vmem>>
    %dma_wait3A_660 = tpu.memref_squeeze %dma_wait3A_659 : memref<1x1x32x128xf32, #tpu.memory_space<vmem>> -> memref<32x128xf32, #tpu.memory_space<vmem>>
    %dma_wait3A_661 = arith.constant 0 : i32
    %dma_wait3A_662 = arith.constant 0 : i32
    %dma_wait3A_663 = tpu.memref_slice %arg3[%dma_wait3A_661, %dma_wait3A_662] : memref<32x1000000xf32, #tpu.memory_space<hbm>> -> memref<32x128xf32, #tpu.memory_space<hbm>>
    %dma_wait3A_664 = arith.constant 0 : i32
    %dma_wait3A_665 = arith.constant 0 : i32
    %dma_wait3A_666 = tpu.memref_slice %arg6[%dma_wait3A_655, %dma_wait3A_656, %dma_wait3A_664, %dma_wait3A_665] : memref<2x8x32x128xf32, #tpu.memory_space<vmem>> -> memref<1x1x32x128xf32, #tpu.memory_space<vmem>>
    %dma_wait3A_667 = tpu.memref_squeeze %dma_wait3A_666 : memref<1x1x32x128xf32, #tpu.memory_space<vmem>> -> memref<32x128xf32, #tpu.memory_space<vmem>>
    %dma_wait3A_668 = arith.constant 0 : i32
    %dma_wait3A_669 = arith.constant 0 : i32
    %dma_wait3A_670 = tpu.memref_slice %arg3[%dma_wait3A_668, %dma_wait3A_669] : memref<32x1000000xf32, #tpu.memory_space<hbm>> -> memref<32x128xf32, #tpu.memory_space<hbm>>
    tpu.wait_dma2 semaphore(%arg9 : memref<!tpu.dma_semaphore, #tpu.memory_space<semaphore_mem>>) src(%dma_wait3A_670 : memref<32x128xf32, #tpu.memory_space<hbm>>) dst(%dma_wait3A_667 : memref<32x128xf32, #tpu.memory_space<vmem>>)
    %dma_wait3A_671 = arith.constant 1 : i32
    %dma_wait3A_672 = arith.constant 2 : i32
    %dma_wait3A_673 = arith.constant 0 : i32
    %dma_wait3A_674 = arith.constant 0 : i32
    %dma_wait3A_675 = tpu.memref_slice %arg6[%dma_wait3A_671, %dma_wait3A_672, %dma_wait3A_673, %dma_wait3A_674] : memref<2x8x32x128xf32, #tpu.memory_space<vmem>> -> memref<1x1x32x128xf32, #tpu.memory_space<vmem>>
    %dma_wait3A_676 = tpu.memref_squeeze %dma_wait3A_675 : memref<1x1x32x128xf32, #tpu.memory_space<vmem>> -> memref<32x128xf32, #tpu.memory_space<vmem>>
    %dma_wait3A_677 = arith.constant 0 : i32
    %dma_wait3A_678 = arith.constant 0 : i32
    %dma_wait3A_679 = tpu.memref_slice %arg3[%dma_wait3A_677, %dma_wait3A_678] : memref<32x1000000xf32, #tpu.memory_space<hbm>> -> memref<32x128xf32, #tpu.memory_space<hbm>>
    %dma_wait3A_680 = arith.constant 0 : i32
    %dma_wait3A_681 = arith.constant 0 : i32
    %dma_wait3A_682 = tpu.memref_slice %arg6[%dma_wait3A_671, %dma_wait3A_672, %dma_wait3A_680, %dma_wait3A_681] : memref<2x8x32x128xf32, #tpu.memory_space<vmem>> -> memref<1x1x32x128xf32, #tpu.memory_space<vmem>>
    %dma_wait3A_683 = tpu.memref_squeeze %dma_wait3A_682 : memref<1x1x32x128xf32, #tpu.memory_space<vmem>> -> memref<32x128xf32, #tpu.memory_space<vmem>>
    %dma_wait3A_684 = arith.constant 0 : i32
    %dma_wait3A_685 = arith.constant 0 : i32
    %dma_wait3A_686 = tpu.memref_slice %arg3[%dma_wait3A_684, %dma_wait3A_685] : memref<32x1000000xf32, #tpu.memory_space<hbm>> -> memref<32x128xf32, #tpu.memory_space<hbm>>
    tpu.wait_dma2 semaphore(%arg9 : memref<!tpu.dma_semaphore, #tpu.memory_space<semaphore_mem>>) src(%dma_wait3A_686 : memref<32x128xf32, #tpu.memory_space<hbm>>) dst(%dma_wait3A_683 : memref<32x128xf32, #tpu.memory_space<vmem>>)
    %dma_wait3A_687 = arith.constant 1 : i32
    %dma_wait3A_688 = arith.constant 3 : i32
    %dma_wait3A_689 = arith.constant 0 : i32
    %dma_wait3A_690 = arith.constant 0 : i32
    %dma_wait3A_691 = tpu.memref_slice %arg6[%dma_wait3A_687, %dma_wait3A_688, %dma_wait3A_689, %dma_wait3A_690] : memref<2x8x32x128xf32, #tpu.memory_space<vmem>> -> memref<1x1x32x128xf32, #tpu.memory_space<vmem>>
    %dma_wait3A_692 = tpu.memref_squeeze %dma_wait3A_691 : memref<1x1x32x128xf32, #tpu.memory_space<vmem>> -> memref<32x128xf32, #tpu.memory_space<vmem>>
    %dma_wait3A_693 = arith.constant 0 : i32
    %dma_wait3A_694 = arith.constant 0 : i32
    %dma_wait3A_695 = tpu.memref_slice %arg3[%dma_wait3A_693, %dma_wait3A_694] : memref<32x1000000xf32, #tpu.memory_space<hbm>> -> memref<32x128xf32, #tpu.memory_space<hbm>>
    %dma_wait3A_696 = arith.constant 0 : i32
    %dma_wait3A_697 = arith.constant 0 : i32
    %dma_wait3A_698 = tpu.memref_slice %arg6[%dma_wait3A_687, %dma_wait3A_688, %dma_wait3A_696, %dma_wait3A_697] : memref<2x8x32x128xf32, #tpu.memory_space<vmem>> -> memref<1x1x32x128xf32, #tpu.memory_space<vmem>>
    %dma_wait3A_699 = tpu.memref_squeeze %dma_wait3A_698 : memref<1x1x32x128xf32, #tpu.memory_space<vmem>> -> memref<32x128xf32, #tpu.memory_space<vmem>>
    %dma_wait3A_700 = arith.constant 0 : i32
    %dma_wait3A_701 = arith.constant 0 : i32
    %dma_wait3A_702 = tpu.memref_slice %arg3[%dma_wait3A_700, %dma_wait3A_701] : memref<32x1000000xf32, #tpu.memory_space<hbm>> -> memref<32x128xf32, #tpu.memory_space<hbm>>
    tpu.wait_dma2 semaphore(%arg9 : memref<!tpu.dma_semaphore, #tpu.memory_space<semaphore_mem>>) src(%dma_wait3A_702 : memref<32x128xf32, #tpu.memory_space<hbm>>) dst(%dma_wait3A_699 : memref<32x128xf32, #tpu.memory_space<vmem>>)
    %dma_wait3A_703 = arith.constant 1 : i32
    %dma_wait3A_704 = arith.constant 4 : i32
    %dma_wait3A_705 = arith.constant 0 : i32
    %dma_wait3A_706 = arith.constant 0 : i32
    %dma_wait3A_707 = tpu.memref_slice %arg6[%dma_wait3A_703, %dma_wait3A_704, %dma_wait3A_705, %dma_wait3A_706] : memref<2x8x32x128xf32, #tpu.memory_space<vmem>> -> memref<1x1x32x128xf32, #tpu.memory_space<vmem>>
    %dma_wait3A_708 = tpu.memref_squeeze %dma_wait3A_707 : memref<1x1x32x128xf32, #tpu.memory_space<vmem>> -> memref<32x128xf32, #tpu.memory_space<vmem>>
    %dma_wait3A_709 = arith.constant 0 : i32
    %dma_wait3A_710 = arith.constant 0 : i32
    %dma_wait3A_711 = tpu.memref_slice %arg3[%dma_wait3A_709, %dma_wait3A_710] : memref<32x1000000xf32, #tpu.memory_space<hbm>> -> memref<32x128xf32, #tpu.memory_space<hbm>>
    %dma_wait3A_712 = arith.constant 0 : i32
    %dma_wait3A_713 = arith.constant 0 : i32
    %dma_wait3A_714 = tpu.memref_slice %arg6[%dma_wait3A_703, %dma_wait3A_704, %dma_wait3A_712, %dma_wait3A_713] : memref<2x8x32x128xf32, #tpu.memory_space<vmem>> -> memref<1x1x32x128xf32, #tpu.memory_space<vmem>>
    %dma_wait3A_715 = tpu.memref_squeeze %dma_wait3A_714 : memref<1x1x32x128xf32, #tpu.memory_space<vmem>> -> memref<32x128xf32, #tpu.memory_space<vmem>>
    %dma_wait3A_716 = arith.constant 0 : i32
    %dma_wait3A_717 = arith.constant 0 : i32
    %dma_wait3A_718 = tpu.memref_slice %arg3[%dma_wait3A_716, %dma_wait3A_717] : memref<32x1000000xf32, #tpu.memory_space<hbm>> -> memref<32x128xf32, #tpu.memory_space<hbm>>
    tpu.wait_dma2 semaphore(%arg9 : memref<!tpu.dma_semaphore, #tpu.memory_space<semaphore_mem>>) src(%dma_wait3A_718 : memref<32x128xf32, #tpu.memory_space<hbm>>) dst(%dma_wait3A_715 : memref<32x128xf32, #tpu.memory_space<vmem>>)
    %dma_wait3A_719 = arith.constant 1 : i32
    %dma_wait3A_720 = arith.constant 5 : i32
    %dma_wait3A_721 = arith.constant 0 : i32
    %dma_wait3A_722 = arith.constant 0 : i32
    %dma_wait3A_723 = tpu.memref_slice %arg6[%dma_wait3A_719, %dma_wait3A_720, %dma_wait3A_721, %dma_wait3A_722] : memref<2x8x32x128xf32, #tpu.memory_space<vmem>> -> memref<1x1x32x128xf32, #tpu.memory_space<vmem>>
    %dma_wait3A_724 = tpu.memref_squeeze %dma_wait3A_723 : memref<1x1x32x128xf32, #tpu.memory_space<vmem>> -> memref<32x128xf32, #tpu.memory_space<vmem>>
    %dma_wait3A_725 = arith.constant 0 : i32
    %dma_wait3A_726 = arith.constant 0 : i32
    %dma_wait3A_727 = tpu.memref_slice %arg3[%dma_wait3A_725, %dma_wait3A_726] : memref<32x1000000xf32, #tpu.memory_space<hbm>> -> memref<32x128xf32, #tpu.memory_space<hbm>>
    %dma_wait3A_728 = arith.constant 0 : i32
    %dma_wait3A_729 = arith.constant 0 : i32
    %dma_wait3A_730 = tpu.memref_slice %arg6[%dma_wait3A_719, %dma_wait3A_720, %dma_wait3A_728, %dma_wait3A_729] : memref<2x8x32x128xf32, #tpu.memory_space<vmem>> -> memref<1x1x32x128xf32, #tpu.memory_space<vmem>>
    %dma_wait3A_731 = tpu.memref_squeeze %dma_wait3A_730 : memref<1x1x32x128xf32, #tpu.memory_space<vmem>> -> memref<32x128xf32, #tpu.memory_space<vmem>>
    %dma_wait3A_732 = arith.constant 0 : i32
    %dma_wait3A_733 = arith.constant 0 : i32
    %dma_wait3A_734 = tpu.memref_slice %arg3[%dma_wait3A_732, %dma_wait3A_733] : memref<32x1000000xf32, #tpu.memory_space<hbm>> -> memref<32x128xf32, #tpu.memory_space<hbm>>
    tpu.wait_dma2 semaphore(%arg9 : memref<!tpu.dma_semaphore, #tpu.memory_space<semaphore_mem>>) src(%dma_wait3A_734 : memref<32x128xf32, #tpu.memory_space<hbm>>) dst(%dma_wait3A_731 : memref<32x128xf32, #tpu.memory_space<vmem>>)
    %dma_wait3A_735 = arith.constant 1 : i32
    %dma_wait3A_736 = arith.constant 6 : i32
    %dma_wait3A_737 = arith.constant 0 : i32
    %dma_wait3A_738 = arith.constant 0 : i32
    %dma_wait3A_739 = tpu.memref_slice %arg6[%dma_wait3A_735, %dma_wait3A_736, %dma_wait3A_737, %dma_wait3A_738] : memref<2x8x32x128xf32, #tpu.memory_space<vmem>> -> memref<1x1x32x128xf32, #tpu.memory_space<vmem>>
    %dma_wait3A_740 = tpu.memref_squeeze %dma_wait3A_739 : memref<1x1x32x128xf32, #tpu.memory_space<vmem>> -> memref<32x128xf32, #tpu.memory_space<vmem>>
    %dma_wait3A_741 = arith.constant 0 : i32
    %dma_wait3A_742 = arith.constant 0 : i32
    %dma_wait3A_743 = tpu.memref_slice %arg3[%dma_wait3A_741, %dma_wait3A_742] : memref<32x1000000xf32, #tpu.memory_space<hbm>> -> memref<32x128xf32, #tpu.memory_space<hbm>>
    %dma_wait3A_744 = arith.constant 0 : i32
    %dma_wait3A_745 = arith.constant 0 : i32
    %dma_wait3A_746 = tpu.memref_slice %arg6[%dma_wait3A_735, %dma_wait3A_736, %dma_wait3A_744, %dma_wait3A_745] : memref<2x8x32x128xf32, #tpu.memory_space<vmem>> -> memref<1x1x32x128xf32, #tpu.memory_space<vmem>>
    %dma_wait3A_747 = tpu.memref_squeeze %dma_wait3A_746 : memref<1x1x32x128xf32, #tpu.memory_space<vmem>> -> memref<32x128xf32, #tpu.memory_space<vmem>>
    %dma_wait3A_748 = arith.constant 0 : i32
    %dma_wait3A_749 = arith.constant 0 : i32
    %dma_wait3A_750 = tpu.memref_slice %arg3[%dma_wait3A_748, %dma_wait3A_749] : memref<32x1000000xf32, #tpu.memory_space<hbm>> -> memref<32x128xf32, #tpu.memory_space<hbm>>
    tpu.wait_dma2 semaphore(%arg9 : memref<!tpu.dma_semaphore, #tpu.memory_space<semaphore_mem>>) src(%dma_wait3A_750 : memref<32x128xf32, #tpu.memory_space<hbm>>) dst(%dma_wait3A_747 : memref<32x128xf32, #tpu.memory_space<vmem>>)
    %dma_wait3A_751 = arith.constant 1 : i32
    %dma_wait3A_752 = arith.constant 7 : i32
    %dma_wait3A_753 = arith.constant 0 : i32
    %dma_wait3A_754 = arith.constant 0 : i32
    %dma_wait3A_755 = tpu.memref_slice %arg6[%dma_wait3A_751, %dma_wait3A_752, %dma_wait3A_753, %dma_wait3A_754] : memref<2x8x32x128xf32, #tpu.memory_space<vmem>> -> memref<1x1x32x128xf32, #tpu.memory_space<vmem>>
    %dma_wait3A_756 = tpu.memref_squeeze %dma_wait3A_755 : memref<1x1x32x128xf32, #tpu.memory_space<vmem>> -> memref<32x128xf32, #tpu.memory_space<vmem>>
    %dma_wait3A_757 = arith.constant 0 : i32
    %dma_wait3A_758 = arith.constant 0 : i32
    %dma_wait3A_759 = tpu.memref_slice %arg3[%dma_wait3A_757, %dma_wait3A_758] : memref<32x1000000xf32, #tpu.memory_space<hbm>> -> memref<32x128xf32, #tpu.memory_space<hbm>>
    %dma_wait3A_760 = arith.constant 0 : i32
    %dma_wait3A_761 = arith.constant 0 : i32
    %dma_wait3A_762 = tpu.memref_slice %arg6[%dma_wait3A_751, %dma_wait3A_752, %dma_wait3A_760, %dma_wait3A_761] : memref<2x8x32x128xf32, #tpu.memory_space<vmem>> -> memref<1x1x32x128xf32, #tpu.memory_space<vmem>>
    %dma_wait3A_763 = tpu.memref_squeeze %dma_wait3A_762 : memref<1x1x32x128xf32, #tpu.memory_space<vmem>> -> memref<32x128xf32, #tpu.memory_space<vmem>>
    %dma_wait3A_764 = arith.constant 0 : i32
    %dma_wait3A_765 = arith.constant 0 : i32
    %dma_wait3A_766 = tpu.memref_slice %arg3[%dma_wait3A_764, %dma_wait3A_765] : memref<32x1000000xf32, #tpu.memory_space<hbm>> -> memref<32x128xf32, #tpu.memory_space<hbm>>
    tpu.wait_dma2 semaphore(%arg9 : memref<!tpu.dma_semaphore, #tpu.memory_space<semaphore_mem>>) src(%dma_wait3A_766 : memref<32x128xf32, #tpu.memory_space<hbm>>) dst(%dma_wait3A_763 : memref<32x128xf32, #tpu.memory_space<vmem>>)
    %slice3A_767 = vector.extract_strided_slice %slice3A_638 {offsets = [0], sizes = [1], strides = [1]} : vector<8xi32> to vector<1xi32>
    %squeeze3A_768 = vector.extract %slice3A_767[0] : i32 from vector<1xi32>
    %and3A_769 = arith.constant 127 : i32
    %and3A_770 = arith.andi %squeeze3A_768, %and3A_769 : i32
    %broadcast_in_dim3A_771 = vector.broadcast %and3A_770 : i32 to vector<16xi32>
    %broadcast_in_dim3A_772 = arith.constant 504 : i32
    %broadcast_in_dim3A_773 = vector.broadcast %broadcast_in_dim3A_772 : i32 to vector<16xi32>
    %gather3A_774 = arith.constant 1 : i32
    %gather3A_775 = arith.constant 0 : i32
    %gather3A_776 = arith.constant 0 : i32
    %gather3A_777 = arith.constant 0 : i32
    %gather3A_778 = tpu.memref_slice %arg6[%gather3A_774, %gather3A_775, %gather3A_776, %gather3A_777] : memref<2x8x32x128xf32, #tpu.memory_space<vmem>> -> memref<1x1x32x128xf32, #tpu.memory_space<vmem>>
    %gather3A_779 = tpu.memref_squeeze %gather3A_778 : memref<1x1x32x128xf32, #tpu.memory_space<vmem>> -> memref<32x128xf32, #tpu.memory_space<vmem>>
    %gather3A_780 = tpu.vector_load_idx %gather3A_779[%iota3A, %broadcast_in_dim3A_771] : memref<32x128xf32, #tpu.memory_space<vmem>>[vector<16xi32>, vector<16xi32>], vector<16xf32>,
    %gather3A_781 = arith.constant 1 : i32
    %gather3A_782 = arith.constant 0 : i32
    %gather3A_783 = arith.constant 0 : i32
    %gather3A_784 = arith.constant 0 : i32
    %gather3A_785 = tpu.memref_slice %arg6[%gather3A_781, %gather3A_782, %gather3A_783, %gather3A_784] : memref<2x8x32x128xf32, #tpu.memory_space<vmem>> -> memref<1x1x32x128xf32, #tpu.memory_space<vmem>>
    %gather3A_786 = tpu.memref_squeeze %gather3A_785 : memref<1x1x32x128xf32, #tpu.memory_space<vmem>> -> memref<32x128xf32, #tpu.memory_space<vmem>>
    %gather3A_787 = tpu.vector_load_idx %gather3A_786[%add3A_5, %broadcast_in_dim3A_771] : memref<32x128xf32, #tpu.memory_space<vmem>>[vector<16xi32>, vector<16xi32>], vector<16xf32>,
    tpu.vector_store_idx %arg7[%iota3A, %broadcast_in_dim3A_773], %gather3A_780 : memref<32x512xf32, #tpu.memory_space<vmem>>[vector<16xi32>, vector<16xi32>], vector<16xf32>,
    tpu.vector_store_idx %arg7[%add3A_5, %broadcast_in_dim3A_773], %gather3A_787 : memref<32x512xf32, #tpu.memory_space<vmem>>[vector<16xi32>, vector<16xi32>], vector<16xf32>,
    %slice3A_788 = vector.extract_strided_slice %slice3A_638 {offsets = [1], sizes = [1], strides = [1]} : vector<8xi32> to vector<1xi32>
    %squeeze3A_789 = vector.extract %slice3A_788[0] : i32 from vector<1xi32>
    %and3A_790 = arith.constant 127 : i32
    %and3A_791 = arith.andi %squeeze3A_789, %and3A_790 : i32
    %broadcast_in_dim3A_792 = vector.broadcast %and3A_791 : i32 to vector<16xi32>
    %broadcast_in_dim3A_793 = arith.constant 505 : i32
    %broadcast_in_dim3A_794 = vector.broadcast %broadcast_in_dim3A_793 : i32 to vector<16xi32>
    %gather3A_795 = arith.constant 1 : i32
    %gather3A_796 = arith.constant 1 : i32
    %gather3A_797 = arith.constant 0 : i32
    %gather3A_798 = arith.constant 0 : i32
    %gather3A_799 = tpu.memref_slice %arg6[%gather3A_795, %gather3A_796, %gather3A_797, %gather3A_798] : memref<2x8x32x128xf32, #tpu.memory_space<vmem>> -> memref<1x1x32x128xf32, #tpu.memory_space<vmem>>
    %gather3A_800 = tpu.memref_squeeze %gather3A_799 : memref<1x1x32x128xf32, #tpu.memory_space<vmem>> -> memref<32x128xf32, #tpu.memory_space<vmem>>
    %gather3A_801 = tpu.vector_load_idx %gather3A_800[%iota3A, %broadcast_in_dim3A_792] : memref<32x128xf32, #tpu.memory_space<vmem>>[vector<16xi32>, vector<16xi32>], vector<16xf32>,
    %gather3A_802 = arith.constant 1 : i32
    %gather3A_803 = arith.constant 1 : i32
    %gather3A_804 = arith.constant 0 : i32
    %gather3A_805 = arith.constant 0 : i32
    %gather3A_806 = tpu.memref_slice %arg6[%gather3A_802, %gather3A_803, %gather3A_804, %gather3A_805] : memref<2x8x32x128xf32, #tpu.memory_space<vmem>> -> memref<1x1x32x128xf32, #tpu.memory_space<vmem>>
    %gather3A_807 = tpu.memref_squeeze %gather3A_806 : memref<1x1x32x128xf32, #tpu.memory_space<vmem>> -> memref<32x128xf32, #tpu.memory_space<vmem>>
    %gather3A_808 = tpu.vector_load_idx %gather3A_807[%add3A_5, %broadcast_in_dim3A_792] : memref<32x128xf32, #tpu.memory_space<vmem>>[vector<16xi32>, vector<16xi32>], vector<16xf32>,
    tpu.vector_store_idx %arg7[%iota3A, %broadcast_in_dim3A_794], %gather3A_801 : memref<32x512xf32, #tpu.memory_space<vmem>>[vector<16xi32>, vector<16xi32>], vector<16xf32>,
    tpu.vector_store_idx %arg7[%add3A_5, %broadcast_in_dim3A_794], %gather3A_808 : memref<32x512xf32, #tpu.memory_space<vmem>>[vector<16xi32>, vector<16xi32>], vector<16xf32>,
    %slice3A_809 = vector.extract_strided_slice %slice3A_638 {offsets = [2], sizes = [1], strides = [1]} : vector<8xi32> to vector<1xi32>
    %squeeze3A_810 = vector.extract %slice3A_809[0] : i32 from vector<1xi32>
    %and3A_811 = arith.constant 127 : i32
    %and3A_812 = arith.andi %squeeze3A_810, %and3A_811 : i32
    %broadcast_in_dim3A_813 = vector.broadcast %and3A_812 : i32 to vector<16xi32>
    %broadcast_in_dim3A_814 = arith.constant 506 : i32
    %broadcast_in_dim3A_815 = vector.broadcast %broadcast_in_dim3A_814 : i32 to vector<16xi32>
    %gather3A_816 = arith.constant 1 : i32
    %gather3A_817 = arith.constant 2 : i32
    %gather3A_818 = arith.constant 0 : i32
    %gather3A_819 = arith.constant 0 : i32
    %gather3A_820 = tpu.memref_slice %arg6[%gather3A_816, %gather3A_817, %gather3A_818, %gather3A_819] : memref<2x8x32x128xf32, #tpu.memory_space<vmem>> -> memref<1x1x32x128xf32, #tpu.memory_space<vmem>>
    %gather3A_821 = tpu.memref_squeeze %gather3A_820 : memref<1x1x32x128xf32, #tpu.memory_space<vmem>> -> memref<32x128xf32, #tpu.memory_space<vmem>>
    %gather3A_822 = tpu.vector_load_idx %gather3A_821[%iota3A, %broadcast_in_dim3A_813] : memref<32x128xf32, #tpu.memory_space<vmem>>[vector<16xi32>, vector<16xi32>], vector<16xf32>,
    %gather3A_823 = arith.constant 1 : i32
    %gather3A_824 = arith.constant 2 : i32
    %gather3A_825 = arith.constant 0 : i32
    %gather3A_826 = arith.constant 0 : i32
    %gather3A_827 = tpu.memref_slice %arg6[%gather3A_823, %gather3A_824, %gather3A_825, %gather3A_826] : memref<2x8x32x128xf32, #tpu.memory_space<vmem>> -> memref<1x1x32x128xf32, #tpu.memory_space<vmem>>
    %gather3A_828 = tpu.memref_squeeze %gather3A_827 : memref<1x1x32x128xf32, #tpu.memory_space<vmem>> -> memref<32x128xf32, #tpu.memory_space<vmem>>
    %gather3A_829 = tpu.vector_load_idx %gather3A_828[%add3A_5, %broadcast_in_dim3A_813] : memref<32x128xf32, #tpu.memory_space<vmem>>[vector<16xi32>, vector<16xi32>], vector<16xf32>,
    tpu.vector_store_idx %arg7[%iota3A, %broadcast_in_dim3A_815], %gather3A_822 : memref<32x512xf32, #tpu.memory_space<vmem>>[vector<16xi32>, vector<16xi32>], vector<16xf32>,
    tpu.vector_store_idx %arg7[%add3A_5, %broadcast_in_dim3A_815], %gather3A_829 : memref<32x512xf32, #tpu.memory_space<vmem>>[vector<16xi32>, vector<16xi32>], vector<16xf32>,
    %slice3A_830 = vector.extract_strided_slice %slice3A_638 {offsets = [3], sizes = [1], strides = [1]} : vector<8xi32> to vector<1xi32>
    %squeeze3A_831 = vector.extract %slice3A_830[0] : i32 from vector<1xi32>
    %and3A_832 = arith.constant 127 : i32
    %and3A_833 = arith.andi %squeeze3A_831, %and3A_832 : i32
    %broadcast_in_dim3A_834 = vector.broadcast %and3A_833 : i32 to vector<16xi32>
    %broadcast_in_dim3A_835 = arith.constant 507 : i32
    %broadcast_in_dim3A_836 = vector.broadcast %broadcast_in_dim3A_835 : i32 to vector<16xi32>
    %gather3A_837 = arith.constant 1 : i32
    %gather3A_838 = arith.constant 3 : i32
    %gather3A_839 = arith.constant 0 : i32
    %gather3A_840 = arith.constant 0 : i32
    %gather3A_841 = tpu.memref_slice %arg6[%gather3A_837, %gather3A_838, %gather3A_839, %gather3A_840] : memref<2x8x32x128xf32, #tpu.memory_space<vmem>> -> memref<1x1x32x128xf32, #tpu.memory_space<vmem>>
    %gather3A_842 = tpu.memref_squeeze %gather3A_841 : memref<1x1x32x128xf32, #tpu.memory_space<vmem>> -> memref<32x128xf32, #tpu.memory_space<vmem>>
    %gather3A_843 = tpu.vector_load_idx %gather3A_842[%iota3A, %broadcast_in_dim3A_834] : memref<32x128xf32, #tpu.memory_space<vmem>>[vector<16xi32>, vector<16xi32>], vector<16xf32>,
    %gather3A_844 = arith.constant 1 : i32
    %gather3A_845 = arith.constant 3 : i32
    %gather3A_846 = arith.constant 0 : i32
    %gather3A_847 = arith.constant 0 : i32
    %gather3A_848 = tpu.memref_slice %arg6[%gather3A_844, %gather3A_845, %gather3A_846, %gather3A_847] : memref<2x8x32x128xf32, #tpu.memory_space<vmem>> -> memref<1x1x32x128xf32, #tpu.memory_space<vmem>>
    %gather3A_849 = tpu.memref_squeeze %gather3A_848 : memref<1x1x32x128xf32, #tpu.memory_space<vmem>> -> memref<32x128xf32, #tpu.memory_space<vmem>>
    %gather3A_850 = tpu.vector_load_idx %gather3A_849[%add3A_5, %broadcast_in_dim3A_834] : memref<32x128xf32, #tpu.memory_space<vmem>>[vector<16xi32>, vector<16xi32>], vector<16xf32>,
    tpu.vector_store_idx %arg7[%iota3A, %broadcast_in_dim3A_836], %gather3A_843 : memref<32x512xf32, #tpu.memory_space<vmem>>[vector<16xi32>, vector<16xi32>], vector<16xf32>,
    tpu.vector_store_idx %arg7[%add3A_5, %broadcast_in_dim3A_836], %gather3A_850 : memref<32x512xf32, #tpu.memory_space<vmem>>[vector<16xi32>, vector<16xi32>], vector<16xf32>,
    %slice3A_851 = vector.extract_strided_slice %slice3A_638 {offsets = [4], sizes = [1], strides = [1]} : vector<8xi32> to vector<1xi32>
    %squeeze3A_852 = vector.extract %slice3A_851[0] : i32 from vector<1xi32>
    %and3A_853 = arith.constant 127 : i32
    %and3A_854 = arith.andi %squeeze3A_852, %and3A_853 : i32
    %broadcast_in_dim3A_855 = vector.broadcast %and3A_854 : i32 to vector<16xi32>
    %broadcast_in_dim3A_856 = arith.constant 508 : i32
    %broadcast_in_dim3A_857 = vector.broadcast %broadcast_in_dim3A_856 : i32 to vector<16xi32>
    %gather3A_858 = arith.constant 1 : i32
    %gather3A_859 = arith.constant 4 : i32
    %gather3A_860 = arith.constant 0 : i32
    %gather3A_861 = arith.constant 0 : i32
    %gather3A_862 = tpu.memref_slice %arg6[%gather3A_858, %gather3A_859, %gather3A_860, %gather3A_861] : memref<2x8x32x128xf32, #tpu.memory_space<vmem>> -> memref<1x1x32x128xf32, #tpu.memory_space<vmem>>
    %gather3A_863 = tpu.memref_squeeze %gather3A_862 : memref<1x1x32x128xf32, #tpu.memory_space<vmem>> -> memref<32x128xf32, #tpu.memory_space<vmem>>
    %gather3A_864 = tpu.vector_load_idx %gather3A_863[%iota3A, %broadcast_in_dim3A_855] : memref<32x128xf32, #tpu.memory_space<vmem>>[vector<16xi32>, vector<16xi32>], vector<16xf32>,
    %gather3A_865 = arith.constant 1 : i32
    %gather3A_866 = arith.constant 4 : i32
    %gather3A_867 = arith.constant 0 : i32
    %gather3A_868 = arith.constant 0 : i32
    %gather3A_869 = tpu.memref_slice %arg6[%gather3A_865, %gather3A_866, %gather3A_867, %gather3A_868] : memref<2x8x32x128xf32, #tpu.memory_space<vmem>> -> memref<1x1x32x128xf32, #tpu.memory_space<vmem>>
    %gather3A_870 = tpu.memref_squeeze %gather3A_869 : memref<1x1x32x128xf32, #tpu.memory_space<vmem>> -> memref<32x128xf32, #tpu.memory_space<vmem>>
    %gather3A_871 = tpu.vector_load_idx %gather3A_870[%add3A_5, %broadcast_in_dim3A_855] : memref<32x128xf32, #tpu.memory_space<vmem>>[vector<16xi32>, vector<16xi32>], vector<16xf32>,
    tpu.vector_store_idx %arg7[%iota3A, %broadcast_in_dim3A_857], %gather3A_864 : memref<32x512xf32, #tpu.memory_space<vmem>>[vector<16xi32>, vector<16xi32>], vector<16xf32>,
    tpu.vector_store_idx %arg7[%add3A_5, %broadcast_in_dim3A_857], %gather3A_871 : memref<32x512xf32, #tpu.memory_space<vmem>>[vector<16xi32>, vector<16xi32>], vector<16xf32>,
    %slice3A_872 = vector.extract_strided_slice %slice3A_638 {offsets = [5], sizes = [1], strides = [1]} : vector<8xi32> to vector<1xi32>
    %squeeze3A_873 = vector.extract %slice3A_872[0] : i32 from vector<1xi32>
    %and3A_874 = arith.constant 127 : i32
    %and3A_875 = arith.andi %squeeze3A_873, %and3A_874 : i32
    %broadcast_in_dim3A_876 = vector.broadcast %and3A_875 : i32 to vector<16xi32>
    %broadcast_in_dim3A_877 = arith.constant 509 : i32
    %broadcast_in_dim3A_878 = vector.broadcast %broadcast_in_dim3A_877 : i32 to vector<16xi32>
    %gather3A_879 = arith.constant 1 : i32
    %gather3A_880 = arith.constant 5 : i32
    %gather3A_881 = arith.constant 0 : i32
    %gather3A_882 = arith.constant 0 : i32
    %gather3A_883 = tpu.memref_slice %arg6[%gather3A_879, %gather3A_880, %gather3A_881, %gather3A_882] : memref<2x8x32x128xf32, #tpu.memory_space<vmem>> -> memref<1x1x32x128xf32, #tpu.memory_space<vmem>>
    %gather3A_884 = tpu.memref_squeeze %gather3A_883 : memref<1x1x32x128xf32, #tpu.memory_space<vmem>> -> memref<32x128xf32, #tpu.memory_space<vmem>>
    %gather3A_885 = tpu.vector_load_idx %gather3A_884[%iota3A, %broadcast_in_dim3A_876] : memref<32x128xf32, #tpu.memory_space<vmem>>[vector<16xi32>, vector<16xi32>], vector<16xf32>,
    %gather3A_886 = arith.constant 1 : i32
    %gather3A_887 = arith.constant 5 : i32
    %gather3A_888 = arith.constant 0 : i32
    %gather3A_889 = arith.constant 0 : i32
    %gather3A_890 = tpu.memref_slice %arg6[%gather3A_886, %gather3A_887, %gather3A_888, %gather3A_889] : memref<2x8x32x128xf32, #tpu.memory_space<vmem>> -> memref<1x1x32x128xf32, #tpu.memory_space<vmem>>
    %gather3A_891 = tpu.memref_squeeze %gather3A_890 : memref<1x1x32x128xf32, #tpu.memory_space<vmem>> -> memref<32x128xf32, #tpu.memory_space<vmem>>
    %gather3A_892 = tpu.vector_load_idx %gather3A_891[%add3A_5, %broadcast_in_dim3A_876] : memref<32x128xf32, #tpu.memory_space<vmem>>[vector<16xi32>, vector<16xi32>], vector<16xf32>,
    tpu.vector_store_idx %arg7[%iota3A, %broadcast_in_dim3A_878], %gather3A_885 : memref<32x512xf32, #tpu.memory_space<vmem>>[vector<16xi32>, vector<16xi32>], vector<16xf32>,
    tpu.vector_store_idx %arg7[%add3A_5, %broadcast_in_dim3A_878], %gather3A_892 : memref<32x512xf32, #tpu.memory_space<vmem>>[vector<16xi32>, vector<16xi32>], vector<16xf32>,
    %slice3A_893 = vector.extract_strided_slice %slice3A_638 {offsets = [6], sizes = [1], strides = [1]} : vector<8xi32> to vector<1xi32>
    %squeeze3A_894 = vector.extract %slice3A_893[0] : i32 from vector<1xi32>
    %and3A_895 = arith.constant 127 : i32
    %and3A_896 = arith.andi %squeeze3A_894, %and3A_895 : i32
    %broadcast_in_dim3A_897 = vector.broadcast %and3A_896 : i32 to vector<16xi32>
    %broadcast_in_dim3A_898 = arith.constant 510 : i32
    %broadcast_in_dim3A_899 = vector.broadcast %broadcast_in_dim3A_898 : i32 to vector<16xi32>
    %gather3A_900 = arith.constant 1 : i32
    %gather3A_901 = arith.constant 6 : i32
    %gather3A_902 = arith.constant 0 : i32
    %gather3A_903 = arith.constant 0 : i32
    %gather3A_904 = tpu.memref_slice %arg6[%gather3A_900, %gather3A_901, %gather3A_902, %gather3A_903] : memref<2x8x32x128xf32, #tpu.memory_space<vmem>> -> memref<1x1x32x128xf32, #tpu.memory_space<vmem>>
    %gather3A_905 = tpu.memref_squeeze %gather3A_904 : memref<1x1x32x128xf32, #tpu.memory_space<vmem>> -> memref<32x128xf32, #tpu.memory_space<vmem>>
    %gather3A_906 = tpu.vector_load_idx %gather3A_905[%iota3A, %broadcast_in_dim3A_897] : memref<32x128xf32, #tpu.memory_space<vmem>>[vector<16xi32>, vector<16xi32>], vector<16xf32>,
    %gather3A_907 = arith.constant 1 : i32
    %gather3A_908 = arith.constant 6 : i32
    %gather3A_909 = arith.constant 0 : i32
    %gather3A_910 = arith.constant 0 : i32
    %gather3A_911 = tpu.memref_slice %arg6[%gather3A_907, %gather3A_908, %gather3A_909, %gather3A_910] : memref<2x8x32x128xf32, #tpu.memory_space<vmem>> -> memref<1x1x32x128xf32, #tpu.memory_space<vmem>>
    %gather3A_912 = tpu.memref_squeeze %gather3A_911 : memref<1x1x32x128xf32, #tpu.memory_space<vmem>> -> memref<32x128xf32, #tpu.memory_space<vmem>>
    %gather3A_913 = tpu.vector_load_idx %gather3A_912[%add3A_5, %broadcast_in_dim3A_897] : memref<32x128xf32, #tpu.memory_space<vmem>>[vector<16xi32>, vector<16xi32>], vector<16xf32>,
    tpu.vector_store_idx %arg7[%iota3A, %broadcast_in_dim3A_899], %gather3A_906 : memref<32x512xf32, #tpu.memory_space<vmem>>[vector<16xi32>, vector<16xi32>], vector<16xf32>,
    tpu.vector_store_idx %arg7[%add3A_5, %broadcast_in_dim3A_899], %gather3A_913 : memref<32x512xf32, #tpu.memory_space<vmem>>[vector<16xi32>, vector<16xi32>], vector<16xf32>,
    %slice3A_914 = vector.extract_strided_slice %slice3A_638 {offsets = [7], sizes = [1], strides = [1]} : vector<8xi32> to vector<1xi32>
    %squeeze3A_915 = vector.extract %slice3A_914[0] : i32 from vector<1xi32>
    %and3A_916 = arith.constant 127 : i32
    %and3A_917 = arith.andi %squeeze3A_915, %and3A_916 : i32
    %broadcast_in_dim3A_918 = vector.broadcast %and3A_917 : i32 to vector<16xi32>
    %broadcast_in_dim3A_919 = arith.constant 511 : i32
    %broadcast_in_dim3A_920 = vector.broadcast %broadcast_in_dim3A_919 : i32 to vector<16xi32>
    %gather3A_921 = arith.constant 1 : i32
    %gather3A_922 = arith.constant 7 : i32
    %gather3A_923 = arith.constant 0 : i32
    %gather3A_924 = arith.constant 0 : i32
    %gather3A_925 = tpu.memref_slice %arg6[%gather3A_921, %gather3A_922, %gather3A_923, %gather3A_924] : memref<2x8x32x128xf32, #tpu.memory_space<vmem>> -> memref<1x1x32x128xf32, #tpu.memory_space<vmem>>
    %gather3A_926 = tpu.memref_squeeze %gather3A_925 : memref<1x1x32x128xf32, #tpu.memory_space<vmem>> -> memref<32x128xf32, #tpu.memory_space<vmem>>
    %gather3A_927 = tpu.vector_load_idx %gather3A_926[%iota3A, %broadcast_in_dim3A_918] : memref<32x128xf32, #tpu.memory_space<vmem>>[vector<16xi32>, vector<16xi32>], vector<16xf32>,
    %gather3A_928 = arith.constant 1 : i32
    %gather3A_929 = arith.constant 7 : i32
    %gather3A_930 = arith.constant 0 : i32
    %gather3A_931 = arith.constant 0 : i32
    %gather3A_932 = tpu.memref_slice %arg6[%gather3A_928, %gather3A_929, %gather3A_930, %gather3A_931] : memref<2x8x32x128xf32, #tpu.memory_space<vmem>> -> memref<1x1x32x128xf32, #tpu.memory_space<vmem>>
    %gather3A_933 = tpu.memref_squeeze %gather3A_932 : memref<1x1x32x128xf32, #tpu.memory_space<vmem>> -> memref<32x128xf32, #tpu.memory_space<vmem>>
    %gather3A_934 = tpu.vector_load_idx %gather3A_933[%add3A_5, %broadcast_in_dim3A_918] : memref<32x128xf32, #tpu.memory_space<vmem>>[vector<16xi32>, vector<16xi32>], vector<16xf32>,
    tpu.vector_store_idx %arg7[%iota3A, %broadcast_in_dim3A_920], %gather3A_927 : memref<32x512xf32, #tpu.memory_space<vmem>>[vector<16xi32>, vector<16xi32>], vector<16xf32>,
    tpu.vector_store_idx %arg7[%add3A_5, %broadcast_in_dim3A_920], %gather3A_934 : memref<32x512xf32, #tpu.memory_space<vmem>>[vector<16xi32>, vector<16xi32>], vector<16xf32>,
    "tpu.region"() ({
      %run_scoped3A = tpu.sem_alloc : memref<!tpu.dma_semaphore, #tpu.memory_space<semaphore_mem>>
      %dma_start3A_935 = arith.constant 0 : i32
      %dma_start3A_936 = tpu.memref_slice %arg4[%dma_start3A_935, %mul3A_2] : memref<32x16384xf32, #tpu.memory_space<hbm>> -> memref<32x512xf32, #tpu.memory_space<hbm>>
      %dma_start3A_937 = arith.constant 0 : i32
      %dma_start3A_938 = tpu.memref_slice %arg4[%dma_start3A_937, %mul3A_2] : memref<32x16384xf32, #tpu.memory_space<hbm>> -> memref<32x512xf32, #tpu.memory_space<hbm>>
      tpu.enqueue_dma source(%arg7 : memref<32x512xf32, #tpu.memory_space<vmem>>) target(%dma_start3A_938 : memref<32x512xf32, #tpu.memory_space<hbm>>) target_semaphore(%run_scoped3A : memref<!tpu.dma_semaphore, #tpu.memory_space<semaphore_mem>>)
      %dma_wait3A_939 = arith.constant 0 : i32
      %dma_wait3A_940 = tpu.memref_slice %arg4[%dma_wait3A_939, %mul3A_2] : memref<32x16384xf32, #tpu.memory_space<hbm>> -> memref<32x512xf32, #tpu.memory_space<hbm>>
      %dma_wait3A_941 = arith.constant 0 : i32
      %dma_wait3A_942 = tpu.memref_slice %arg4[%dma_wait3A_941, %mul3A_2] : memref<32x16384xf32, #tpu.memory_space<hbm>> -> memref<32x512xf32, #tpu.memory_space<hbm>>
      tpu.wait_dma2 semaphore(%run_scoped3A : memref<!tpu.dma_semaphore, #tpu.memory_space<semaphore_mem>>) src(%arg7 : memref<32x512xf32, #tpu.memory_space<vmem>>) dst(%dma_wait3A_942 : memref<32x512xf32, #tpu.memory_space<hbm>>)
      tpu.yield
    }) : () -> ()
    return
  }
}

</mosaic_0001>

<sc_bundles>
// kernel: kernel.3.cloned.1.call-start
scs
__scs_entry_jumppad:
0x0: {  	(pc) =	sbr.rel $0x88, $3  }
0x1: {  	(tag) =	ssettag $0x0;
	lr =	simm.s32 $0x1  }
0x2: {  	[smem:$0x3F9F] =	sst lr;
	_ =	strace $0xD0000000  }
0x3: {  	_ = 	snop  }
0x4: {  	_ = 	snop  }
0x5: {  	_ = 	snop  }
0x6: {  	_ = 	snop  }
0x7: {  	_ = 	snop  }
__scs_overlays_trampoline_lowered:
0x8: {  	[smem:$0x3FAE] =	sst s0  }
0x9: {  	[smem:$0x3FAF] =	sst s1  }
0xa: {  	[smem:$0x3FB0] =	sst s2  }
0xb: {  	[smem:$0x3FB1] =	sst s3  }
0xc: {  	[smem:$0x3FB2] =	sst s4  }
0xd: {  	[smem:$0x3FB3] =	sst s5  }
0xe: {  	[smem:$0x3FB4] =	sst s6  }
0xf: {  	[smem:$0x3FB5] =	sst s7  }
0x10: {  	[smem:$0x3FB6] =	sst s8  }
0x11: {  	[smem:$0x3FB7] =	sst s9;
	s0 =	simm.s32 @!p0 $0x0  }
0x12: {  	s1 =	sld [smem:$0x3F9D];
	s0 =	simm.s32 @p0 $0x1  }
0x13: {  	[smem:$0x3FB8] =	sst s0;
	s0 =	simm.s32 @!p1 $0x0  }
0x14: {  	s2 =	sld [smem:$0x3F9C];
	s0 =	simm.s32 @p1 $0x1  }
0x15: {  	[smem:$0x3FB9] =	sst s0;
	s0 =	simm.s32 @!p2 $0x0  }
0x16: {  	s3 =	sld [smem:$0x3FDB];
	s0 =	simm.s32 @p2 $0x1  }
0x17: {  	s4 =	simm.s32 $0x1BF5;
	[smem:$0x3FBB] =	sst s0  }
0x18: {  	s0 =	sld [smem:$0x3F9E];
	_ =	swait.ge [sflag:s4], $0x0  }
0x19: {  	s7 =	sld [smem:$0x3F9F]  }
0x1a: {  	s8 =	sadd.s32 $0xFFFFE003, lr  }
0x1b: {  	s9 =	sadd.s32 $0xFFFFFEF7, lr;
	s5 =	simm.s32 $0xFFFFFFFF;
	p2 =	slt.u32 s8, $0xFFFFF086  }
0x1c: {  	p1 =	slt.u32 s9, $0xF7A;
	s5 =	simm.s32 @!p2 $0x0  }
0x1d: {  	s5 =	simm.s32 @p1 $0x1;
	p0 =	seq.s32 s7, s2  }
0x1e: {  	s7 =	smul.u32 @!p0 $0xF7A, s2;
	p2 =	seq.s32 @!p0 s5, $0x0  }
0x1f: {  	s9 =	smul.u32 $0xF7A, s1;
	s8 =	simm.s32 @!p0 $0x1BF5;
	p2 =	por !p2, p0  }
0x20: {  	[sflag:s8] =	ssyncset.s32 @!p0 $0xFFFFF086;
	s6 =	sadd.s32 @!p0 s3, s7;
	s7 =	simm.s32 @!p0 $0x108  }
0x21: {  	s3 =	sadd.s32 s3, s9;
	s6 =	sadd.s32 @!p0 $0x88, s6;
	s7 =	simm.s32 @p2 $0x1082  }
0x22: {  	[simem:s7], [sflag:s8] =	dma.local @!p0 [hbm:s6], $0xF7A  }
0x23: {  	s9 =	sor.u32 $0xD0000000, s2;
	s6 =	simm.s32 $0x108;
	_ =	swait.ge @!p0 [sflag:s8], $0x0  }
0x24: {  	s3 =	sadd.s32 $0x88, s3;
	s6 =	simm.s32 @!p1 $0x1082;
	[sflag:s4] =	ssyncset.s32 $0xFFFFF086  }
0x25: {  	[simem:s6], [sflag:s4] =	dma.local [hbm:s3], $0xF7A  }
0x26: {  	[smem:$0x3F9F] =	sst s1;
	(tag) =	ssettag s2;
	_ =	strace s9  }
0x27: {  	s1 =	sld [smem:$0x3FAF]  }
0x28: {  	s2 =	sld [smem:$0x3FB0]  }
0x29: {  	s4 =	sld [smem:$0x3FB2]  }
0x2a: {  	p0 =	seq.s32 s5, $0x0;
	s5 =	sld [smem:$0x3FB3]  }
0x2b: {  	s6 =	sld [smem:$0x3FB4]  }
0x2c: {  	s7 =	sld [smem:$0x3FB5]  }
0x2d: {  	s3 =	simm.s32 $0x108;
	s8 =	sld [smem:$0x3FB6]  }
0x2e: {  	s3 =	simm.s32 @!p0 $0x1082;
	s9 =	sld [smem:$0x3FB7]  }
0x2f: {  	lr =	sadd.s32 s0, s3;
	s0 =	sld [smem:$0x3FAE]  }
0x30: {  	s3 =	sld [smem:$0x3FB1]  }
0x31: {  	[smem:$0x3FBA] =	sst s10  }
0x32: {  	s10 =	sld [smem:$0x3FB8];
	_ =	sdelay $0x3  }
0x33: {  	p0 =	seq.s32 s10, $0x1;
	s10 =	sld [smem:$0x3FBA];
	_ =	sdelay $0x3  }
0x34: {  	[smem:$0x3FBA] =	sst s10  }
0x35: {  	s10 =	sld [smem:$0x3FB9];
	_ =	sdelay $0x3  }
0x36: {  	p1 =	seq.s32 s10, $0x1;
	s10 =	sld [smem:$0x3FBA];
	_ =	sdelay $0x3  }
0x37: {  	[smem:$0x3FBA] =	sst s10  }
0x38: {  	s10 =	sld [smem:$0x3FBB]  }
0x39: {  	_ = 	snop;
	(pc) =	sbr.ind lr, $3  }
0x3a: {  	_ = 	snop  }
0x3b: {  	_ = 	snop  }
0x3c: {  	p2 =	seq.s32 s10, $0x1;
	s10 =	sld [smem:$0x3FBA]  }
0x3d: {  	_ =	shalt  }
0x3e: {  	_ =	shalt  }
0x3f: {  	_ =	shalt  }
0x40: {  	_ =	shalt  }
0x41: {  	_ =	shalt  }
0x42: {  	_ =	shalt  }
0x43: {  	_ =	shalt  }
0x44: {  	_ =	shalt  }
0x45: {  	_ =	shalt  }
0x46: {  	_ =	shalt  }
0x47: {  	_ =	shalt  }
0x48: {  	_ =	shalt  }
0x49: {  	_ =	shalt  }
0x4a: {  	_ =	shalt  }
0x4b: {  	_ =	shalt  }
0x4c: {  	_ =	shalt  }
0x4d: {  	_ =	shalt  }
0x4e: {  	_ =	shalt  }
0x4f: {  	_ =	shalt  }
0x50: {  	_ =	shalt  }
0x51: {  	_ =	shalt  }
0x52: {  	_ =	shalt  }
0x53: {  	_ =	shalt  }
0x54: {  	_ =	shalt  }
0x55: {  	_ =	shalt  }
0x56: {  	_ =	shalt  }
0x57: {  	_ =	shalt  }
0x58: {  	_ =	shalt  }
0x59: {  	_ =	shalt  }
0x5a: {  	_ =	shalt  }
0x5b: {  	_ =	shalt  }
0x5c: {  	_ =	shalt  }
0x5d: {  	_ =	shalt  }
0x5e: {  	_ =	shalt  }
0x5f: {  	_ =	shalt  }
0x60: {  	_ =	shalt  }
0x61: {  	_ =	shalt  }
0x62: {  	_ =	shalt  }
0x63: {  	_ =	shalt  }
0x64: {  	_ =	shalt  }
0x65: {  	_ =	shalt  }
0x66: {  	_ =	shalt  }
0x67: {  	_ =	shalt  }
0x68: {  	_ =	shalt  }
0x69: {  	_ =	shalt  }
0x6a: {  	_ =	shalt  }
0x6b: {  	_ =	shalt  }
0x6c: {  	_ =	shalt  }
0x6d: {  	_ =	shalt  }
0x6e: {  	_ =	shalt  }
0x6f: {  	_ =	shalt  }
0x70: {  	_ =	shalt  }
0x71: {  	_ =	shalt  }
0x72: {  	_ =	shalt  }
0x73: {  	_ =	shalt  }
0x74: {  	_ =	shalt  }
0x75: {  	_ =	shalt  }
0x76: {  	_ =	shalt  }
0x77: {  	_ =	shalt  }
0x78: {  	_ =	shalt  }
0x79: {  	_ =	shalt  }
0x7a: {  	_ =	shalt  }
0x7b: {  	_ =	shalt  }
0x7c: {  	_ =	shalt  }
0x7d: {  	_ =	shalt  }
0x7e: {  	_ =	shalt  }
0x7f: {  	_ =	shalt  }
0x80: {  	_ =	shalt  }
0x81: {  	_ =	shalt  }
0x82: {  	_ =	shalt  }
0x83: {  	_ =	shalt  }
0x84: {  	_ =	shalt  }
0x85: {  	_ =	shalt  }
0x86: {  	_ =	shalt  }
0x87: {  	_ =	shalt  }
.Lfunc_end0:
.L_simem_size_0:
called_computation_lowered:
.L_overlay_start_0:
0x88: {  	s2 =	sld [smem:$0x3FD9]  }
0x89: {  	s3 =	sld [smem:$0x3FFE];
	_ =	sdelay $0x1  }
0x8a: {  	s1 =	srdreg.scid  }
0x8b: {  	s0 =	sand.u32 $0x1, s1  }
0x8c: {  	s18 =	sshll.u32 s0, $0xA;
	s2 =	sadd.s32 s3, s2  }
0x8d: {  	s2 =	sadd.s32 s2, s18  }
0x8e: {  	[smem:$0x3FC6] =	sst s2  }
0x8f: {  	_ = 	snop  }
0x90: {  	s2 =	sld [smem:$0x3FC9]  }
0x91: {  	s19 =	sld [smem:$0x3FC8]  }
0x92: {  	s4 =	sld [smem:$0x3FD0];
	(tm) =	ssettm $0x1  }
0x93: {  	s5 =	sld [smem:$0x3FFB];
	_ =	sdelay $0x3  }
0x94: {  	_ =	strace s5  }
0x95: {  	s5 =	sld [smem:$0x3FFC];
	_ =	sdelay $0x3  }
0x96: {  	_ =	strace s5  }
0x97: {  	s5 =	sld [smem:$0x3FFD];
	_ =	sdelay $0x3  }
0x98: {  	_ =	strace s5  }
0x99: {  	_ =	strace $0x8FFFFFFF  }
0x9a: {  	s20 =	sld [smem:$0x3FDB];
	_ =	sdelay $0x1  }
0x9b: {  	s6 =	simm.s32 $_scs_section_size  }
0x9c: {  	s7 =	simm.s32 $_size__tile_overlayer_lowered;
	s8 =	simm.s32 $_tile_overlayer_lowered  }
0x9d: {  	s23 =	simm.s32 $0x1BFF;
	s22 =	sshll.u32 s8, $0x1;
	s5 =	sadd.s32 s6, s20  }
0x9e: {  	s9 =	simm.s32 $0x0;
	s21 =	sshll.u32 s7, $0x1;
	s7 =	sadd.s32 s22, s5  }
0x9f: {  	[timem:s9], [sflag:s23] =	dma.local [hbm:s7], s21  }
0xa0: {  	_ =	swait.ge [sflag:s23], s21  }
0xa1: {  	s6 =	ssub.s32 $0x0, s21;
	[sflag:s23] =	ssyncset.done $0x0  }
0xa2: {  	[sflag:s23] =	ssyncadd.s32 s6;
	_ =	sdelay $0x1  }
0xa3: {  	s24 =	simm.s32 $0x1B8B  }
0xa4: {  	_ =	swait.ge [sflag:s24], $0x1  }
0xa5: {  	[sflag:s24] =	ssyncset.done $0x0  }
0xa6: {  	s25 =	simm.s32 $0x1B8E;
	[sflag:s24] =	ssyncadd.s32 $0xFFFFFFFF  }
0xa7: {  	s26 =	simm.s32 $execute0_lowered;
	[smem:$0x3FD2] =	sst s25  }
0xa8: {  	s6 =	sshll.u32 s26, $0x1;
	_ =	strace $0x80000046;
	[dreg:$0x1] =	wrdreg $0xFFFFFFFF  }
0xa9: {  	s28 =	simm.s32 $_size_execute0_lowered;
	s5 =	sadd.s32 s5, s6;
	[dreg:$0x0] =	wrdreg $0x0  }
0xaa: {  	s6 =	sshll.u32 s28, $0x1;
	[dreg:$0x2] =	wrdreg s5  }
0xab: {  	[dreg:$0x3] =	wrdreg s6  }
0xac: {  	[dreg:$0x4] =	wrdreg $0xC0  }
0xad: {  	_ =	task [dreg:s9], $0x5FFFF  }
0xae: {  	[dreg:$0x1] =	wrdreg $0xFFFFFFFF  }
0xaf: {  	[dreg:$0x0] =	wrdreg $0x60  }
0xb0: {  	[dreg:$0x2] =	wrdreg s2  }
0xb1: {  	[dreg:$0x3] =	wrdreg s19  }
0xb2: {  	[dreg:$0x4] =	wrdreg s4  }
0xb3: {  	[dreg:$0x5] =	wrdreg $0x9  }
0xb4: {  	_ =	task.clear_ibuf [dreg:s9], $0x6FFFF;
	_ =	strace $0x90000046  }
0xb5: {  	s29 =	simm.s32 $0x9;
	_ =	strace $0x80000048  }
0xb6: {  	_ =	swait.ge [sflag:s29], $0x1  }
0xb7: {  	[sflag:s29] =	ssyncadd.s32 $0xFFFFFFFF  }
0xb8: {  	_ =	strace $0x90000048  }
0xb9: {  	_ =	sfence  }
0xba: {  	s30 =	sld [smem:$0x0];
	_ =	sdelay $0x2  }
0xbb: {  	s31 =	sshll.u32 s1, $0xD;
	s1 =	sshrl.u32 s1, $0x2  }
0xbc: {  	s3 =	sand.u32 $0x4000, s31;
	s1 =	sadd.s32 s1, s30  }
0xbd: {  	s0 =	sor.u32 s3, s0;
	s1 =	sshll.u32 s1, $0x11  }
0xbe: {  	s0 =	sor.u32 s1, s0  }
0xbf: {  	s0 =	sadd.s32 $0x8F2B, s0  }
0xc0: {  	[sflag:s0] =	ssyncadd.remote.s32 $0x1  }
0xc1: {  	_ =	sfence.sel $0xFFFF  }
0xc2: {  	[dreg:$0x0] =	wrdreg $0xFFFFFFFF;
	(pc) =	sbr.abs _section_cstart, $3  }
0xc3: {  	[dreg:$0x1] =	wrdreg $0xFFFFFFFF  }
0xc4: {  	_ =	task.clear_ibuf [dreg:s9], $0x2FFFF;
	_ =	strace $0x9FFFFFFF  }
0xc5: {  	(tm) =	ssettm $0x7FFFFFFF  }
tec
execute0_lowered:
.L_overlay_start_1:
0x0: {  	(tag) =	ssettag $0x1  }
0x1: {  	v0 =	vimm.s32 $0x1380  }
0x2: {  	vm14 =	vcmask $0x300;
	vm13 =	vcmask $0x704;
	vm12 =	vcmask $0xB08  }
0x3: {  	vm11 =	vcmask $0xF0C;
	vm10 =	vcmask $0x1310;
	vm9 =	vcmask $0x1714  }
0x4: {  	vm8 =	vcmask $0x1B18;
	vm7 =	vcmask $0x1F1C;
	vm6 =	vcmask $0x2320  }
0x5: {  	vm5 =	vcmask $0x2724;
	vm4 =	vcmask $0x2B28;
	vm3 =	vcmask $0x2F2C  }
0x6: {  	v1 =	vlaneseq.u32;
	vm1 =	vcmask $0x3330;
	vm2 =	vcmask $0x3734  }
0x7: {  	vm0 =	vcmask $0x3B38;
	v3 =	vimm.s32 $0x3380;
	v4 =	vimm.s32 $0x1FF0  }
0x8: {  	v5 =	vimm.s32 $0x3FF0;
	v6 =	vimm.s32 $0x1FF1;
	v7 =	vimm.s32 $0x3FF1  }
0x9: {  	v8 =	vimm.s32 $0x1FF2;
	v9 =	vimm.s32 $0x3FF2;
	v10 =	vimm.s32 $0x1FF3  }
0xa: {  	v11 =	vimm.s32 $0x3FF3;
	v12 =	vimm.s32 $0x1FF4;
	v13 =	vimm.s32 $0x3FF4  }
0xb: {  	v14 =	vimm.s32 $0x1FF5;
	v15 =	vimm.s32 $0x3FF5;
	v16 =	vimm.s32 $0x1FF6  }
0xc: {  	v17 =	vimm.s32 $0x3FF6;
	v18 =	vimm.s32 $0x1FF7;
	v19 =	vimm.s32 $0x3FF7  }
0xd: {  	v20 =	vimm.s32 $0x1FF8;
	v21 =	vimm.s32 $0x3FF8;
	v22 =	vimm.s32 $0x1FF9  }
0xe: {  	v23 =	vimm.s32 $0x3FF9;
	v24 =	vimm.s32 $0x1FFA;
	v25 =	vimm.s32 $0x3FFA  }
0xf: {  	v26 =	vimm.s32 $0x1FFB;
	v27 =	vimm.s32 $0x3FFB;
	v28 =	vimm.s32 $0x1FFC  }
0x10: {  	v29 =	vimm.s32 $0x3FFC;
	v30 =	vimm.s32 $0x1FFD;
	v31 =	vimm.s32 $0x3FFD  }
0x11: {  	v32 =	vimm.s32 $0x1FFE;
	v33 =	vimm.s32 $0x3FFE;
	v34 =	vimm.s32 $0x1FFF  }
0x12: {  	v35 =	vimm.s32 $0x3FFF;
	v0 =	vsel vm14, $0x0, v0;
	v3 =	vsel vm14, $0x2000, v3  }
0x13: {  	v4 =	vsel vm14, $0xC70, v4;
	v5 =	vsel vm14, $0x2C70, v5;
	v6 =	vsel vm14, $0xC71, v6  }
0x14: {  	v7 =	vsel vm14, $0x2C71, v7;
	v8 =	vsel vm14, $0xC72, v8;
	v9 =	vsel vm14, $0x2C72, v9  }
0x15: {  	v10 =	vsel vm14, $0xC73, v10;
	v11 =	vsel vm14, $0x2C73, v11;
	v12 =	vsel vm14, $0xC74, v12  }
0x16: {  	v13 =	vsel vm14, $0x2C74, v13;
	v14 =	vsel vm14, $0xC75, v14;
	v15 =	vsel vm14, $0x2C75, v15  }
0x17: {  	v16 =	vsel vm14, $0xC76, v16;
	v17 =	vsel vm14, $0x2C76, v17;
	v18 =	vsel vm14, $0xC77, v18  }
0x18: {  	v19 =	vsel vm14, $0x2C77, v19;
	v20 =	vsel vm14, $0xC78, v20;
	v21 =	vsel vm14, $0x2C78, v21  }
0x19: {  	v22 =	vsel vm14, $0xC79, v22;
	v23 =	vsel vm14, $0x2C79, v23;
	v24 =	vsel vm14, $0xC7A, v24  }
0x1a: {  	v25 =	vsel vm14, $0x2C7A, v25;
	v26 =	vsel vm14, $0xC7B, v26;
	v27 =	vsel vm14, $0x2C7B, v27  }
0x1b: {  	v28 =	vsel vm14, $0xC7C, v28;
	v29 =	vsel vm14, $0x2C7C, v29;
	v30 =	vsel vm14, $0xC7D, v30  }
0x1c: {  	v31 =	vsel vm14, $0x2C7D, v31;
	v32 =	vsel vm14, $0xC7E, v32;
	v33 =	vsel vm14, $0x2C7E, v33  }
0x1d: {  	v34 =	vsel vm14, $0xC7F, v34;
	v35 =	vsel vm14, $0x2C7F, v35;
	v0 =	vsel vm13, $0x80, v0  }
0x1e: {  	v3 =	vsel vm13, $0x2080, v3;
	v4 =	vsel vm13, $0xCF0, v4;
	v5 =	vsel vm13, $0x2CF0, v5  }
0x1f: {  	v6 =	vsel vm13, $0xCF1, v6;
	v7 =	vsel vm13, $0x2CF1, v7;
	v8 =	vsel vm13, $0xCF2, v8  }
0x20: {  	v9 =	vsel vm13, $0x2CF2, v9;
	v10 =	vsel vm13, $0xCF3, v10;
	v11 =	vsel vm13, $0x2CF3, v11  }
0x21: {  	v12 =	vsel vm13, $0xCF4, v12;
	v13 =	vsel vm13, $0x2CF4, v13;
	v14 =	vsel vm13, $0xCF5, v14  }
0x22: {  	v15 =	vsel vm13, $0x2CF5, v15;
	v16 =	vsel vm13, $0xCF6, v16;
	v17 =	vsel vm13, $0x2CF6, v17  }
0x23: {  	v18 =	vsel vm13, $0xCF7, v18;
	v19 =	vsel vm13, $0x2CF7, v19;
	v20 =	vsel vm13, $0xCF8, v20  }
0x24: {  	v21 =	vsel vm13, $0x2CF8, v21;
	v22 =	vsel vm13, $0xCF9, v22;
	v23 =	vsel vm13, $0x2CF9, v23  }
0x25: {  	v24 =	vsel vm13, $0xCFA, v24;
	v25 =	vsel vm13, $0x2CFA, v25;
	v26 =	vsel vm13, $0xCFB, v26  }
0x26: {  	v27 =	vsel vm13, $0x2CFB, v27;
	v28 =	vsel vm13, $0xCFC, v28;
	v29 =	vsel vm13, $0x2CFC, v29  }
0x27: {  	v30 =	vsel vm13, $0xCFD, v30;
	v31 =	vsel vm13, $0x2CFD, v31;
	v32 =	vsel vm13, $0xCFE, v32  }
0x28: {  	v33 =	vsel vm13, $0x2CFE, v33;
	v34 =	vsel vm13, $0xCFF, v34;
	v35 =	vsel vm13, $0x2CFF, v35  }
0x29: {  	v0 =	vsel vm12, $0x100, v0;
	v3 =	vsel vm12, $0x2100, v3;
	v4 =	vsel vm12, $0xD70, v4  }
0x2a: {  	v5 =	vsel vm12, $0x2D70, v5;
	v6 =	vsel vm12, $0xD71, v6;
	v7 =	vsel vm12, $0x2D71, v7  }
0x2b: {  	v8 =	vsel vm12, $0xD72, v8;
	v9 =	vsel vm12, $0x2D72, v9;
	v10 =	vsel vm12, $0xD73, v10  }
0x2c: {  	v11 =	vsel vm12, $0x2D73, v11;
	v12 =	vsel vm12, $0xD74, v12;
	v13 =	vsel vm12, $0x2D74, v13  }
0x2d: {  	v14 =	vsel vm12, $0xD75, v14;
	v15 =	vsel vm12, $0x2D75, v15;
	v16 =	vsel vm12, $0xD76, v16  }
0x2e: {  	v17 =	vsel vm12, $0x2D76, v17;
	v18 =	vsel vm12, $0xD77, v18;
	v19 =	vsel vm12, $0x2D77, v19  }
0x2f: {  	v20 =	vsel vm12, $0xD78, v20;
	v21 =	vsel vm12, $0x2D78, v21;
	v22 =	vsel vm12, $0xD79, v22  }
0x30: {  	v23 =	vsel vm12, $0x2D79, v23;
	v24 =	vsel vm12, $0xD7A, v24;
	v25 =	vsel vm12, $0x2D7A, v25  }
0x31: {  	v26 =	vsel vm12, $0xD7B, v26;
	v27 =	vsel vm12, $0x2D7B, v27;
	v28 =	vsel vm12, $0xD7C, v28  }
0x32: {  	v29 =	vsel vm12, $0x2D7C, v29;
	v30 =	vsel vm12, $0xD7D, v30;
	v31 =	vsel vm12, $0x2D7D, v31  }
0x33: {  	v32 =	vsel vm12, $0xD7E, v32;
	v33 =	vsel vm12, $0x2D7E, v33;
	v34 =	vsel vm12, $0xD7F, v34  }
0x34: {  	v35 =	vsel vm12, $0x2D7F, v35;
	v0 =	vsel vm11, $0x180, v0;
	v3 =	vsel vm11, $0x2180, v3  }
0x35: {  	v4 =	vsel vm11, $0xDF0, v4;
	v5 =	vsel vm11, $0x2DF0, v5;
	v6 =	vsel vm11, $0xDF1, v6  }
0x36: {  	v7 =	vsel vm11, $0x2DF1, v7;
	v8 =	vsel vm11, $0xDF2, v8;
	v9 =	vsel vm11, $0x2DF2, v9  }
0x37: {  	v10 =	vsel vm11, $0xDF3, v10;
	v11 =	vsel vm11, $0x2DF3, v11;
	v12 =	vsel vm11, $0xDF4, v12  }
0x38: {  	v13 =	vsel vm11, $0x2DF4, v13;
	v14 =	vsel vm11, $0xDF5, v14;
	v15 =	vsel vm11, $0x2DF5, v15  }
0x39: {  	v16 =	vsel vm11, $0xDF6, v16;
	v17 =	vsel vm11, $0x2DF6, v17;
	v18 =	vsel vm11, $0xDF7, v18  }
0x3a: {  	v19 =	vsel vm11, $0x2DF7, v19;
	v20 =	vsel vm11, $0xDF8, v20;
	v21 =	vsel vm11, $0x2DF8, v21  }
0x3b: {  	v22 =	vsel vm11, $0xDF9, v22;
	v23 =	vsel vm11, $0x2DF9, v23;
	v24 =	vsel vm11, $0xDFA, v24  }
0x3c: {  	v25 =	vsel vm11, $0x2DFA, v25;
	v26 =	vsel vm11, $0xDFB, v26;
	v27 =	vsel vm11, $0x2DFB, v27  }
0x3d: {  	v28 =	vsel vm11, $0xDFC, v28;
	v29 =	vsel vm11, $0x2DFC, v29;
	v30 =	vsel vm11, $0xDFD, v30  }
0x3e: {  	v31 =	vsel vm11, $0x2DFD, v31;
	v32 =	vsel vm11, $0xDFE, v32;
	v33 =	vsel vm11, $0x2DFE, v33  }
0x3f: {  	v34 =	vsel vm11, $0xDFF, v34;
	v35 =	vsel vm11, $0x2DFF, v35;
	v0 =	vsel vm10, $0x200, v0  }
0x40: {  	v3 =	vsel vm10, $0x2200, v3;
	v4 =	vsel vm10, $0xE70, v4;
	v5 =	vsel vm10, $0x2E70, v5  }
0x41: {  	v6 =	vsel vm10, $0xE71, v6;
	v7 =	vsel vm10, $0x2E71, v7;
	v8 =	vsel vm10, $0xE72, v8  }
0x42: {  	v9 =	vsel vm10, $0x2E72, v9;
	v10 =	vsel vm10, $0xE73, v10;
	v11 =	vsel vm10, $0x2E73, v11  }
0x43: {  	v12 =	vsel vm10, $0xE74, v12;
	v13 =	vsel vm10, $0x2E74, v13;
	v14 =	vsel vm10, $0xE75, v14  }
0x44: {  	v15 =	vsel vm10, $0x2E75, v15;
	v16 =	vsel vm10, $0xE76, v16;
	v17 =	vsel vm10, $0x2E76, v17  }
0x45: {  	v18 =	vsel vm10, $0xE77, v18;
	v19 =	vsel vm10, $0x2E77, v19;
	v20 =	vsel vm10, $0xE78, v20  }
0x46: {  	v21 =	vsel vm10, $0x2E78, v21;
	v22 =	vsel vm10, $0xE79, v22;
	v23 =	vsel vm10, $0x2E79, v23  }
0x47: {  	v24 =	vsel vm10, $0xE7A, v24;
	v25 =	vsel vm10, $0x2E7A, v25;
	v26 =	vsel vm10, $0xE7B, v26  }
0x48: {  	v27 =	vsel vm10, $0x2E7B, v27;
	v28 =	vsel vm10, $0xE7C, v28;
	v29 =	vsel vm10, $0x2E7C, v29  }
0x49: {  	v30 =	vsel vm10, $0xE7D, v30;
	v31 =	vsel vm10, $0x2E7D, v31;
	v32 =	vsel vm10, $0xE7E, v32  }
0x4a: {  	v33 =	vsel vm10, $0x2E7E, v33;
	v34 =	vsel vm10, $0xE7F, v34;
	v35 =	vsel vm10, $0x2E7F, v35  }
0x4b: {  	v0 =	vsel vm9, $0x280, v0;
	v3 =	vsel vm9, $0x2280, v3;
	v4 =	vsel vm9, $0xEF0, v4  }
0x4c: {  	v5 =	vsel vm9, $0x2EF0, v5;
	v6 =	vsel vm9, $0xEF1, v6;
	v7 =	vsel vm9, $0x2EF1, v7  }
0x4d: {  	v8 =	vsel vm9, $0xEF2, v8;
	v9 =	vsel vm9, $0x2EF2, v9;
	v10 =	vsel vm9, $0xEF3, v10  }
0x4e: {  	v11 =	vsel vm9, $0x2EF3, v11;
	v12 =	vsel vm9, $0xEF4, v12;
	v13 =	vsel vm9, $0x2EF4, v13  }
0x4f: {  	v14 =	vsel vm9, $0xEF5, v14;
	v15 =	vsel vm9, $0x2EF5, v15;
	v16 =	vsel vm9, $0xEF6, v16  }
0x50: {  	v17 =	vsel vm9, $0x2EF6, v17;
	v18 =	vsel vm9, $0xEF7, v18;
	v19 =	vsel vm9, $0x2EF7, v19  }
0x51: {  	v20 =	vsel vm9, $0xEF8, v20;
	v21 =	vsel vm9, $0x2EF8, v21;
	v22 =	vsel vm9, $0xEF9, v22  }
0x52: {  	v23 =	vsel vm9, $0x2EF9, v23;
	v24 =	vsel vm9, $0xEFA, v24;
	v25 =	vsel vm9, $0x2EFA, v25  }
0x53: {  	v26 =	vsel vm9, $0xEFB, v26;
	v27 =	vsel vm9, $0x2EFB, v27;
	v28 =	vsel vm9, $0xEFC, v28  }
0x54: {  	v29 =	vsel vm9, $0x2EFC, v29;
	v30 =	vsel vm9, $0xEFD, v30;
	v31 =	vsel vm9, $0x2EFD, v31  }
0x55: {  	v32 =	vsel vm9, $0xEFE, v32;
	v33 =	vsel vm9, $0x2EFE, v33;
	v34 =	vsel vm9, $0xEFF, v34  }
0x56: {  	v35 =	vsel vm9, $0x2EFF, v35;
	v0 =	vsel vm8, $0x300, v0;
	v3 =	vsel vm8, $0x2300, v3  }
0x57: {  	v4 =	vsel vm8, $0xF70, v4;
	v5 =	vsel vm8, $0x2F70, v5;
	v6 =	vsel vm8, $0xF71, v6  }
0x58: {  	v7 =	vsel vm8, $0x2F71, v7;
	v8 =	vsel vm8, $0xF72, v8;
	v9 =	vsel vm8, $0x2F72, v9  }
0x59: {  	v10 =	vsel vm8, $0xF73, v10;
	v11 =	vsel vm8, $0x2F73, v11;
	v12 =	vsel vm8, $0xF74, v12  }
0x5a: {  	v13 =	vsel vm8, $0x2F74, v13;
	v14 =	vsel vm8, $0xF75, v14;
	v15 =	vsel vm8, $0x2F75, v15  }
0x5b: {  	v16 =	vsel vm8, $0xF76, v16;
	v17 =	vsel vm8, $0x2F76, v17;
	v18 =	vsel vm8, $0xF77, v18  }
0x5c: {  	v19 =	vsel vm8, $0x2F77, v19;
	v20 =	vsel vm8, $0xF78, v20;
	v21 =	vsel vm8, $0x2F78, v21  }
0x5d: {  	v22 =	vsel vm8, $0xF79, v22;
	v23 =	vsel vm8, $0x2F79, v23;
	v24 =	vsel vm8, $0xF7A, v24  }
0x5e: {  	v25 =	vsel vm8, $0x2F7A, v25;
	v26 =	vsel vm8, $0xF7B, v26;
	v27 =	vsel vm8, $0x2F7B, v27  }
0x5f: {  	v28 =	vsel vm8, $0xF7C, v28;
	v29 =	vsel vm8, $0x2F7C, v29;
	v30 =	vsel vm8, $0xF7D, v30  }
0x60: {  	v31 =	vsel vm8, $0x2F7D, v31;
	v32 =	vsel vm8, $0xF7E, v32;
	v33 =	vsel vm8, $0x2F7E, v33  }
0x61: {  	v34 =	vsel vm8, $0xF7F, v34;
	v35 =	vsel vm8, $0x2F7F, v35;
	v0 =	vsel vm7, $0x380, v0  }
0x62: {  	v3 =	vsel vm7, $0x2380, v3;
	v4 =	vsel vm7, $0xFF0, v4;
	v5 =	vsel vm7, $0x2FF0, v5  }
0x63: {  	v6 =	vsel vm7, $0xFF1, v6;
	v7 =	vsel vm7, $0x2FF1, v7;
	v8 =	vsel vm7, $0xFF2, v8  }
0x64: {  	v9 =	vsel vm7, $0x2FF2, v9;
	v10 =	vsel vm7, $0xFF3, v10;
	v11 =	vsel vm7, $0x2FF3, v11  }
0x65: {  	v12 =	vsel vm7, $0xFF4, v12;
	v13 =	vsel vm7, $0x2FF4, v13;
	v14 =	vsel vm7, $0xFF5, v14  }
0x66: {  	v15 =	vsel vm7, $0x2FF5, v15;
	v16 =	vsel vm7, $0xFF6, v16;
	v17 =	vsel vm7, $0x2FF6, v17  }
0x67: {  	v18 =	vsel vm7, $0xFF7, v18;
	v19 =	vsel vm7, $0x2FF7, v19;
	v20 =	vsel vm7, $0xFF8, v20  }
0x68: {  	v21 =	vsel vm7, $0x2FF8, v21;
	v22 =	vsel vm7, $0xFF9, v22;
	v23 =	vsel vm7, $0x2FF9, v23  }
0x69: {  	v24 =	vsel vm7, $0xFFA, v24;
	v25 =	vsel vm7, $0x2FFA, v25;
	v26 =	vsel vm7, $0xFFB, v26  }
0x6a: {  	v27 =	vsel vm7, $0x2FFB, v27;
	v28 =	vsel vm7, $0xFFC, v28;
	v29 =	vsel vm7, $0x2FFC, v29  }
0x6b: {  	v30 =	vsel vm7, $0xFFD, v30;
	v31 =	vsel vm7, $0x2FFD, v31;
	v32 =	vsel vm7, $0xFFE, v32  }
0x6c: {  	v33 =	vsel vm7, $0x2FFE, v33;
	v34 =	vsel vm7, $0xFFF, v34;
	v35 =	vsel vm7, $0x2FFF, v35  }
0x6d: {  	v0 =	vsel vm6, $0x1000, v0;
	v3 =	vsel vm6, $0x3000, v3;
	v4 =	vsel vm6, $0x1C70, v4  }
0x6e: {  	v5 =	vsel vm6, $0x3C70, v5;
	v6 =	vsel vm6, $0x1C71, v6;
	v7 =	vsel vm6, $0x3C71, v7  }
0x6f: {  	v8 =	vsel vm6, $0x1C72, v8;
	v9 =	vsel vm6, $0x3C72, v9;
	v10 =	vsel vm6, $0x1C73, v10  }
0x70: {  	v11 =	vsel vm6, $0x3C73, v11;
	v12 =	vsel vm6, $0x1C74, v12;
	v13 =	vsel vm6, $0x3C74, v13  }
0x71: {  	v14 =	vsel vm6, $0x1C75, v14;
	v15 =	vsel vm6, $0x3C75, v15;
	v16 =	vsel vm6, $0x1C76, v16  }
0x72: {  	v17 =	vsel vm6, $0x3C76, v17;
	v18 =	vsel vm6, $0x1C77, v18;
	v19 =	vsel vm6, $0x3C77, v19  }
0x73: {  	v20 =	vsel vm6, $0x1C78, v20;
	v21 =	vsel vm6, $0x3C78, v21;
	v22 =	vsel vm6, $0x1C79, v22  }
0x74: {  	v23 =	vsel vm6, $0x3C79, v23;
	v24 =	vsel vm6, $0x1C7A, v24;
	v25 =	vsel vm6, $0x3C7A, v25  }
0x75: {  	v26 =	vsel vm6, $0x1C7B, v26;
	v27 =	vsel vm6, $0x3C7B, v27;
	v28 =	vsel vm6, $0x1C7C, v28  }
0x76: {  	v29 =	vsel vm6, $0x3C7C, v29;
	v30 =	vsel vm6, $0x1C7D, v30;
	v31 =	vsel vm6, $0x3C7D, v31  }
0x77: {  	v32 =	vsel vm6, $0x1C7E, v32;
	v33 =	vsel vm6, $0x3C7E, v33;
	v34 =	vsel vm6, $0x1C7F, v34  }
0x78: {  	v35 =	vsel vm6, $0x3C7F, v35;
	v0 =	vsel vm5, $0x1080, v0;
	v3 =	vsel vm5, $0x3080, v3  }
0x79: {  	v4 =	vsel vm5, $0x1CF0, v4;
	v5 =	vsel vm5, $0x3CF0, v5;
	v6 =	vsel vm5, $0x1CF1, v6  }
0x7a: {  	v7 =	vsel vm5, $0x3CF1, v7;
	v8 =	vsel vm5, $0x1CF2, v8;
	v9 =	vsel vm5, $0x3CF2, v9  }
0x7b: {  	v10 =	vsel vm5, $0x1CF3, v10;
	v11 =	vsel vm5, $0x3CF3, v11;
	v12 =	vsel vm5, $0x1CF4, v12  }
0x7c: {  	v13 =	vsel vm5, $0x3CF4, v13;
	v14 =	vsel vm5, $0x1CF5, v14;
	v15 =	vsel vm5, $0x3CF5, v15  }
0x7d: {  	v16 =	vsel vm5, $0x1CF6, v16;
	v17 =	vsel vm5, $0x3CF6, v17;
	v18 =	vsel vm5, $0x1CF7, v18  }
0x7e: {  	v19 =	vsel vm5, $0x3CF7, v19;
	v20 =	vsel vm5, $0x1CF8, v20;
	v21 =	vsel vm5, $0x3CF8, v21  }
0x7f: {  	v22 =	vsel vm5, $0x1CF9, v22;
	v23 =	vsel vm5, $0x3CF9, v23;
	v24 =	vsel vm5, $0x1CFA, v24  }
0x80: {  	v25 =	vsel vm5, $0x3CFA, v25;
	v26 =	vsel vm5, $0x1CFB, v26;
	v27 =	vsel vm5, $0x3CFB, v27  }
0x81: {  	v28 =	vsel vm5, $0x1CFC, v28;
	v29 =	vsel vm5, $0x3CFC, v29;
	v30 =	vsel vm5, $0x1CFD, v30  }
0x82: {  	v31 =	vsel vm5, $0x3CFD, v31;
	v32 =	vsel vm5, $0x1CFE, v32;
	v33 =	vsel vm5, $0x3CFE, v33  }
0x83: {  	v34 =	vsel vm5, $0x1CFF, v34;
	v35 =	vsel vm5, $0x3CFF, v35;
	v0 =	vsel vm4, $0x1100, v0  }
0x84: {  	v3 =	vsel vm4, $0x3100, v3;
	v4 =	vsel vm4, $0x1D70, v4;
	v5 =	vsel vm4, $0x3D70, v5  }
0x85: {  	v6 =	vsel vm4, $0x1D71, v6;
	v7 =	vsel vm4, $0x3D71, v7;
	v8 =	vsel vm4, $0x1D72, v8  }
0x86: {  	v9 =	vsel vm4, $0x3D72, v9;
	v10 =	vsel vm4, $0x1D73, v10;
	v11 =	vsel vm4, $0x3D73, v11  }
0x87: {  	v12 =	vsel vm4, $0x1D74, v12;
	v13 =	vsel vm4, $0x3D74, v13;
	v14 =	vsel vm4, $0x1D75, v14  }
0x88: {  	v15 =	vsel vm4, $0x3D75, v15;
	v16 =	vsel vm4, $0x1D76, v16;
	v17 =	vsel vm4, $0x3D76, v17  }
0x89: {  	v18 =	vsel vm4, $0x1D77, v18;
	v19 =	vsel vm4, $0x3D77, v19;
	v20 =	vsel vm4, $0x1D78, v20  }
0x8a: {  	v21 =	vsel vm4, $0x3D78, v21;
	v22 =	vsel vm4, $0x1D79, v22;
	v23 =	vsel vm4, $0x3D79, v23  }
0x8b: {  	v24 =	vsel vm4, $0x1D7A, v24;
	v25 =	vsel vm4, $0x3D7A, v25;
	v26 =	vsel vm4, $0x1D7B, v26  }
0x8c: {  	v27 =	vsel vm4, $0x3D7B, v27;
	v28 =	vsel vm4, $0x1D7C, v28;
	v29 =	vsel vm4, $0x3D7C, v29  }
0x8d: {  	v30 =	vsel vm4, $0x1D7D, v30;
	v31 =	vsel vm4, $0x3D7D, v31;
	v32 =	vsel vm4, $0x1D7E, v32  }
0x8e: {  	v33 =	vsel vm4, $0x3D7E, v33;
	v34 =	vsel vm4, $0x1D7F, v34;
	v35 =	vsel vm4, $0x3D7F, v35  }
0x8f: {  	v2 =	vsel vm3, $0x1180, v0;
	v0 =	vmul.u32 $0x80, v1;
	v3 =	vsel vm3, $0x3180, v3  }
0x90: {  	v4 =	vsel vm3, $0x1DF0, v4;
	v5 =	vsel vm3, $0x3DF0, v5;
	v6 =	vsel vm3, $0x1DF1, v6  }
0x91: {  	v7 =	vsel vm3, $0x3DF1, v7;
	v8 =	vsel vm3, $0x1DF2, v8;
	v9 =	vsel vm3, $0x3DF2, v9  }
0x92: {  	v10 =	vsel vm3, $0x1DF3, v10;
	v11 =	vsel vm3, $0x3DF3, v11;
	v12 =	vsel vm3, $0x1DF4, v12  }
0x93: {  	v13 =	vsel vm3, $0x3DF4, v13;
	v14 =	vsel vm3, $0x1DF5, v14;
	v15 =	vsel vm3, $0x3DF5, v15  }
0x94: {  	v16 =	vsel vm3, $0x1DF6, v16;
	v17 =	vsel vm3, $0x3DF6, v17;
	v18 =	vsel vm3, $0x1DF7, v18  }
0x95: {  	v19 =	vsel vm3, $0x3DF7, v19;
	v20 =	vsel vm3, $0x1DF8, v20;
	v21 =	vsel vm3, $0x3DF8, v21  }
0x96: {  	v22 =	vsel vm3, $0x1DF9, v22;
	v23 =	vsel vm3, $0x3DF9, v23;
	v24 =	vsel vm3, $0x1DFA, v24  }
0x97: {  	v25 =	vsel vm3, $0x3DFA, v25;
	v26 =	vsel vm3, $0x1DFB, v26;
	v27 =	vsel vm3, $0x3DFB, v27  }
0x98: {  	v28 =	vsel vm3, $0x1DFC, v28;
	v29 =	vsel vm3, $0x3DFC, v29;
	v30 =	vsel vm3, $0x1DFD, v30  }
0x99: {  	v31 =	vsel vm3, $0x3DFD, v31;
	v32 =	vsel vm3, $0x1DFE, v32;
	v33 =	vsel vm3, $0x3DFE, v33  }
0x9a: {  	v34 =	vsel vm3, $0x1DFF, v34;
	v35 =	vsel vm3, $0x3DFF, v35;
	v1 =	vsel vm1, $0x1200, v2  }
0x9b: {  	v3 =	vsel vm1, $0x3200, v3;
	v4 =	vsel vm1, $0x1E70, v4;
	v5 =	vsel vm1, $0x3E70, v5  }
0x9c: {  	v6 =	vsel vm1, $0x1E71, v6;
	v7 =	vsel vm1, $0x3E71, v7;
	v8 =	vsel vm1, $0x1E72, v8  }
0x9d: {  	v9 =	vsel vm1, $0x3E72, v9;
	v10 =	vsel vm1, $0x1E73, v10;
	v11 =	vsel vm1, $0x3E73, v11  }
0x9e: {  	v12 =	vsel vm1, $0x1E74, v12;
	v13 =	vsel vm1, $0x3E74, v13;
	v14 =	vsel vm1, $0x1E75, v14  }
0x9f: {  	v15 =	vsel vm1, $0x3E75, v15;
	v16 =	vsel vm1, $0x1E76, v16;
	v17 =	vsel vm1, $0x3E76, v17  }
0xa0: {  	v18 =	vsel vm1, $0x1E77, v18;
	v19 =	vsel vm1, $0x3E77, v19;
	v20 =	vsel vm1, $0x1E78, v20  }
0xa1: {  	v21 =	vsel vm1, $0x3E78, v21;
	v22 =	vsel vm1, $0x1E79, v22;
	v23 =	vsel vm1, $0x3E79, v23  }
0xa2: {  	v24 =	vsel vm1, $0x1E7A, v24;
	v25 =	vsel vm1, $0x3E7A, v25;
	v26 =	vsel vm1, $0x1E7B, v26  }
0xa3: {  	v27 =	vsel vm1, $0x3E7B, v27;
	v28 =	vsel vm1, $0x1E7C, v28;
	v29 =	vsel vm1, $0x3E7C, v29  }
0xa4: {  	v30 =	vsel vm1, $0x1E7D, v30;
	v31 =	vsel vm1, $0x3E7D, v31;
	v32 =	vsel vm1, $0x1E7E, v32  }
0xa5: {  	v33 =	vsel vm1, $0x3E7E, v33;
	v34 =	vsel vm1, $0x1E7F, v34;
	v35 =	vsel vm1, $0x3E7F, v35  }
0xa6: {  	v2 =	vsel vm2, $0x1280, v1;
	v1 =	vor.u32 $0x800, v0;
	v3 =	vsel vm2, $0x3280, v3  }
0xa7: {  	v4 =	vsel vm2, $0x1EF0, v4;
	v5 =	vsel vm2, $0x3EF0, v5;
	v6 =	vsel vm2, $0x1EF1, v6  }
0xa8: {  	v7 =	vsel vm2, $0x3EF1, v7;
	v8 =	vsel vm2, $0x1EF2, v8;
	v9 =	vsel vm2, $0x3EF2, v9  }
0xa9: {  	v10 =	vsel vm2, $0x1EF3, v10;
	v11 =	vsel vm2, $0x3EF3, v11;
	v12 =	vsel vm2, $0x1EF4, v12  }
0xaa: {  	v13 =	vsel vm2, $0x3EF4, v13;
	v14 =	vsel vm2, $0x1EF5, v14;
	v15 =	vsel vm2, $0x3EF5, v15  }
0xab: {  	v16 =	vsel vm2, $0x1EF6, v16;
	v17 =	vsel vm2, $0x3EF6, v17;
	v18 =	vsel vm2, $0x1EF7, v18  }
0xac: {  	v19 =	vsel vm2, $0x3EF7, v19;
	v20 =	vsel vm2, $0x1EF8, v20;
	v21 =	vsel vm2, $0x3EF8, v21  }
0xad: {  	v22 =	vsel vm2, $0x1EF9, v22;
	v23 =	vsel vm2, $0x3EF9, v23;
	v24 =	vsel vm2, $0x1EFA, v24  }
0xae: {  	v25 =	vsel vm2, $0x3EFA, v25;
	v26 =	vsel vm2, $0x1EFB, v26;
	v27 =	vsel vm2, $0x3EFB, v27  }
0xaf: {  	v28 =	vsel vm2, $0x1EFC, v28;
	v29 =	vsel vm2, $0x3EFC, v29;
	v30 =	vsel vm2, $0x1EFD, v30  }
0xb0: {  	v31 =	vsel vm2, $0x3EFD, v31;
	v32 =	vsel vm2, $0x1EFE, v32;
	v33 =	vsel vm2, $0x3EFE, v33  }
0xb1: {  	v34 =	vsel vm2, $0x1EFF, v34;
	v35 =	vsel vm2, $0x3EFF, v35;
	v2 =	vsel vm0, $0x1300, v2  }
0xb2: {  	v3 =	vsel vm0, $0x3300, v3;
	v4 =	vsel vm0, $0x1F70, v4;
	v5 =	vsel vm0, $0x3F70, v5  }
0xb3: {  	s0 =	rddreg [dreg:$0x0];
	v6 =	vsel vm0, $0x1F71, v6;
	v7 =	vsel vm0, $0x3F71, v7;
	v8 =	vsel vm0, $0x1F72, v8  }
0xb4: {  	s9 =	rddreg [dreg:$0x1];
	s1 =	srdreg.scid;
	v9 =	vsel vm0, $0x3F72, v9;
	v10 =	vsel vm0, $0x1F73, v10;
	v11 =	vsel vm0, $0x3F73, v11  }
0xb5: {  	s2 =	rddreg [dreg:$0x2];
	s3 =	stileid.u32;
	s5 =	simm.s32 $0x0;
	v12 =	vsel vm0, $0x1F74, v12;
	v13 =	vsel vm0, $0x3F74, v13;
	v14 =	vsel vm0, $0x1F75, v14  }
0xb6: {  	s28 =	simm.s32 $0x10200;
	s29 =	simm.s32 $0x2;
	s1 =	sand.u32 $0x1, s1;
	v15 =	vsel vm0, $0x3F75, v15;
	v16 =	vsel vm0, $0x1F76, v16;
	v17 =	vsel vm0, $0x3F76, v17  }
0xb7: {  	s3 =	sshll.u32 s3, $0xA;
	[smem:$0x7FF] =	sst s5;
	s4 =	sshll.u32 s1, $0x9;
	v18 =	vsel vm0, $0x1F77, v18;
	v19 =	vsel vm0, $0x3F77, v19;
	v20 =	vsel vm0, $0x1F78, v20  }
0xb8: {  	s1 =	ssub.s32 $0x2, s1;
	_ =	strace $0x80000047;
	s3 =	sor.u32 s4, s3;
	v21 =	vsel vm0, $0x3F78, v21;
	v22 =	vsel vm0, $0x1F79, v22;
	v23 =	vsel vm0, $0x3F79, v23  }
0xb9: {  	s25 =	sshrl.u32 s1, $0x1;
	s26 =	sshrl.u32 s3, $0x3;
	s30 =	sadd.s32 s2, s3;
	v24 =	vsel vm0, $0x1F7A, v24;
	v25 =	vsel vm0, $0x3F7A, v25;
	v26 =	vsel vm0, $0x1F7B, v26  }
0xba: {  	s1 =	ssub.s32 s1, s25;
	s0 =	sadd.s32 s0, s26;
	[dreg:$0xd] =	wrdreg s30;
	v27 =	vsel vm0, $0x3F7B, v27;
	v28 =	vsel vm0, $0x1F7C, v28;
	v29 =	vsel vm0, $0x3F7C, v29  }
0xbb: {  	s2 =	simm.s32 $0x3;
	s31 =	smax.u32 s1, $0x1;
	[dreg:$0xc] =	wrdreg s0;
	v30 =	vsel vm0, $0x1F7D, v30;
	v31 =	vsel vm0, $0x3F7D, v31;
	v32 =	vsel vm0, $0x1F7E, v32  }
0xbc: {  	s26 =	simm.s32 $0x1;
	s1 =	simm.s32 $0x0;
	[dreg:$0xe] =	wrdreg s31;
	v33 =	vsel vm0, $0x3F7E, v33;
	v34 =	vsel vm0, $0x1F7F, v34;
	v35 =	vsel vm0, $0x3F7F, v35  }
.LBB2_1:
0xbd: {  	[dreg:$0xf] =	wrdreg s1  }
0xbe: {  	s0 =	simm.s32 $0x0;
	s22 =	rddreg [dreg:$0xc]  }
0xbf: {  	[tilespmem:s0], [sflag:$0x3] =	stream.linear.gather [hbm4b:s22+s0], $0x200, $0x38;
	[tilespmem:$0x14200] =	vst v63  }
0xc0: {  	_ =	swait.ge [sflag:s2], $0x200  }
0xc1: {  	[sflag:s2] =	ssyncset.done $0x0  }
0xc2: {  	[sflag:s2] =	ssyncadd.s32 $0xFFFFFE00  }
0xc3: {  	v37 =	vld [tilespmem:$0x0];
	_ =	sdelay $0x4  }
0xc4: {  	(v2sf) =	vpush v37, $0x0;
	_ =	sdelay $0x1  }
0xc5: {  	(v2sf) =	vpush v37, $0x1;
	_ =	sdelay $0x2  }
0xc6: {  	(v2sf) =	vpush v37, $0x2;
	_ =	sdelay $0x2  }
0xc7: {  	(v2sf) =	vpush v37, $0x3;
	_ =	sdelay $0x2  }
0xc8: {  	(v2sf) =	vpush v37, $0x4;
	_ =	sdelay $0x2  }
0xc9: {  	(v2sf) =	vpush v37, $0x5  }
0xca: {  	s19 =	simm.s32 $0x400;
	s23 =	spop (v2sf)  }
0xcb: {  	s20 =	simm.s32 $0x7A1400;
	s0 =	sand.u32 $0xFFFFF80, s23  }
0xcc: {  	s21 =	simm.s32 $0x200;
	(v2sf) =	vpush v37, $0x6;
	s24 =	spop (v2sf);
	s0 =	sadd.s32 s9, s0  }
0xcd: {  	[tilespmem:s21], [sflag:$0x1] =	stream.strided.gather [hbm4b:s0+s19], $0x1000, s20, s19, $0x38;
	[tilespmem:$0x14200] =	vst v63  }
0xce: {  	s0 =	sand.u32 $0xFFFFF80, s24  }
0xcf: {  	s22 =	simm.s32 $0x1200;
	(v2sf) =	vpush v37, $0x7;
	s25 =	spop (v2sf);
	s0 =	sadd.s32 s9, s0  }
0xd0: {  	[tilespmem:s22], [sflag:$0x1] =	stream.strided.gather [hbm4b:s0+s19], $0x1000, s20, s19, $0x38;
	[tilespmem:$0x14200] =	vst v63  }
0xd1: {  	s0 =	sand.u32 $0xFFFFF80, s25  }
0xd2: {  	(v2sf) =	vpush v37, $0x8;
	s23 =	simm.s32 $0x2200;
	s30 =	spop (v2sf);
	s0 =	sadd.s32 s9, s0  }
0xd3: {  	[tilespmem:s23], [sflag:$0x1] =	stream.strided.gather [hbm4b:s0+s19], $0x1000, s20, s19, $0x38;
	[tilespmem:$0x14200] =	vst v63  }
0xd4: {  	s0 =	sand.u32 $0xFFFFF80, s30  }
0xd5: {  	(v2sf) =	vpush v37, $0x9;
	s24 =	simm.s32 $0x3200;
	s31 =	spop (v2sf);
	s0 =	sadd.s32 s9, s0  }
0xd6: {  	[tilespmem:s24], [sflag:$0x1] =	stream.strided.gather [hbm4b:s0+s19], $0x1000, s20, s19, $0x38;
	[tilespmem:$0x14200] =	vst v63  }
0xd7: {  	s0 =	sand.u32 $0xFFFFF80, s31  }
0xd8: {  	(v2sf) =	vpush v37, $0xA;
	s25 =	simm.s32 $0x4200;
	s1 =	spop (v2sf);
	s0 =	sadd.s32 s9, s0  }
0xd9: {  	[tilespmem:s25], [sflag:$0x1] =	stream.strided.gather [hbm4b:s0+s19], $0x1000, s20, s19, $0x38;
	[tilespmem:$0x14200] =	vst v63  }
0xda: {  	s0 =	sand.u32 $0xFFFFF80, s1  }
0xdb: {  	(v2sf) =	vpush v37, $0xB;
	s2 =	spop (v2sf);
	s30 =	simm.s32 $0x5200;
	s0 =	sadd.s32 s9, s0  }
0xdc: {  	[tilespmem:s30], [sflag:$0x1] =	stream.strided.gather [hbm4b:s0+s19], $0x1000, s20, s19, $0x38;
	[tilespmem:$0x14200] =	vst v63  }
0xdd: {  	s0 =	sand.u32 $0xFFFFF80, s2  }
0xde: {  	(v2sf) =	vpush v37, $0xC;
	s3 =	spop (v2sf);
	s31 =	simm.s32 $0x6200;
	s0 =	sadd.s32 s9, s0  }
0xdf: {  	[tilespmem:s31], [sflag:$0x1] =	stream.strided.gather [hbm4b:s0+s19], $0x1000, s20, s19, $0x38;
	[tilespmem:$0x14200] =	vst v63  }
0xe0: {  	s0 =	sand.u32 $0xFFFFF80, s3  }
0xe1: {  	(v2sf) =	vpush v37, $0xD;
	s4 =	spop (v2sf);
	s3 =	simm.s32 $0x7200;
	s0 =	sadd.s32 s9, s0  }
0xe2: {  	[tilespmem:s3], [sflag:$0x1] =	stream.strided.gather [hbm4b:s0+s19], $0x1000, s20, s19, $0x38;
	[tilespmem:$0x14200] =	vst v63  }
0xe3: {  	s0 =	sand.u32 $0xFFFFF80, s4  }
0xe4: {  	s5 =	simm.s32 $0x8200;
	(v2sf) =	vpush v37, $0xE;
	s6 =	spop (v2sf);
	s0 =	sadd.s32 s9, s0  }
0xe5: {  	[tilespmem:s5], [sflag:$0x2] =	stream.strided.gather [hbm4b:s0+s19], $0x1000, s20, s19, $0x38;
	[tilespmem:$0x14200] =	vst v63  }
0xe6: {  	s0 =	sand.u32 $0xFFFFF80, s6  }
0xe7: {  	s7 =	simm.s32 $0x9200;
	(v2sf) =	vpush v37, $0xF;
	s8 =	spop (v2sf);
	s0 =	sadd.s32 s9, s0  }
0xe8: {  	[tilespmem:s7], [sflag:$0x2] =	stream.strided.gather [hbm4b:s0+s19], $0x1000, s20, s19, $0x38;
	[tilespmem:$0x14200] =	vst v63  }
0xe9: {  	s0 =	sand.u32 $0xFFFFF80, s8  }
0xea: {  	s10 =	simm.s32 $0xA200;
	s11 =	spop (v2sf);
	s0 =	sadd.s32 s9, s0  }
0xeb: {  	[tilespmem:s10], [sflag:$0x2] =	stream.strided.gather [hbm4b:s0+s19], $0x1000, s20, s19, $0x38;
	[tilespmem:$0x14200] =	vst v63  }
0xec: {  	s0 =	sand.u32 $0xFFFFF80, s11  }
0xed: {  	s12 =	simm.s32 $0xB200;
	s13 =	spop (v2sf);
	s0 =	sadd.s32 s9, s0  }
0xee: {  	[tilespmem:s12], [sflag:$0x2] =	stream.strided.gather [hbm4b:s0+s19], $0x1000, s20, s19, $0x38;
	[tilespmem:$0x14200] =	vst v63  }
0xef: {  	s0 =	sand.u32 $0xFFFFF80, s13  }
0xf0: {  	s14 =	simm.s32 $0xC200;
	s15 =	spop (v2sf);
	s0 =	sadd.s32 s9, s0  }
0xf1: {  	[tilespmem:s14], [sflag:$0x2] =	stream.strided.gather [hbm4b:s0+s19], $0x1000, s20, s19, $0x38;
	[tilespmem:$0x14200] =	vst v63  }
0xf2: {  	s0 =	sand.u32 $0xFFFFF80, s15  }
0xf3: {  	s16 =	simm.s32 $0xD200;
	s17 =	spop (v2sf);
	s0 =	sadd.s32 s9, s0  }
0xf4: {  	[tilespmem:s16], [sflag:$0x2] =	stream.strided.gather [hbm4b:s0+s19], $0x1000, s20, s19, $0x38;
	[tilespmem:$0x14200] =	vst v63  }
0xf5: {  	s0 =	sand.u32 $0xFFFFF80, s17  }
0xf6: {  	s18 =	simm.s32 $0xE200;
	s1 =	spop (v2sf);
	s0 =	sadd.s32 s9, s0  }
0xf7: {  	[tilespmem:s18], [sflag:$0x2] =	stream.strided.gather [hbm4b:s0+s19], $0x1000, s20, s19, $0x38;
	[tilespmem:$0x14200] =	vst v63  }
0xf8: {  	s0 =	sand.u32 $0xFFFFF80, s1  }
0xf9: {  	s2 =	simm.s32 $0xF200;
	s4 =	simm.s32 $0x10;
	s0 =	sadd.s32 s9, s0  }
0xfa: {  	[tilespmem:s2], [sflag:$0x2] =	stream.strided.gather [hbm4b:s0+s19], $0x1000, s20, s19, $0x38;
	[tilespmem:$0x14200] =	vst v63  }
0xfb: {  	v36 =	vld [tilespmem:s4+$0x0];
	_ =	swait.ge [sflag:s26], $0x1000  }
0xfc: {  	[sflag:s26] =	ssyncset.done $0x0  }
0xfd: {  	(v2sf) =	vpush v37, $0x0;
	[sflag:s26] =	ssyncadd.s32 $0xFFFFF000  }
0xfe: {  	_ =	swait.ge [sflag:s26], $0x1000  }
0xff: {  	[sflag:s26] =	ssyncset.done $0x0  }
0x100: {  	(v2sf) =	vpush v36, $0x0;
	[sflag:s26] =	ssyncadd.s32 $0xFFFFF000  }
0x101: {  	_ =	swait.ge [sflag:s26], $0x1000  }
0x102: {  	(v2sf) =	vpush v36, $0x1  }
0x103: {  	[sflag:s26] =	ssyncset.done $0x0;
	(v2sf) =	vpush v36, $0x2  }
0x104: {  	[sflag:s26] =	ssyncadd.s32 $0xFFFFF000;
	(v2sf) =	vpush v36, $0x3  }
0x105: {  	_ =	swait.ge [sflag:s26], $0x1000  }
0x106: {  	(v2sf) =	vpush v36, $0x4  }
0x107: {  	[sflag:s26] =	ssyncset.done $0x0;
	(v2sf) =	vpush v37, $0x1  }
0x108: {  	[sflag:s26] =	ssyncadd.s32 $0xFFFFF000;
	(v2sf) =	vpush v36, $0x5  }
0x109: {  	_ =	swait.ge [sflag:s26], $0x1000  }
0x10a: {  	(v2sf) =	vpush v36, $0x6  }
0x10b: {  	[sflag:s26] =	ssyncset.done $0x0;
	(v2sf) =	vpush v36, $0x7  }
0x10c: {  	[sflag:s26] =	ssyncadd.s32 $0xFFFFF000;
	(v2sf) =	vpush v36, $0x8  }
0x10d: {  	_ =	swait.ge [sflag:s26], $0x1000  }
0x10e: {  	(v2sf) =	vpush v36, $0x9  }
0x10f: {  	[sflag:s26] =	ssyncset.done $0x0;
	(v2sf) =	vpush v36, $0xA  }
0x110: {  	s5 =	spop (v2sf);
	[sflag:s26] =	ssyncadd.s32 $0xFFFFF000;
	(v2sf) =	vpush v36, $0xB  }
0x111: {  	_ =	swait.ge [sflag:s26], $0x1000  }
0x112: {  	(v2sf) =	vpush v37, $0x2  }
0x113: {  	[sflag:s26] =	ssyncset.done $0x0;
	(v2sf) =	vpush v36, $0xC  }
0x114: {  	s0 =	spop (v2sf);
	[sflag:s26] =	ssyncadd.s32 $0xFFFFF000;
	(v2sf) =	vpush v36, $0xD  }
0x115: {  	s1 =	sand.u32 $0x7F, s5;
	_ =	swait.ge [sflag:s26], $0x1000  }
0x116: {  	s6 =	simm.s32 $0x0;
	v38 =	vor.u32 s1, v0;
	s7 =	spop (v2sf)  }
0x117: {  	v40 =	vmov s6;
	v39 =	vor.u32 s1, v1;
	s11 =	spop (v2sf)  }
0x118: {  	v41 =	vshll.u32 v40, $0x3;
	(v2sf) =	vpush v36, $0xE;
	s12 =	spop (v2sf)  }
0x119: {  	v40 =	vand.u32 $0x70, v40;
	v41 =	vand.u32 $0xC00, v41;
	[sflag:s26] =	ssyncset.done $0x0;
	(v2sf) =	vpush v36, $0xF;
	s13 =	spop (v2sf)  }
0x11a: {  	v40 =	vor.u32 v40, v41;
	[sflag:s26] =	ssyncadd.s32 $0xFFFFF000;
	(v2sf) =	vpush v37, $0x3;
	s8 =	spop (v2sf)  }
0x11b: {  	v41 =	vor.u32 v2, v40;
	v38 =	vld.idx.msk [tilespmem:v38+s21+$0x0], $0xffff;
	s14 =	spop (v2sf)  }
0x11c: {  	v40 =	vor.u32 v3, v40;
	v39 =	vld.idx.msk [tilespmem:v39+s21+$0x0], $0xffff;
	s1 =	sand.u32 $0x7F, s8;
	s15 =	spop (v2sf)  }
0x11d: {  	s10 =	simm.s32 $0x1;
	v42 =	vor.u32 s1, v0;
	s16 =	spop (v2sf)  }
0x11e: {  	v44 =	vmov s10;
	v43 =	vor.u32 s1, v1;
	s4 =	spop (v2sf)  }
0x11f: {  	v45 =	vshll.u32 v44, $0x3;
	s17 =	spop (v2sf)  }
0x120: {  	v52 =	vand.u32 $0x71, v44;
	v53 =	vand.u32 $0xC00, v45;
	[tilespmem:v41+s28+$0x0] =	vst.idx.msk $0xffff, v38;
	s2 =	spop (v2sf)  }
0x121: {  	v38 =	vor.u32 v52, v53;
	[tilespmem:v40+s28+$0x0] =	vst.idx.msk $0xffff, v39;
	s1 =	spop (v2sf);
	(v2sf) =	vpush v37, $0x4  }
0x122: {  	v54 =	vor.u32 v2, v38;
	v39 =	vld.idx.msk [tilespmem:v42+s22+$0x0], $0xffff;
	s5 =	spop (v2sf)  }
0x123: {  	v38 =	vor.u32 v3, v38;
	v55 =	vld.idx.msk [tilespmem:v43+s22+$0x0], $0xffff;
	s6 =	sand.u32 $0x7F, s5  }
0x124: {  	s8 =	simm.s32 $0x2;
	v56 =	vor.u32 s6, v0  }
0x125: {  	v58 =	vmov s8;
	s5 =	spop (v2sf);
	v57 =	vor.u32 s6, v1  }
0x126: {  	v59 =	vshll.u32 v58, $0x3;
	s6 =	spop (v2sf)  }
0x127: {  	v60 =	vand.u32 $0x72, v58;
	v61 =	vand.u32 $0xC00, v59;
	s10 =	spop (v2sf);
	[tilespmem:v54+s28+$0x0] =	vst.idx.msk $0xffff, v39  }
0x128: {  	v62 =	vor.u32 v60, v61;
	(v2sf) =	vpush v37, $0x5;
	s8 =	spop (v2sf);
	[tilespmem:v38+s28+$0x0] =	vst.idx.msk $0xffff, v55  }
0x129: {  	[dreg:$0x1b] =	wrdreg s17;
	v40 =	vor.u32 v2, v62;
	s17 =	spop (v2sf);
	v63 =	vld.idx.msk [tilespmem:v56+s23+$0x0], $0xffff  }
0x12a: {  	v38 =	vor.u32 v3, v62;
	s17 =	sand.u32 $0x7F, s17;
	v41 =	vld.idx.msk [tilespmem:v57+s23+$0x0], $0xffff  }
0x12b: {  	s18 =	simm.s32 $0x3;
	v48 =	vor.u32 s17, v0  }
0x12c: {  	v50 =	vmov s18;
	v49 =	vor.u32 s17, v1  }
0x12d: {  	v51 =	vshll.u32 v50, $0x3  }
0x12e: {  	v52 =	vand.u32 $0x73, v50;
	v53 =	vand.u32 $0xC00, v51;
	[tilespmem:v40+s28+$0x0] =	vst.idx.msk $0xffff, v63  }
0x12f: {  	(v2sf) =	vpush v37, $0x6;
	v54 =	vor.u32 v52, v53;
	[tilespmem:v38+s28+$0x0] =	vst.idx.msk $0xffff, v41  }
0x130: {  	v40 =	vor.u32 v2, v54;
	v55 =	vld.idx.msk [tilespmem:v48+s24+$0x0], $0xffff;
	s18 =	spop (v2sf)  }
0x131: {  	v38 =	vor.u32 v3, v54;
	v41 =	vld.idx.msk [tilespmem:v49+s24+$0x0], $0xffff;
	s17 =	sand.u32 $0x7F, s18  }
0x132: {  	s18 =	simm.s32 $0x4;
	v56 =	vor.u32 s17, v0  }
0x133: {  	v57 =	vor.u32 s17, v1;
	v58 =	vmov s18  }
0x134: {  	v59 =	vshll.u32 v58, $0x3  }
0x135: {  	v60 =	vand.u32 $0x74, v58;
	v61 =	vand.u32 $0xC00, v59;
	[tilespmem:v40+s28+$0x0] =	vst.idx.msk $0xffff, v55  }
0x136: {  	(v2sf) =	vpush v37, $0x7;
	v62 =	vor.u32 v60, v61;
	[tilespmem:v38+s28+$0x0] =	vst.idx.msk $0xffff, v41  }
0x137: {  	s18 =	spop (v2sf);
	v40 =	vor.u32 v2, v62;
	v63 =	vld.idx.msk [tilespmem:v56+s25+$0x0], $0xffff  }
0x138: {  	s17 =	sand.u32 $0x7F, s18;
	v38 =	vor.u32 v3, v62;
	v41 =	vld.idx.msk [tilespmem:v57+s25+$0x0], $0xffff  }
0x139: {  	s18 =	simm.s32 $0x5;
	v48 =	vor.u32 s17, v0  }
0x13a: {  	v49 =	vor.u32 s17, v1;
	v50 =	vmov s18  }
0x13b: {  	v51 =	vshll.u32 v50, $0x3  }
0x13c: {  	v52 =	vand.u32 $0x75, v50;
	v53 =	vand.u32 $0xC00, v51;
	[tilespmem:v40+s28+$0x0] =	vst.idx.msk $0xffff, v63  }
0x13d: {  	v54 =	vor.u32 v52, v53;
	[tilespmem:v38+s28+$0x0] =	vst.idx.msk $0xffff, v41  }
0x13e: {  	s18 =	spop (v2sf);
	v40 =	vor.u32 v2, v54;
	v55 =	vld.idx.msk [tilespmem:v48+s30+$0x0], $0xffff  }
0x13f: {  	s17 =	sand.u32 $0x7F, s18;
	v38 =	vor.u32 v3, v54;
	v41 =	vld.idx.msk [tilespmem:v49+s30+$0x0], $0xffff  }
0x140: {  	s18 =	simm.s32 $0x6;
	v56 =	vor.u32 s17, v0  }
0x141: {  	v57 =	vor.u32 s17, v1;
	v58 =	vmov s18  }
0x142: {  	v59 =	vshll.u32 v58, $0x3  }
0x143: {  	v60 =	vand.u32 $0x76, v58;
	v61 =	vand.u32 $0xC00, v59;
	[tilespmem:v40+s28+$0x0] =	vst.idx.msk $0xffff, v55  }
0x144: {  	v62 =	vor.u32 v60, v61;
	[tilespmem:v38+s28+$0x0] =	vst.idx.msk $0xffff, v41  }
0x145: {  	s18 =	spop (v2sf);
	v40 =	vor.u32 v2, v62;
	v63 =	vld.idx.msk [tilespmem:v56+s31+$0x0], $0xffff  }
0x146: {  	s17 =	sand.u32 $0x7F, s18;
	v38 =	vor.u32 v3, v62;
	v41 =	vld.idx.msk [tilespmem:v57+s31+$0x0], $0xffff  }
0x147: {  	s18 =	simm.s32 $0x7;
	v48 =	vor.u32 s17, v0  }
0x148: {  	v49 =	vor.u32 s17, v1;
	v50 =	vmov s18  }
0x149: {  	v51 =	vshll.u32 v50, $0x3  }
0x14a: {  	v52 =	vand.u32 $0x77, v50;
	v53 =	vand.u32 $0xC00, v51;
	[tilespmem:v40+s28+$0x0] =	vst.idx.msk $0xffff, v63  }
0x14b: {  	v54 =	vor.u32 v52, v53;
	[tilespmem:v38+s28+$0x0] =	vst.idx.msk $0xffff, v41  }
0x14c: {  	v40 =	vor.u32 v2, v54;
	v55 =	vld.idx.msk [tilespmem:v48+s3+$0x0], $0xffff  }
0x14d: {  	v38 =	vor.u32 v3, v54;
	v41 =	vld.idx.msk [tilespmem:v49+s3+$0x0], $0xffff;
	_ =	sdelay $0x3  }
0x14e: {  	s0 =	sand.u32 $0xFFFFF80, s0;
	[tilespmem:v40+s28+$0x0] =	vst.idx.msk $0xffff, v55  }
0x14f: {  	s0 =	sadd.s32 s9, s0;
	[tilespmem:v38+s28+$0x0] =	vst.idx.msk $0xffff, v41  }
0x150: {  	[tilespmem:s21], [sflag:$0x1] =	stream.strided.gather [hbm4b:s0+s19], $0x1000, s20, s19, $0x38;
	[tilespmem:$0x14200] =	vst v63  }
0x151: {  	s21 =	sand.u32 $0xFFFFF80, s7  }
0x152: {  	s0 =	sadd.s32 s9, s21  }
0x153: {  	[tilespmem:s22], [sflag:$0x1] =	stream.strided.gather [hbm4b:s0+s19], $0x1000, s20, s19, $0x38;
	[tilespmem:$0x14200] =	vst v63  }
0x154: {  	s22 =	sand.u32 $0xFFFFF80, s11  }
0x155: {  	s7 =	sand.u32 $0xFFFFF80, s12;
	s0 =	sadd.s32 s9, s22  }
0x156: {  	[tilespmem:s23], [sflag:$0x1] =	stream.strided.gather [hbm4b:s0+s19], $0x1000, s20, s19, $0x38;
	[tilespmem:$0x14200] =	vst v63  }
0x157: {  	s11 =	sand.u32 $0xFFFFF80, s13;
	s0 =	sadd.s32 s9, s7  }
0x158: {  	[tilespmem:s24], [sflag:$0x1] =	stream.strided.gather [hbm4b:s0+s19], $0x1000, s20, s19, $0x38;
	[tilespmem:$0x14200] =	vst v63  }
0x159: {  	s12 =	sand.u32 $0xFFFFF80, s14;
	s0 =	sadd.s32 s9, s11  }
0x15a: {  	[tilespmem:s25], [sflag:$0x1] =	stream.strided.gather [hbm4b:s0+s19], $0x1000, s20, s19, $0x38;
	[tilespmem:$0x14200] =	vst v63  }
0x15b: {  	s13 =	sand.u32 $0xFFFFF80, s15;
	s0 =	sadd.s32 s9, s12  }
0x15c: {  	[tilespmem:s30], [sflag:$0x1] =	stream.strided.gather [hbm4b:s0+s19], $0x1000, s20, s19, $0x38;
	[tilespmem:$0x14200] =	vst v63  }
0x15d: {  	s14 =	sand.u32 $0xFFFFF80, s16;
	s0 =	sadd.s32 s9, s13  }
0x15e: {  	[tilespmem:s31], [sflag:$0x1] =	stream.strided.gather [hbm4b:s0+s19], $0x1000, s20, s19, $0x38;
	[tilespmem:$0x14200] =	vst v63  }
0x15f: {  	s15 =	sadd.s32 s9, s14  }
0x160: {  	[tilespmem:s3], [sflag:$0x1] =	stream.strided.gather [hbm4b:s15+s19], $0x1000, s20, s19, $0x38;
	[tilespmem:$0x14200] =	vst v63  }
0x161: {  	_ =	swait.ge [sflag:s29], $0x1000  }
0x162: {  	[sflag:s29] =	ssyncset.done $0x0  }
0x163: {  	(v2sf) =	vpush v37, $0x8;
	[sflag:s29] =	ssyncadd.s32 $0xFFFFF000  }
0x164: {  	_ =	swait.ge [sflag:s29], $0x1000  }
0x165: {  	[sflag:s29] =	ssyncset.done $0x0  }
0x166: {  	[sflag:s29] =	ssyncadd.s32 $0xFFFFF000  }
0x167: {  	_ =	swait.ge [sflag:s29], $0x1000  }
0x168: {  	[sflag:s29] =	ssyncset.done $0x0  }
0x169: {  	[sflag:s29] =	ssyncadd.s32 $0xFFFFF000  }
0x16a: {  	_ =	swait.ge [sflag:s29], $0x1000  }
0x16b: {  	[sflag:s29] =	ssyncset.done $0x0  }
0x16c: {  	(v2sf) =	vpush v37, $0x9;
	[sflag:s29] =	ssyncadd.s32 $0xFFFFF000  }
0x16d: {  	_ =	swait.ge [sflag:s29], $0x1000  }
0x16e: {  	[sflag:s29] =	ssyncset.done $0x0  }
0x16f: {  	[sflag:s29] =	ssyncadd.s32 $0xFFFFF000  }
0x170: {  	_ =	swait.ge [sflag:s29], $0x1000  }
0x171: {  	[sflag:s29] =	ssyncset.done $0x0  }
0x172: {  	s16 =	spop (v2sf);
	[sflag:s29] =	ssyncadd.s32 $0xFFFFF000  }
0x173: {  	_ =	swait.ge [sflag:s29], $0x1000  }
0x174: {  	(v2sf) =	vpush v37, $0xA;
	_ =	sdelay $0x1  }
0x175: {  	s0 =	sand.u32 $0x7F, s16  }
0x176: {  	s17 =	simm.s32 $0x8;
	v56 =	vor.u32 s0, v0;
	[sflag:s29] =	ssyncset.done $0x0  }
0x177: {  	v58 =	vmov s17;
	v57 =	vor.u32 s0, v1;
	[sflag:s29] =	ssyncadd.s32 $0xFFFFF000  }
0x178: {  	v59 =	vshll.u32 v58, $0x3;
	_ =	swait.ge [sflag:s29], $0x1000  }
0x179: {  	v40 =	vand.u32 $0x78, v58;
	v41 =	vand.u32 $0xC00, v59;
	[sflag:s29] =	ssyncset.done $0x0  }
0x17a: {  	s18 =	simm.s32 $0x8200;
	v40 =	vor.u32 v40, v41;
	(v2sf) =	vpush v37, $0xB;
	[sflag:s29] =	ssyncadd.s32 $0xFFFFF000  }
0x17b: {  	v41 =	vor.u32 v2, v40;
	v38 =	vld.idx.msk [tilespmem:v56+s18+$0x0], $0xffff;
	s21 =	spop (v2sf)  }
0x17c: {  	v40 =	vor.u32 v3, v40;
	v39 =	vld.idx.msk [tilespmem:v57+s18+$0x0], $0xffff;
	s0 =	sand.u32 $0x7F, s21  }
0x17d: {  	s22 =	simm.s32 $0x9;
	v60 =	vor.u32 s0, v0  }
0x17e: {  	v62 =	vmov s22;
	v61 =	vor.u32 s0, v1  }
0x17f: {  	v63 =	vshll.u32 v62, $0x3  }
0x180: {  	v48 =	vand.u32 $0x79, v62;
	v49 =	vand.u32 $0xC00, v63;
	[tilespmem:v41+s28+$0x0] =	vst.idx.msk $0xffff, v38  }
0x181: {  	s23 =	simm.s32 $0x9200;
	(v2sf) =	vpush v37, $0xC;
	v38 =	vor.u32 v48, v49;
	[tilespmem:v40+s28+$0x0] =	vst.idx.msk $0xffff, v39  }
0x182: {  	v50 =	vor.u32 v2, v38;
	v39 =	vld.idx.msk [tilespmem:v60+s23+$0x0], $0xffff;
	s24 =	spop (v2sf)  }
0x183: {  	v38 =	vor.u32 v3, v38;
	v51 =	vld.idx.msk [tilespmem:v61+s23+$0x0], $0xffff;
	s0 =	sand.u32 $0x7F, s24  }
0x184: {  	s25 =	simm.s32 $0xA;
	v52 =	vor.u32 s0, v0  }
0x185: {  	v54 =	vmov s25;
	v53 =	vor.u32 s0, v1  }
0x186: {  	v55 =	vshll.u32 v54, $0x3  }
0x187: {  	v56 =	vand.u32 $0x7A, v54;
	v57 =	vand.u32 $0xC00, v55;
	[tilespmem:v50+s28+$0x0] =	vst.idx.msk $0xffff, v39  }
0x188: {  	s30 =	simm.s32 $0xA200;
	v58 =	vor.u32 v56, v57;
	(v2sf) =	vpush v37, $0xD;
	[tilespmem:v38+s28+$0x0] =	vst.idx.msk $0xffff, v51  }
0x189: {  	v40 =	vor.u32 v2, v58;
	s31 =	spop (v2sf);
	v59 =	vld.idx.msk [tilespmem:v52+s30+$0x0], $0xffff  }
0x18a: {  	v38 =	vor.u32 v3, v58;
	s0 =	sand.u32 $0x7F, s31;
	v41 =	vld.idx.msk [tilespmem:v53+s30+$0x0], $0xffff  }
0x18b: {  	s13 =	simm.s32 $0xB;
	v60 =	vor.u32 s0, v0  }
0x18c: {  	v62 =	vmov s13;
	v61 =	vor.u32 s0, v1  }
0x18d: {  	v63 =	vshll.u32 v62, $0x3  }
0x18e: {  	v47 =	vand.u32 $0x7B, v62;
	v48 =	vand.u32 $0xC00, v63;
	[tilespmem:v40+s28+$0x0] =	vst.idx.msk $0xffff, v59  }
0x18f: {  	s14 =	simm.s32 $0xB200;
	v49 =	vor.u32 v47, v48;
	(v2sf) =	vpush v37, $0xE;
	[tilespmem:v38+s28+$0x0] =	vst.idx.msk $0xffff, v41  }
0x190: {  	s15 =	spop (v2sf);
	v40 =	vor.u32 v2, v49;
	v50 =	vld.idx.msk [tilespmem:v60+s14+$0x0], $0xffff  }
0x191: {  	s0 =	sand.u32 $0x7F, s15;
	v38 =	vor.u32 v3, v49;
	v41 =	vld.idx.msk [tilespmem:v61+s14+$0x0], $0xffff  }
0x192: {  	s16 =	simm.s32 $0xC;
	v51 =	vor.u32 s0, v0  }
0x193: {  	v53 =	vmov s16;
	v52 =	vor.u32 s0, v1  }
0x194: {  	v54 =	vshll.u32 v53, $0x3  }
0x195: {  	v55 =	vand.u32 $0x7C, v53;
	v56 =	vand.u32 $0xC00, v54;
	[tilespmem:v40+s28+$0x0] =	vst.idx.msk $0xffff, v50  }
0x196: {  	s17 =	simm.s32 $0xC200;
	(v2sf) =	vpush v37, $0xF;
	v57 =	vor.u32 v55, v56;
	[tilespmem:v38+s28+$0x0] =	vst.idx.msk $0xffff, v41  }
0x197: {  	v39 =	vor.u32 v2, v57;
	s18 =	spop (v2sf);
	v58 =	vld.idx.msk [tilespmem:v51+s17+$0x0], $0xffff  }
0x198: {  	s0 =	sand.u32 $0x7F, s18;
	v38 =	vor.u32 v3, v57;
	v59 =	vld.idx.msk [tilespmem:v52+s17+$0x0], $0xffff  }
0x199: {  	s21 =	simm.s32 $0xD;
	v60 =	vor.u32 s0, v0  }
0x19a: {  	v62 =	vmov s21;
	v61 =	vor.u32 s0, v1  }
0x19b: {  	v63 =	vshll.u32 v62, $0x3  }
0x19c: {  	v46 =	vand.u32 $0x7D, v62;
	v47 =	vand.u32 $0xC00, v63;
	[tilespmem:v39+s28+$0x0] =	vst.idx.msk $0xffff, v58  }
0x19d: {  	s22 =	simm.s32 $0xD200;
	v37 =	vor.u32 v46, v47;
	[tilespmem:v38+s28+$0x0] =	vst.idx.msk $0xffff, v59  }
0x19e: {  	s23 =	spop (v2sf);
	v39 =	vor.u32 v2, v37;
	v38 =	vld.idx.msk [tilespmem:v60+s22+$0x0], $0xffff  }
0x19f: {  	s0 =	sand.u32 $0x7F, s23;
	v37 =	vor.u32 v3, v37;
	v40 =	vld.idx.msk [tilespmem:v61+s22+$0x0], $0xffff  }
0x1a0: {  	s24 =	simm.s32 $0xE;
	v48 =	vor.u32 s0, v0  }
0x1a1: {  	v50 =	vmov s24;
	v49 =	vor.u32 s0, v1  }
0x1a2: {  	v51 =	vshll.u32 v50, $0x3  }
0x1a3: {  	v52 =	vand.u32 $0x7E, v50;
	v53 =	vand.u32 $0xC00, v51;
	[tilespmem:v39+s28+$0x0] =	vst.idx.msk $0xffff, v38  }
0x1a4: {  	s25 =	simm.s32 $0xE200;
	v54 =	vor.u32 v52, v53;
	[tilespmem:v37+s28+$0x0] =	vst.idx.msk $0xffff, v40  }
0x1a5: {  	s30 =	spop (v2sf);
	v39 =	vor.u32 v2, v54;
	v55 =	vld.idx.msk [tilespmem:v48+s25+$0x0], $0xffff  }
0x1a6: {  	s0 =	sand.u32 $0x7F, s30;
	v37 =	vor.u32 v3, v54;
	v40 =	vld.idx.msk [tilespmem:v49+s25+$0x0], $0xffff  }
0x1a7: {  	s31 =	simm.s32 $0xF;
	v56 =	vor.u32 s0, v0  }
0x1a8: {  	v57 =	vor.u32 s0, v1;
	v58 =	vmov s31  }
0x1a9: {  	v59 =	vshll.u32 v58, $0x3  }
0x1aa: {  	v60 =	vand.u32 $0x7F, v58;
	v61 =	vand.u32 $0xC00, v59;
	[tilespmem:v39+s28+$0x0] =	vst.idx.msk $0xffff, v55  }
0x1ab: {  	s7 =	simm.s32 $0xF200;
	v62 =	vor.u32 v60, v61;
	[tilespmem:v37+s28+$0x0] =	vst.idx.msk $0xffff, v40  }
0x1ac: {  	v39 =	vor.u32 v2, v62;
	v63 =	vld.idx.msk [tilespmem:v56+s7+$0x0], $0xffff  }
0x1ad: {  	v37 =	vor.u32 v3, v62;
	v40 =	vld.idx.msk [tilespmem:v57+s7+$0x0], $0xffff;
	_ =	sdelay $0x3  }
0x1ae: {  	s11 =	simm.s32 $0x9200;
	s17 =	sand.u32 $0xFFFFF80, s4;
	[tilespmem:v39+s28+$0x0] =	vst.idx.msk $0xffff, v63  }
0x1af: {  	s3 =	simm.s32 $0x8200;
	s18 =	rddreg [dreg:$0x1b];
	s0 =	sadd.s32 s9, s17;
	[tilespmem:v37+s28+$0x0] =	vst.idx.msk $0xffff, v40  }
0x1b0: {  	[tilespmem:s3], [sflag:$0x2] =	stream.strided.gather [hbm4b:s0+s19], $0x1000, s20, s19, $0x38;
	[tilespmem:$0x14200] =	vst v63  }
0x1b1: {  	s12 =	simm.s32 $0xA200;
	s13 =	simm.s32 $0xB200;
	s0 =	sand.u32 $0xFFFFF80, s18  }
0x1b2: {  	s21 =	sand.u32 $0xFFFFF80, s2;
	s15 =	simm.s32 $0xD200;
	s0 =	sadd.s32 s9, s0  }
0x1b3: {  	[tilespmem:s11], [sflag:$0x2] =	stream.strided.gather [hbm4b:s0+s19], $0x1000, s20, s19, $0x38;
	[tilespmem:$0x14200] =	vst v63  }
0x1b4: {  	s16 =	simm.s32 $0xE200;
	s22 =	sand.u32 $0xFFFFF80, s1;
	s0 =	sadd.s32 s9, s21  }
0x1b5: {  	[tilespmem:s12], [sflag:$0x2] =	stream.strided.gather [hbm4b:s0+s19], $0x1000, s20, s19, $0x38;
	[tilespmem:$0x14200] =	vst v63  }
0x1b6: {  	s14 =	simm.s32 $0xC200;
	s23 =	sand.u32 $0xFFFFF80, s5;
	s0 =	sadd.s32 s9, s22  }
0x1b7: {  	[tilespmem:s13], [sflag:$0x2] =	stream.strided.gather [hbm4b:s0+s19], $0x1000, s20, s19, $0x38;
	[tilespmem:$0x14200] =	vst v63  }
0x1b8: {  	s24 =	sand.u32 $0xFFFFF80, s6;
	s31 =	sand.u32 $0xFFFFF80, s8;
	s0 =	sadd.s32 s9, s23  }
0x1b9: {  	[tilespmem:s14], [sflag:$0x2] =	stream.strided.gather [hbm4b:s0+s19], $0x1000, s20, s19, $0x38;
	[tilespmem:$0x14200] =	vst v63  }
0x1ba: {  	s1 =	simm.s32 $0x1F;
	s25 =	sand.u32 $0xFFFFF80, s10;
	s0 =	sadd.s32 s9, s24  }
0x1bb: {  	[tilespmem:s15], [sflag:$0x2] =	stream.strided.gather [hbm4b:s0+s19], $0x1000, s20, s19, $0x38;
	[tilespmem:$0x14200] =	vst v63  }
0x1bc: {  	s30 =	sadd.s32 s9, s25;
	s3 =	simm.s32 $0x20;
	s0 =	sadd.s32 s9, s31  }
0x1bd: {  	[tilespmem:s16], [sflag:$0x2] =	stream.strided.gather [hbm4b:s30+s19], $0x1000, s20, s19, $0x38;
	[tilespmem:$0x14200] =	vst v63  }
.LBB2_2:
0x1be: {  	s5 =	simm.s32 $0x400;
	s6 =	simm.s32 $0x7A1400;
	s2 =	simm.s32 $0xF200  }
0x1bf: {  	[tilespmem:s2], [sflag:$0x2] =	stream.strided.gather [hbm4b:s0+s5], $0x1000, s6, s5, $0x38;
	[tilespmem:$0x14200] =	vst v63  }
0x1c0: {  	v37 =	vmov v36;
	v36 =	vld [tilespmem:s3+$0x0];
	_ =	swait.ge [sflag:s26], $0x1000  }
0x1c1: {  	[sflag:s26] =	ssyncset.done $0x0  }
0x1c2: {  	(v2sf) =	vpush v37, $0x0;
	[sflag:s26] =	ssyncadd.s32 $0xFFFFF000  }
0x1c3: {  	_ =	swait.ge [sflag:s26], $0x1000  }
0x1c4: {  	[sflag:s26] =	ssyncset.done $0x0  }
0x1c5: {  	(v2sf) =	vpush v36, $0x0;
	[sflag:s26] =	ssyncadd.s32 $0xFFFFF000  }
0x1c6: {  	_ =	swait.ge [sflag:s26], $0x1000  }
0x1c7: {  	(v2sf) =	vpush v36, $0x1  }
0x1c8: {  	[sflag:s26] =	ssyncset.done $0x0;
	(v2sf) =	vpush v36, $0x2  }
0x1c9: {  	[sflag:s26] =	ssyncadd.s32 $0xFFFFF000;
	(v2sf) =	vpush v36, $0x3  }
0x1ca: {  	_ =	swait.ge [sflag:s26], $0x1000  }
0x1cb: {  	(v2sf) =	vpush v36, $0x4  }
0x1cc: {  	[sflag:s26] =	ssyncset.done $0x0;
	(v2sf) =	vpush v37, $0x1  }
0x1cd: {  	[sflag:s26] =	ssyncadd.s32 $0xFFFFF000;
	(v2sf) =	vpush v36, $0x5  }
0x1ce: {  	_ =	swait.ge [sflag:s26], $0x1000  }
0x1cf: {  	(v2sf) =	vpush v36, $0x6  }
0x1d0: {  	[sflag:s26] =	ssyncset.done $0x0;
	(v2sf) =	vpush v36, $0x7  }
0x1d1: {  	[sflag:s26] =	ssyncadd.s32 $0xFFFFF000;
	(v2sf) =	vpush v36, $0x8  }
0x1d2: {  	_ =	swait.ge [sflag:s26], $0x1000  }
0x1d3: {  	(v2sf) =	vpush v36, $0x9  }
0x1d4: {  	[sflag:s26] =	ssyncset.done $0x0;
	(v2sf) =	vpush v36, $0xA  }
0x1d5: {  	s2 =	spop (v2sf);
	[sflag:s26] =	ssyncadd.s32 $0xFFFFF000;
	(v2sf) =	vpush v36, $0xB  }
0x1d6: {  	_ =	swait.ge [sflag:s26], $0x1000  }
0x1d7: {  	(v2sf) =	vpush v37, $0x2  }
0x1d8: {  	[sflag:s26] =	ssyncset.done $0x0;
	s14 =	spop (v2sf);
	(v2sf) =	vpush v36, $0xC  }
0x1d9: {  	[sflag:s26] =	ssyncadd.s32 $0xFFFFF000;
	(v2sf) =	vpush v36, $0xD  }
0x1da: {  	_ =	swait.ge [sflag:s26], $0x1000  }
0x1db: {  	s17 =	spop (v2sf)  }
0x1dc: {  	s15 =	spop (v2sf)  }
0x1dd: {  	s19 =	smov.u32 s1;
	s0 =	sand.u32 $0x7F, s2;
	s16 =	spop (v2sf)  }
0x1de: {  	s4 =	sadd.s32 $0xFFFFFFF1, s19;
	v38 =	vor.u32 s0, v0;
	(v2sf) =	vpush v36, $0xE;
	s7 =	spop (v2sf)  }
0x1df: {  	v40 =	vmov s4;
	v39 =	vor.u32 s0, v1;
	(v2sf) =	vpush v36, $0xF;
	s10 =	spop (v2sf)  }
0x1e0: {  	s8 =	simm.s32 $0x200;
	v41 =	vshll.u32 v40, $0x3;
	[sflag:s26] =	ssyncset.done $0x0;
	(v2sf) =	vpush v37, $0x3;
	s18 =	spop (v2sf)  }
0x1e1: {  	v40 =	vand.u32 $0x70, v40;
	v41 =	vand.u32 $0xC00, v41;
	[dreg:$0x19] =	wrdreg s7;
	s21 =	sand.u32 $0xFFFFF80, s7;
	s7 =	spop (v2sf)  }
0x1e2: {  	v40 =	vor.u32 v40, v41;
	[sflag:s26] =	ssyncadd.s32 $0xFFFFF000;
	[dreg:$0x1a] =	wrdreg s7;
	s11 =	spop (v2sf)  }
0x1e3: {  	v41 =	vor.u32 v2, v40;
	v38 =	vld.idx.msk [tilespmem:v38+s8+$0x0], $0xffff;
	s2 =	sand.u32 $0x7F, s10;
	[dreg:$0x18] =	wrdreg s11;
	s12 =	spop (v2sf)  }
0x1e4: {  	v40 =	vor.u32 v3, v40;
	v39 =	vld.idx.msk [tilespmem:v39+s8+$0x0], $0xffff;
	v42 =	vor.u32 s2, v0;
	v43 =	vor.u32 s2, v1;
	[dreg:$0x17] =	wrdreg s12;
	s2 =	sand.u32 $0xFFFFF80, s12  }
0x1e5: {  	s4 =	sadd.s32 $0xFFFFFFF2, s19;
	s13 =	spop (v2sf);
	[dreg:$0x4] =	wrdreg s2  }
0x1e6: {  	v44 =	vmov s4;
	[dreg:$0x15] =	wrdreg s13;
	s2 =	sand.u32 $0xFFFFF80, s13;
	s30 =	spop (v2sf)  }
0x1e7: {  	s4 =	simm.s32 $0x1200;
	v48 =	vshll.u32 v44, $0x3;
	[dreg:$0x5] =	wrdreg s2;
	s31 =	spop (v2sf)  }
0x1e8: {  	v49 =	vand.u32 $0x71, v44;
	[tilespmem:v41+s28+$0x0] =	vst.idx.msk $0xffff, v38;
	v38 =	vand.u32 $0xC00, v48;
	[dreg:$0x14] =	wrdreg s30;
	s2 =	sand.u32 $0xFFFFF80, s30;
	s10 =	spop (v2sf);
	(v2sf) =	vpush v37, $0x4  }
0x1e9: {  	s20 =	sand.u32 $0xFFFFF80, s7;
	[tilespmem:v40+s28+$0x0] =	vst.idx.msk $0xffff, v39;
	v38 =	vor.u32 v49, v38;
	[dreg:$0x6] =	wrdreg s2;
	s2 =	sand.u32 $0xFFFFF80, s31  }
0x1ea: {  	s7 =	sand.u32 $0xFFFFF80, s11;
	v51 =	vor.u32 v2, v38;
	v40 =	vld.idx.msk [tilespmem:v42+s4+$0x0], $0xffff;
	[dreg:$0x7] =	wrdreg s2;
	s11 =	spop (v2sf)  }
0x1eb: {  	v38 =	vor.u32 v3, v38;
	v50 =	vld.idx.msk [tilespmem:v43+s4+$0x0], $0xffff;
	s30 =	sand.u32 $0x7F, s10;
	[dreg:$0x16] =	wrdreg s11;
	s2 =	sand.u32 $0xFFFFF80, s11  }
0x1ec: {  	s13 =	sadd.s32 $0xFFFFFFF3, s19;
	v52 =	vor.u32 s30, v0;
	s12 =	spop (v2sf);
	[dreg:$0x8] =	wrdreg s2  }
0x1ed: {  	v54 =	vmov s13;
	v53 =	vor.u32 s30, v1;
	[dreg:$0x13] =	wrdreg s12;
	s2 =	sand.u32 $0xFFFFF80, s12;
	s10 =	spop (v2sf)  }
0x1ee: {  	v55 =	vshll.u32 v54, $0x3;
	[dreg:$0x9] =	wrdreg s2;
	s2 =	sand.u32 $0xFFFFF80, s10;
	s11 =	spop (v2sf)  }
0x1ef: {  	v56 =	vand.u32 $0x72, v54;
	v57 =	vand.u32 $0xC00, v55;
	[tilespmem:v51+s28+$0x0] =	vst.idx.msk $0xffff, v40;
	[dreg:$0xa] =	wrdreg s2;
	s2 =	sand.u32 $0xFFFFF80, s11;
	s12 =	spop (v2sf);
	(v2sf) =	vpush v37, $0x5  }
0x1f0: {  	[tilespmem:v38+s28+$0x0] =	vst.idx.msk $0xffff, v50;
	v38 =	vor.u32 v56, v57;
	[dreg:$0xb] =	wrdreg s2;
	s2 =	simm.s32 $0x2200  }
0x1f1: {  	v60 =	vor.u32 v2, v38;
	v58 =	vld.idx.msk [tilespmem:v52+s2+$0x0], $0xffff  }
0x1f2: {  	[dreg:$0x12] =	wrdreg s31;
	s31 =	smov.u32 s9;
	v38 =	vor.u32 v3, v38;
	v59 =	vld.idx.msk [tilespmem:v53+s2+$0x0], $0xffff;
	s9 =	sand.u32 $0x7F, s12  }
0x1f3: {  	s13 =	sadd.s32 $0xFFFFFFF4, s19;
	v61 =	vor.u32 s9, v0  }
0x1f4: {  	v63 =	vmov s13;
	v62 =	vor.u32 s9, v1  }
0x1f5: {  	v47 =	vshll.u32 v63, $0x3  }
0x1f6: {  	v48 =	vand.u32 $0x73, v63;
	v49 =	vand.u32 $0xC00, v47;
	[tilespmem:v60+s28+$0x0] =	vst.idx.msk $0xffff, v58  }
0x1f7: {  	[dreg:$0x11] =	wrdreg s10;
	s10 =	simm.s32 $0x3200;
	[tilespmem:v38+s28+$0x0] =	vst.idx.msk $0xffff, v59;
	v38 =	vor.u32 v48, v49;
	s30 =	spop (v2sf);
	(v2sf) =	vpush v37, $0x6  }
0x1f8: {  	v50 =	vld.idx.msk [tilespmem:v61+s10+$0x0], $0xffff;
	v52 =	vor.u32 v2, v38  }
0x1f9: {  	v51 =	vld.idx.msk [tilespmem:v62+s10+$0x0], $0xffff;
	v38 =	vor.u32 v3, v38;
	s9 =	sand.u32 $0x7F, s30  }
0x1fa: {  	[dreg:$0x10] =	wrdreg s11;
	s11 =	sadd.s32 $0xFFFFFFF5, s19;
	v53 =	vor.u32 s9, v0  }
0x1fb: {  	v55 =	vmov s11;
	v54 =	vor.u32 s9, v1  }
0x1fc: {  	v56 =	vshll.u32 v55, $0x3  }
0x1fd: {  	v57 =	vand.u32 $0x74, v55;
	v58 =	vand.u32 $0xC00, v56;
	[tilespmem:v52+s28+$0x0] =	vst.idx.msk $0xffff, v50  }
0x1fe: {  	s11 =	simm.s32 $0x4200;
	[tilespmem:v38+s28+$0x0] =	vst.idx.msk $0xffff, v51;
	v38 =	vor.u32 v57, v58;
	s12 =	spop (v2sf);
	(v2sf) =	vpush v37, $0x7  }
0x1ff: {  	v61 =	vor.u32 v2, v38;
	v59 =	vld.idx.msk [tilespmem:v53+s11+$0x0], $0xffff  }
0x200: {  	v38 =	vor.u32 v3, v38;
	v60 =	vld.idx.msk [tilespmem:v54+s11+$0x0], $0xffff;
	s9 =	sand.u32 $0x7F, s12  }
0x201: {  	s13 =	sadd.s32 $0xFFFFFFF6, s19;
	v62 =	vor.u32 s9, v0  }
0x202: {  	v48 =	vmov s13;
	v63 =	vor.u32 s9, v1  }
0x203: {  	v49 =	vshll.u32 v48, $0x3  }
0x204: {  	v50 =	vand.u32 $0x75, v48;
	v51 =	vand.u32 $0xC00, v49;
	[tilespmem:v61+s28+$0x0] =	vst.idx.msk $0xffff, v59  }
0x205: {  	s12 =	simm.s32 $0x5200;
	[tilespmem:v38+s28+$0x0] =	vst.idx.msk $0xffff, v60;
	v38 =	vor.u32 v50, v51  }
0x206: {  	v52 =	vld.idx.msk [tilespmem:v62+s12+$0x0], $0xffff;
	v54 =	vor.u32 v2, v38;
	s30 =	spop (v2sf)  }
0x207: {  	v53 =	vld.idx.msk [tilespmem:v63+s12+$0x0], $0xffff;
	v38 =	vor.u32 v3, v38;
	s9 =	sand.u32 $0x7F, s30  }
0x208: {  	s13 =	sadd.s32 $0xFFFFFFF7, s19;
	v55 =	vor.u32 s9, v0  }
0x209: {  	v57 =	vmov s13;
	v56 =	vor.u32 s9, v1  }
0x20a: {  	v58 =	vshll.u32 v57, $0x3  }
0x20b: {  	v59 =	vand.u32 $0x76, v57;
	v60 =	vand.u32 $0xC00, v58;
	[tilespmem:v54+s28+$0x0] =	vst.idx.msk $0xffff, v52  }
0x20c: {  	s13 =	simm.s32 $0x6200;
	[tilespmem:v38+s28+$0x0] =	vst.idx.msk $0xffff, v53;
	v38 =	vor.u32 v59, v60  }
0x20d: {  	v63 =	vor.u32 v2, v38;
	v61 =	vld.idx.msk [tilespmem:v55+s13+$0x0], $0xffff;
	s30 =	spop (v2sf)  }
0x20e: {  	v38 =	vor.u32 v3, v38;
	v62 =	vld.idx.msk [tilespmem:v56+s13+$0x0], $0xffff;
	s9 =	sand.u32 $0x7F, s30  }
0x20f: {  	s30 =	sadd.s32 $0xFFFFFFF8, s19;
	v48 =	vor.u32 s9, v0  }
0x210: {  	v49 =	vor.u32 s9, v1;
	v50 =	vmov s30  }
0x211: {  	v51 =	vshll.u32 v50, $0x3  }
0x212: {  	v52 =	vand.u32 $0x77, v50;
	v53 =	vand.u32 $0xC00, v51;
	[tilespmem:v63+s28+$0x0] =	vst.idx.msk $0xffff, v61  }
0x213: {  	s30 =	simm.s32 $0x7200;
	[tilespmem:v38+s28+$0x0] =	vst.idx.msk $0xffff, v62;
	v38 =	vor.u32 v52, v53  }
0x214: {  	v54 =	vld.idx.msk [tilespmem:v48+s30+$0x0], $0xffff;
	v56 =	vor.u32 v2, v38  }
0x215: {  	v55 =	vld.idx.msk [tilespmem:v49+s30+$0x0], $0xffff;
	v38 =	vor.u32 v3, v38;
	_ =	sdelay $0x3  }
0x216: {  	s0 =	sand.u32 $0xFFFFF80, s14;
	[tilespmem:v56+s28+$0x0] =	vst.idx.msk $0xffff, v54  }
0x217: {  	s22 =	sand.u32 $0xFFFFF80, s17;
	s0 =	sadd.s32 s31, s0;
	[tilespmem:v38+s28+$0x0] =	vst.idx.msk $0xffff, v55  }
0x218: {  	[tilespmem:s8], [sflag:$0x1] =	stream.strided.gather [hbm4b:s0+s5], $0x1000, s6, s5, $0x38;
	[tilespmem:$0x14200] =	vst v63  }
0x219: {  	s23 =	sand.u32 $0xFFFFF80, s15;
	s22 =	sadd.s32 s31, s22  }
0x21a: {  	[tilespmem:s4], [sflag:$0x1] =	stream.strided.gather [hbm4b:s22+s5], $0x1000, s6, s5, $0x38;
	[tilespmem:$0x14200] =	vst v63  }
0x21b: {  	s24 =	sand.u32 $0xFFFFF80, s16;
	s4 =	sadd.s32 s31, s23  }
0x21c: {  	[tilespmem:s2], [sflag:$0x1] =	stream.strided.gather [hbm4b:s4+s5], $0x1000, s6, s5, $0x38;
	[tilespmem:$0x14200] =	vst v63  }
0x21d: {  	s8 =	sadd.s32 s31, s24  }
0x21e: {  	[tilespmem:s10], [sflag:$0x1] =	stream.strided.gather [hbm4b:s8+s5], $0x1000, s6, s5, $0x38;
	[tilespmem:$0x14200] =	vst v63  }
0x21f: {  	s25 =	sand.u32 $0xFFFFF80, s18;
	s22 =	sadd.s32 s31, s21  }
0x220: {  	[tilespmem:s11], [sflag:$0x1] =	stream.strided.gather [hbm4b:s22+s5], $0x1000, s6, s5, $0x38;
	[tilespmem:$0x14200] =	vst v63  }
0x221: {  	s23 =	sadd.s32 s31, s25  }
0x222: {  	[tilespmem:s12], [sflag:$0x1] =	stream.strided.gather [hbm4b:s23+s5], $0x1000, s6, s5, $0x38;
	[tilespmem:$0x14200] =	vst v63  }
0x223: {  	s24 =	sadd.s32 s31, s20  }
0x224: {  	[tilespmem:s13], [sflag:$0x1] =	stream.strided.gather [hbm4b:s24+s5], $0x1000, s6, s5, $0x38;
	[tilespmem:$0x14200] =	vst v63  }
0x225: {  	s25 =	sadd.s32 s31, s7  }
0x226: {  	[tilespmem:s30], [sflag:$0x1] =	stream.strided.gather [hbm4b:s25+s5], $0x1000, s6, s5, $0x38;
	[tilespmem:$0x14200] =	vst v63  }
0x227: {  	_ =	swait.ge [sflag:s29], $0x1000  }
0x228: {  	[sflag:s29] =	ssyncset.done $0x0  }
0x229: {  	(v2sf) =	vpush v37, $0x8;
	[sflag:s29] =	ssyncadd.s32 $0xFFFFF000  }
0x22a: {  	_ =	swait.ge [sflag:s29], $0x1000  }
0x22b: {  	[sflag:s29] =	ssyncset.done $0x0  }
0x22c: {  	[sflag:s29] =	ssyncadd.s32 $0xFFFFF000  }
0x22d: {  	_ =	swait.ge [sflag:s29], $0x1000  }
0x22e: {  	[sflag:s29] =	ssyncset.done $0x0  }
0x22f: {  	[sflag:s29] =	ssyncadd.s32 $0xFFFFF000  }
0x230: {  	_ =	swait.ge [sflag:s29], $0x1000  }
0x231: {  	[sflag:s29] =	ssyncset.done $0x0  }
0x232: {  	(v2sf) =	vpush v37, $0x9;
	[sflag:s29] =	ssyncadd.s32 $0xFFFFF000  }
0x233: {  	_ =	swait.ge [sflag:s29], $0x1000  }
0x234: {  	[sflag:s29] =	ssyncset.done $0x0  }
0x235: {  	[sflag:s29] =	ssyncadd.s32 $0xFFFFF000  }
0x236: {  	_ =	swait.ge [sflag:s29], $0x1000  }
0x237: {  	[sflag:s29] =	ssyncset.done $0x0  }
0x238: {  	s2 =	spop (v2sf);
	[sflag:s29] =	ssyncadd.s32 $0xFFFFF000  }
0x239: {  	_ =	swait.ge [sflag:s29], $0x1000  }
0x23a: {  	(v2sf) =	vpush v37, $0xA;
	_ =	sdelay $0x3  }
0x23b: {  	s0 =	sand.u32 $0x7F, s2;
	[sflag:s29] =	ssyncset.done $0x0  }
0x23c: {  	s4 =	sadd.s32 $0xFFFFFFF9, s19;
	v57 =	vor.u32 s0, v0;
	[sflag:s29] =	ssyncadd.s32 $0xFFFFF000  }
0x23d: {  	v59 =	vmov s4;
	v58 =	vor.u32 s0, v1;
	_ =	swait.ge [sflag:s29], $0x1000  }
0x23e: {  	v60 =	vshll.u32 v59, $0x3;
	s7 =	spop (v2sf);
	(v2sf) =	vpush v37, $0xB  }
0x23f: {  	v40 =	vand.u32 $0x78, v59;
	v41 =	vand.u32 $0xC00, v60;
	[sflag:s29] =	ssyncset.done $0x0  }
0x240: {  	v40 =	vor.u32 v40, v41;
	s2 =	simm.s32 $0x8200;
	[sflag:s29] =	ssyncadd.s32 $0xFFFFF000  }
0x241: {  	v41 =	vor.u32 v2, v40;
	v38 =	vld.idx.msk [tilespmem:v57+s2+$0x0], $0xffff  }
0x242: {  	v40 =	vor.u32 v3, v40;
	v39 =	vld.idx.msk [tilespmem:v58+s2+$0x0], $0xffff;
	s0 =	sand.u32 $0x7F, s7  }
0x243: {  	s8 =	sadd.s32 $0xFFFFFFFA, s19;
	v61 =	vor.u32 s0, v0  }
0x244: {  	v63 =	vmov s8;
	v62 =	vor.u32 s0, v1  }
0x245: {  	v48 =	vshll.u32 v63, $0x3  }
0x246: {  	v49 =	vand.u32 $0x79, v63;
	[tilespmem:v41+s28+$0x0] =	vst.idx.msk $0xffff, v38;
	v38 =	vand.u32 $0xC00, v48;
	s10 =	spop (v2sf);
	(v2sf) =	vpush v37, $0xC  }
0x247: {  	s4 =	simm.s32 $0x9200;
	[tilespmem:v40+s28+$0x0] =	vst.idx.msk $0xffff, v39;
	v38 =	vor.u32 v49, v38  }
0x248: {  	v51 =	vor.u32 v2, v38;
	v40 =	vld.idx.msk [tilespmem:v61+s4+$0x0], $0xffff  }
0x249: {  	v38 =	vor.u32 v3, v38;
	v50 =	vld.idx.msk [tilespmem:v62+s4+$0x0], $0xffff;
	s0 =	sand.u32 $0x7F, s10  }
0x24a: {  	s11 =	sadd.s32 $0xFFFFFFFB, s19;
	v52 =	vor.u32 s0, v0  }
0x24b: {  	v54 =	vmov s11;
	v53 =	vor.u32 s0, v1  }
0x24c: {  	v55 =	vshll.u32 v54, $0x3  }
0x24d: {  	v56 =	vand.u32 $0x7A, v54;
	v57 =	vand.u32 $0xC00, v55;
	[tilespmem:v51+s28+$0x0] =	vst.idx.msk $0xffff, v40;
	s12 =	spop (v2sf);
	(v2sf) =	vpush v37, $0xD  }
0x24e: {  	s8 =	simm.s32 $0xA200;
	[tilespmem:v38+s28+$0x0] =	vst.idx.msk $0xffff, v50;
	v38 =	vor.u32 v56, v57  }
0x24f: {  	v60 =	vor.u32 v2, v38;
	v58 =	vld.idx.msk [tilespmem:v52+s8+$0x0], $0xffff  }
0x250: {  	v38 =	vor.u32 v3, v38;
	v59 =	vld.idx.msk [tilespmem:v53+s8+$0x0], $0xffff;
	s0 =	sand.u32 $0x7F, s12  }
0x251: {  	s13 =	sadd.s32 $0xFFFFFFFC, s19;
	v61 =	vor.u32 s0, v0  }
0x252: {  	v63 =	vmov s13;
	v62 =	vor.u32 s0, v1  }
0x253: {  	v45 =	vshll.u32 v63, $0x3  }
0x254: {  	v46 =	vand.u32 $0x7B, v63;
	v47 =	vand.u32 $0xC00, v45;
	[tilespmem:v60+s28+$0x0] =	vst.idx.msk $0xffff, v58  }
0x255: {  	s10 =	simm.s32 $0xB200;
	[tilespmem:v38+s28+$0x0] =	vst.idx.msk $0xffff, v59;
	v38 =	vor.u32 v46, v47;
	s20 =	spop (v2sf);
	(v2sf) =	vpush v37, $0xE  }
0x256: {  	v48 =	vld.idx.msk [tilespmem:v61+s10+$0x0], $0xffff;
	v50 =	vor.u32 v2, v38  }
0x257: {  	v49 =	vld.idx.msk [tilespmem:v62+s10+$0x0], $0xffff;
	v38 =	vor.u32 v3, v38;
	s0 =	sand.u32 $0x7F, s20  }
0x258: {  	s21 =	sadd.s32 $0xFFFFFFFD, s19;
	v51 =	vor.u32 s0, v0  }
0x259: {  	v53 =	vmov s21;
	v52 =	vor.u32 s0, v1  }
0x25a: {  	v54 =	vshll.u32 v53, $0x3  }
0x25b: {  	v55 =	vand.u32 $0x7C, v53;
	v56 =	vand.u32 $0xC00, v54;
	[tilespmem:v50+s28+$0x0] =	vst.idx.msk $0xffff, v48  }
0x25c: {  	s11 =	simm.s32 $0xC200;
	[tilespmem:v38+s28+$0x0] =	vst.idx.msk $0xffff, v49;
	v38 =	vor.u32 v55, v56;
	s22 =	spop (v2sf);
	(v2sf) =	vpush v37, $0xF  }
0x25d: {  	v59 =	vor.u32 v2, v38;
	v57 =	vld.idx.msk [tilespmem:v51+s11+$0x0], $0xffff  }
0x25e: {  	v38 =	vor.u32 v3, v38;
	v58 =	vld.idx.msk [tilespmem:v52+s11+$0x0], $0xffff;
	s0 =	sand.u32 $0x7F, s22  }
0x25f: {  	s23 =	sadd.s32 $0xFFFFFFFE, s19;
	v60 =	vor.u32 s0, v0  }
0x260: {  	v62 =	vmov s23;
	v61 =	vor.u32 s0, v1  }
0x261: {  	v63 =	vshll.u32 v62, $0x3  }
0x262: {  	v44 =	vand.u32 $0x7D, v62;
	v45 =	vand.u32 $0xC00, v63;
	[tilespmem:v59+s28+$0x0] =	vst.idx.msk $0xffff, v57  }
0x263: {  	s12 =	simm.s32 $0xD200;
	[tilespmem:v38+s28+$0x0] =	vst.idx.msk $0xffff, v58;
	v38 =	vor.u32 v44, v45  }
0x264: {  	v37 =	vld.idx.msk [tilespmem:v60+s12+$0x0], $0xffff;
	v47 =	vor.u32 v2, v38;
	s24 =	spop (v2sf)  }
0x265: {  	v46 =	vld.idx.msk [tilespmem:v61+s12+$0x0], $0xffff;
	v38 =	vor.u32 v3, v38;
	s0 =	sand.u32 $0x7F, s24  }
0x266: {  	s25 =	sadd.s32 $0xFFFFFFFF, s19;
	v48 =	vor.u32 s0, v0  }
0x267: {  	v50 =	vmov s25;
	v49 =	vor.u32 s0, v1  }
0x268: {  	v51 =	vshll.u32 v50, $0x3  }
0x269: {  	v52 =	vand.u32 $0x7E, v50;
	[tilespmem:v47+s28+$0x0] =	vst.idx.msk $0xffff, v37;
	v37 =	vand.u32 $0xC00, v51  }
0x26a: {  	s13 =	simm.s32 $0xE200;
	[tilespmem:v38+s28+$0x0] =	vst.idx.msk $0xffff, v46;
	v37 =	vor.u32 v52, v37  }
0x26b: {  	v54 =	vor.u32 v2, v37;
	s30 =	spop (v2sf);
	v39 =	vld.idx.msk [tilespmem:v48+s13+$0x0], $0xffff  }
0x26c: {  	v37 =	vor.u32 v3, v37;
	v53 =	vld.idx.msk [tilespmem:v49+s13+$0x0], $0xffff;
	s0 =	sand.u32 $0x7F, s30  }
0x26d: {  	v55 =	vor.u32 s0, v0  }
0x26e: {  	v57 =	vmov s19;
	v56 =	vor.u32 s0, v1  }
0x26f: {  	v58 =	vshll.u32 v57, $0x3  }
0x270: {  	v59 =	vand.u32 $0x7F, v57;
	v60 =	vand.u32 $0xC00, v58;
	[tilespmem:v54+s28+$0x0] =	vst.idx.msk $0xffff, v39  }
0x271: {  	s7 =	simm.s32 $0xF200;
	[tilespmem:v37+s28+$0x0] =	vst.idx.msk $0xffff, v53;
	v37 =	vor.u32 v59, v60  }
0x272: {  	v61 =	vld.idx.msk [tilespmem:v55+s7+$0x0], $0xffff;
	v63 =	vor.u32 v2, v37  }
0x273: {  	v62 =	vld.idx.msk [tilespmem:v56+s7+$0x0], $0xffff;
	v37 =	vor.u32 v3, v37;
	_ =	sdelay $0x3  }
0x274: {  	s19 =	rddreg [dreg:$0x4];
	[tilespmem:v63+s28+$0x0] =	vst.idx.msk $0xffff, v61  }
0x275: {  	s20 =	rddreg [dreg:$0x5];
	s0 =	sadd.s32 s31, s19;
	[tilespmem:v37+s28+$0x0] =	vst.idx.msk $0xffff, v62  }
0x276: {  	[tilespmem:s2], [sflag:$0x2] =	stream.strided.gather [hbm4b:s0+s5], $0x1000, s6, s5, $0x38;
	[tilespmem:$0x14200] =	vst v63  }
0x277: {  	s21 =	rddreg [dreg:$0x6];
	s0 =	sadd.s32 s31, s20  }
0x278: {  	[tilespmem:s4], [sflag:$0x2] =	stream.strided.gather [hbm4b:s0+s5], $0x1000, s6, s5, $0x38;
	[tilespmem:$0x14200] =	vst v63  }
0x279: {  	p0 =	sne.s32 s1, $0x1EF;
	s22 =	rddreg [dreg:$0x7];
	s0 =	sadd.s32 s31, s21  }
0x27a: {  	[tilespmem:s8], [sflag:$0x2] =	stream.strided.gather [hbm4b:s0+s5], $0x1000, s6, s5, $0x38;
	[tilespmem:$0x14200] =	vst v63  }
0x27b: {  	s1 =	sadd.s32 $0x10, s1;
	s23 =	rddreg [dreg:$0x8];
	s0 =	sadd.s32 s31, s22  }
0x27c: {  	[tilespmem:s10], [sflag:$0x2] =	stream.strided.gather [hbm4b:s0+s5], $0x1000, s6, s5, $0x38;
	[tilespmem:$0x14200] =	vst v63  }
0x27d: {  	s3 =	sadd.s32 $0x10, s3;
	s24 =	rddreg [dreg:$0x9];
	s0 =	sadd.s32 s31, s23  }
0x27e: {  	[tilespmem:s11], [sflag:$0x2] =	stream.strided.gather [hbm4b:s0+s5], $0x1000, s6, s5, $0x38;
	[tilespmem:$0x14200] =	vst v63  }
.Ltmp0:
0x27f: {  	s25 =	rddreg [dreg:$0xa];
	s0 =	sadd.s32 s31, s24;
	(pc) =	sbr.rel @p0 .LBB2_2-.Ltmp0, $4  }
0x280: {  	[tilespmem:s12], [sflag:$0x2] =	stream.strided.gather [hbm4b:s0+s5], $0x1000, s6, s5, $0x38;
	[tilespmem:$0x14200] =	vst v63  }
0x281: {  	s9 =	smov.u32 s31;
	s30 =	rddreg [dreg:$0xb];
	s0 =	sadd.s32 s31, s25  }
0x282: {  	[tilespmem:s13], [sflag:$0x2] =	stream.strided.gather [hbm4b:s0+s5], $0x1000, s6, s5, $0x38;
	[tilespmem:$0x14200] =	vst v63  }
0x283: {  	s19 =	simm.s32 $0x7A1400;
	s7 =	simm.s32 $0x400;
	s0 =	sadd.s32 s31, s30  }
0x284: {  	s1 =	simm.s32 $0xF200  }
0x285: {  	[tilespmem:s1], [sflag:$0x2] =	stream.strided.gather [hbm4b:s0+s7], $0x1000, s19, s7, $0x38;
	[tilespmem:$0x14200] =	vst v63  }
0x286: {  	_ =	swait.ge [sflag:s26], $0x1000  }
0x287: {  	[sflag:s26] =	ssyncset.done $0x0  }
0x288: {  	[sflag:s26] =	ssyncadd.s32 $0xFFFFF000  }
0x289: {  	_ =	swait.ge [sflag:s26], $0x1000  }
0x28a: {  	[sflag:s26] =	ssyncset.done $0x0  }
0x28b: {  	[sflag:s26] =	ssyncadd.s32 $0xFFFFF000  }
0x28c: {  	_ =	swait.ge [sflag:s26], $0x1000  }
0x28d: {  	[sflag:s26] =	ssyncset.done $0x0  }
0x28e: {  	[sflag:s26] =	ssyncadd.s32 $0xFFFFF000  }
0x28f: {  	_ =	swait.ge [sflag:s26], $0x1000  }
0x290: {  	[sflag:s26] =	ssyncset.done $0x0  }
0x291: {  	[sflag:s26] =	ssyncadd.s32 $0xFFFFF000  }
0x292: {  	_ =	swait.ge [sflag:s26], $0x1000  }
0x293: {  	[sflag:s26] =	ssyncset.done $0x0  }
0x294: {  	[sflag:s26] =	ssyncadd.s32 $0xFFFFF000  }
0x295: {  	_ =	swait.ge [sflag:s26], $0x1000  }
0x296: {  	[sflag:s26] =	ssyncset.done $0x0  }
0x297: {  	[sflag:s26] =	ssyncadd.s32 $0xFFFFF000  }
0x298: {  	s14 =	sand.u32 $0x7F, s14;
	_ =	swait.ge [sflag:s26], $0x1000  }
0x299: {  	v36 =	vor.u32 s14, v0;
	[sflag:s26] =	ssyncset.done $0x0  }
0x29a: {  	v37 =	vor.u32 s14, v1;
	[sflag:s26] =	ssyncadd.s32 $0xFFFFF000  }
0x29b: {  	_ =	swait.ge [sflag:s26], $0x1000  }
0x29c: {  	[sflag:s26] =	ssyncset.done $0x0  }
0x29d: {  	s19 =	simm.s32 $0x200;
	[sflag:s26] =	ssyncadd.s32 $0xFFFFF000  }
0x29e: {  	v36 =	vld.idx.msk [tilespmem:v36+s19+$0x0], $0xffff  }
0x29f: {  	s20 =	sand.u32 $0x7F, s17;
	v37 =	vld.idx.msk [tilespmem:v37+s19+$0x0], $0xffff  }
0x2a0: {  	v38 =	vor.u32 s20, v0  }
0x2a1: {  	v39 =	vor.u32 s20, v1;
	_ =	sdelay $0x1  }
0x2a2: {  	[tilespmem:v4+s28+$0x0] =	vst.idx.msk $0xffff, v36  }
0x2a3: {  	s21 =	simm.s32 $0x1200;
	[tilespmem:v5+s28+$0x0] =	vst.idx.msk $0xffff, v37  }
0x2a4: {  	v36 =	vld.idx.msk [tilespmem:v38+s21+$0x0], $0xffff  }
0x2a5: {  	s22 =	sand.u32 $0x7F, s15;
	v37 =	vld.idx.msk [tilespmem:v39+s21+$0x0], $0xffff  }
0x2a6: {  	v58 =	vor.u32 s22, v0  }
0x2a7: {  	v59 =	vor.u32 s22, v1;
	_ =	sdelay $0x1  }
0x2a8: {  	[tilespmem:v6+s28+$0x0] =	vst.idx.msk $0xffff, v36  }
0x2a9: {  	s23 =	simm.s32 $0x2200;
	[tilespmem:v7+s28+$0x0] =	vst.idx.msk $0xffff, v37  }
0x2aa: {  	v36 =	vld.idx.msk [tilespmem:v58+s23+$0x0], $0xffff  }
0x2ab: {  	s24 =	sand.u32 $0x7F, s16;
	v37 =	vld.idx.msk [tilespmem:v59+s23+$0x0], $0xffff  }
0x2ac: {  	v60 =	vor.u32 s24, v0  }
0x2ad: {  	v61 =	vor.u32 s24, v1;
	_ =	sdelay $0x1  }
0x2ae: {  	[tilespmem:v8+s28+$0x0] =	vst.idx.msk $0xffff, v36  }
0x2af: {  	s25 =	simm.s32 $0x3200;
	[tilespmem:v9+s28+$0x0] =	vst.idx.msk $0xffff, v37  }
0x2b0: {  	s30 =	rddreg [dreg:$0x19];
	v36 =	vld.idx.msk [tilespmem:v60+s25+$0x0], $0xffff  }
0x2b1: {  	s0 =	sand.u32 $0x7F, s30;
	v37 =	vld.idx.msk [tilespmem:v61+s25+$0x0], $0xffff  }
0x2b2: {  	v62 =	vor.u32 s0, v0  }
0x2b3: {  	v63 =	vor.u32 s0, v1;
	_ =	sdelay $0x1  }
0x2b4: {  	[tilespmem:v10+s28+$0x0] =	vst.idx.msk $0xffff, v36  }
0x2b5: {  	s31 =	simm.s32 $0x4200;
	[tilespmem:v11+s28+$0x0] =	vst.idx.msk $0xffff, v37  }
0x2b6: {  	v36 =	vld.idx.msk [tilespmem:v62+s31+$0x0], $0xffff  }
0x2b7: {  	s2 =	sand.u32 $0x7F, s18;
	v37 =	vld.idx.msk [tilespmem:v63+s31+$0x0], $0xffff  }
0x2b8: {  	v42 =	vor.u32 s2, v0  }
0x2b9: {  	v43 =	vor.u32 s2, v1;
	_ =	sdelay $0x1  }
0x2ba: {  	[tilespmem:v12+s28+$0x0] =	vst.idx.msk $0xffff, v36  }
0x2bb: {  	s3 =	simm.s32 $0x5200;
	[tilespmem:v13+s28+$0x0] =	vst.idx.msk $0xffff, v37  }
0x2bc: {  	s4 =	rddreg [dreg:$0x1a];
	v36 =	vld.idx.msk [tilespmem:v42+s3+$0x0], $0xffff  }
0x2bd: {  	s0 =	sand.u32 $0x7F, s4;
	v37 =	vld.idx.msk [tilespmem:v43+s3+$0x0], $0xffff  }
0x2be: {  	v44 =	vor.u32 s0, v0  }
0x2bf: {  	v45 =	vor.u32 s0, v1;
	_ =	sdelay $0x1  }
0x2c0: {  	[tilespmem:v14+s28+$0x0] =	vst.idx.msk $0xffff, v36  }
0x2c1: {  	s5 =	simm.s32 $0x6200;
	[tilespmem:v15+s28+$0x0] =	vst.idx.msk $0xffff, v37  }
0x2c2: {  	s6 =	rddreg [dreg:$0x18];
	v36 =	vld.idx.msk [tilespmem:v44+s5+$0x0], $0xffff  }
0x2c3: {  	s0 =	sand.u32 $0x7F, s6;
	v37 =	vld.idx.msk [tilespmem:v45+s5+$0x0], $0xffff  }
0x2c4: {  	v46 =	vor.u32 s0, v0  }
0x2c5: {  	v47 =	vor.u32 s0, v1;
	_ =	sdelay $0x1  }
0x2c6: {  	[tilespmem:v16+s28+$0x0] =	vst.idx.msk $0xffff, v36  }
0x2c7: {  	s7 =	simm.s32 $0x7200;
	[tilespmem:v17+s28+$0x0] =	vst.idx.msk $0xffff, v37  }
0x2c8: {  	v36 =	vld.idx.msk [tilespmem:v46+s7+$0x0], $0xffff  }
0x2c9: {  	v37 =	vld.idx.msk [tilespmem:v47+s7+$0x0], $0xffff;
	_ =	sdelay $0x3  }
0x2ca: {  	[tilespmem:v18+s28+$0x0] =	vst.idx.msk $0xffff, v36  }
0x2cb: {  	[tilespmem:v19+s28+$0x0] =	vst.idx.msk $0xffff, v37  }
0x2cc: {  	_ =	swait.ge [sflag:s29], $0x1000  }
0x2cd: {  	[sflag:s29] =	ssyncset.done $0x0  }
0x2ce: {  	[sflag:s29] =	ssyncadd.s32 $0xFFFFF000  }
0x2cf: {  	_ =	swait.ge [sflag:s29], $0x1000  }
0x2d0: {  	[sflag:s29] =	ssyncset.done $0x0  }
0x2d1: {  	[sflag:s29] =	ssyncadd.s32 $0xFFFFF000  }
0x2d2: {  	_ =	swait.ge [sflag:s29], $0x1000  }
0x2d3: {  	[sflag:s29] =	ssyncset.done $0x0  }
0x2d4: {  	[sflag:s29] =	ssyncadd.s32 $0xFFFFF000  }
0x2d5: {  	_ =	swait.ge [sflag:s29], $0x1000  }
0x2d6: {  	[sflag:s29] =	ssyncset.done $0x0  }
0x2d7: {  	[sflag:s29] =	ssyncadd.s32 $0xFFFFF000  }
0x2d8: {  	_ =	swait.ge [sflag:s29], $0x1000  }
0x2d9: {  	[sflag:s29] =	ssyncset.done $0x0  }
0x2da: {  	[sflag:s29] =	ssyncadd.s32 $0xFFFFF000  }
0x2db: {  	_ =	swait.ge [sflag:s29], $0x1000  }
0x2dc: {  	[sflag:s29] =	ssyncset.done $0x0  }
0x2dd: {  	[sflag:s29] =	ssyncadd.s32 $0xFFFFF000  }
0x2de: {  	_ =	swait.ge [sflag:s29], $0x1000  }
0x2df: {  	s8 =	rddreg [dreg:$0x17]  }
0x2e0: {  	s0 =	sand.u32 $0x7F, s8  }
0x2e1: {  	[sflag:s29] =	ssyncset.done $0x0;
	v48 =	vor.u32 s0, v0  }
0x2e2: {  	[sflag:s29] =	ssyncadd.s32 $0xFFFFF000;
	v49 =	vor.u32 s0, v1  }
0x2e3: {  	_ =	swait.ge [sflag:s29], $0x1000  }
0x2e4: {  	[sflag:s29] =	ssyncset.done $0x0  }
0x2e5: {  	s10 =	simm.s32 $0x8200;
	[sflag:s29] =	ssyncadd.s32 $0xFFFFF000  }
0x2e6: {  	s11 =	rddreg [dreg:$0x15];
	v36 =	vld.idx.msk [tilespmem:v48+s10+$0x0], $0xffff  }
0x2e7: {  	s0 =	sand.u32 $0x7F, s11;
	v37 =	vld.idx.msk [tilespmem:v49+s10+$0x0], $0xffff  }
0x2e8: {  	v50 =	vor.u32 s0, v0  }
0x2e9: {  	v51 =	vor.u32 s0, v1;
	_ =	sdelay $0x1  }
0x2ea: {  	[tilespmem:v20+s28+$0x0] =	vst.idx.msk $0xffff, v36  }
0x2eb: {  	s12 =	simm.s32 $0x9200;
	[tilespmem:v21+s28+$0x0] =	vst.idx.msk $0xffff, v37  }
0x2ec: {  	s13 =	rddreg [dreg:$0x14];
	v36 =	vld.idx.msk [tilespmem:v50+s12+$0x0], $0xffff  }
0x2ed: {  	s0 =	sand.u32 $0x7F, s13;
	v37 =	vld.idx.msk [tilespmem:v51+s12+$0x0], $0xffff  }
0x2ee: {  	v52 =	vor.u32 s0, v0  }
0x2ef: {  	v53 =	vor.u32 s0, v1;
	_ =	sdelay $0x1  }
0x2f0: {  	[tilespmem:v22+s28+$0x0] =	vst.idx.msk $0xffff, v36  }
0x2f1: {  	s14 =	simm.s32 $0xA200;
	[tilespmem:v23+s28+$0x0] =	vst.idx.msk $0xffff, v37  }
0x2f2: {  	s15 =	rddreg [dreg:$0x12];
	v36 =	vld.idx.msk [tilespmem:v52+s14+$0x0], $0xffff  }
0x2f3: {  	s0 =	sand.u32 $0x7F, s15;
	v37 =	vld.idx.msk [tilespmem:v53+s14+$0x0], $0xffff  }
0x2f4: {  	v54 =	vor.u32 s0, v0  }
0x2f5: {  	v55 =	vor.u32 s0, v1;
	_ =	sdelay $0x1  }
0x2f6: {  	[tilespmem:v24+s28+$0x0] =	vst.idx.msk $0xffff, v36  }
0x2f7: {  	s16 =	simm.s32 $0xB200;
	[tilespmem:v25+s28+$0x0] =	vst.idx.msk $0xffff, v37  }
0x2f8: {  	s17 =	rddreg [dreg:$0x16];
	v36 =	vld.idx.msk [tilespmem:v54+s16+$0x0], $0xffff  }
0x2f9: {  	s0 =	sand.u32 $0x7F, s17;
	v37 =	vld.idx.msk [tilespmem:v55+s16+$0x0], $0xffff  }
0x2fa: {  	v56 =	vor.u32 s0, v0  }
0x2fb: {  	v57 =	vor.u32 s0, v1;
	_ =	sdelay $0x1  }
0x2fc: {  	[tilespmem:v26+s28+$0x0] =	vst.idx.msk $0xffff, v36  }
0x2fd: {  	s18 =	simm.s32 $0xC200;
	[tilespmem:v27+s28+$0x0] =	vst.idx.msk $0xffff, v37  }
0x2fe: {  	s19 =	rddreg [dreg:$0x13];
	v36 =	vld.idx.msk [tilespmem:v56+s18+$0x0], $0xffff  }
0x2ff: {  	s0 =	sand.u32 $0x7F, s19;
	v37 =	vld.idx.msk [tilespmem:v57+s18+$0x0], $0xffff  }
0x300: {  	v58 =	vor.u32 s0, v0  }
0x301: {  	v59 =	vor.u32 s0, v1;
	_ =	sdelay $0x1  }
0x302: {  	[tilespmem:v28+s28+$0x0] =	vst.idx.msk $0xffff, v36  }
0x303: {  	s20 =	simm.s32 $0xD200;
	[tilespmem:v29+s28+$0x0] =	vst.idx.msk $0xffff, v37  }
0x304: {  	s21 =	rddreg [dreg:$0x11];
	v36 =	vld.idx.msk [tilespmem:v58+s20+$0x0], $0xffff  }
0x305: {  	s0 =	sand.u32 $0x7F, s21;
	v37 =	vld.idx.msk [tilespmem:v59+s20+$0x0], $0xffff  }
0x306: {  	v60 =	vor.u32 s0, v0  }
0x307: {  	v61 =	vor.u32 s0, v1;
	_ =	sdelay $0x1  }
0x308: {  	[tilespmem:v30+s28+$0x0] =	vst.idx.msk $0xffff, v36  }
0x309: {  	s22 =	simm.s32 $0xE200;
	[tilespmem:v31+s28+$0x0] =	vst.idx.msk $0xffff, v37  }
0x30a: {  	s23 =	rddreg [dreg:$0x10];
	v36 =	vld.idx.msk [tilespmem:v60+s22+$0x0], $0xffff  }
0x30b: {  	s0 =	sand.u32 $0x7F, s23;
	v37 =	vld.idx.msk [tilespmem:v61+s22+$0x0], $0xffff  }
0x30c: {  	v62 =	vor.u32 s0, v0  }
0x30d: {  	v63 =	vor.u32 s0, v1;
	_ =	sdelay $0x1  }
0x30e: {  	[tilespmem:v32+s28+$0x0] =	vst.idx.msk $0xffff, v36  }
0x30f: {  	[tilespmem:v33+s28+$0x0] =	vst.idx.msk $0xffff, v37  }
0x310: {  	v36 =	vld.idx.msk [tilespmem:v62+s1+$0x0], $0xffff  }
0x311: {  	v37 =	vld.idx.msk [tilespmem:v63+s1+$0x0], $0xffff;
	_ =	sdelay $0x3  }
0x312: {  	[tilespmem:v34+s28+$0x0] =	vst.idx.msk $0xffff, v36  }
0x313: {  	s2 =	simm.s32 $0x20000;
	s25 =	simm.s32 $0x1000;
	s24 =	rddreg [dreg:$0xd];
	[tilespmem:v35+s28+$0x0] =	vst.idx.msk $0xffff, v37  }
0x314: {  	[hbm4b:s24+s25] =	stream.strided.scatter [tilespmem:s28], [sflag:$0x3], $0x4000, s2, s25, $0x38;
	[tilespmem:$0x14200] =	vst v63  }
0x315: {  	s2 =	simm.s32 $0x3  }
0x316: {  	_ =	swait.ge [sflag:s2], $0x4000  }
0x317: {  	s30 =	rddreg [dreg:$0xf]  }
0x318: {  	s31 =	rddreg [dreg:$0xe];
	s1 =	sadd.s32 $0x1, s30  }
0x319: {  	p0 =	sne.s32 s1, s31  }
.Ltmp1:
0x31a: {  	_ = 	snop;
	(pc) =	sbr.rel @p0 .LBB2_1-.Ltmp1, $3  }
0x31b: {  	_ =	sdelay $0x1  }
0x31c: {  	[sflag:s2] =	ssyncset.done $0x0  }
0x31d: {  	[sflag:s2] =	ssyncadd.s32 $0xFFFFC000  }
0x31e: {  	_ =	sfence.sel $0x180000  }
0x31f: {  	[bflag:$0x0] =	sbarrier.arrive $0xFFFF  }
0x320: {  	_ =	strace $0x90000047  }
0x321: {  	s0 =	stileid.u32;
	[bflag:$0x2] =	sbarrier.arrive $0xFFFF  }
0x322: {  	p0 =	sne.s32 s0, $0x0;
	s0 =	rddreg [dreg:$0x3]  }
0x323: {  	s0 =	sadd.s32 @!p0 $0x100000, s0  }
0x324: {  	[sflag:s0] =	ssyncadd.tile.s32 @!p0 $0x1;
	_ =	shalt  }
.Lfunc_end2:
_tile_overlayer_lowered:
.L_overlay_start_2:
0x325: {  	(tag) =	ssettag $0x2  }
0x326: {  	s0 =	rddreg [dreg:$0x0];
	s2 =	stileid.u32  }
0x327: {  	s1 =	rddreg [dreg:$0x1];
	p0 =	sne.s32 s2, $0x0  }
0x328: {  	s3 =	rddreg [dreg:$0x2];
	[bflag:$0x3] =	sbarrier.arrive $0xFFFF;
	s2 =	simm.s32 @!p0 $0x1C03  }
0x329: {  	[timem:s3], [sflag:s2] =	dma.local @!p0 [hbm:s0], s1  }
0x32a: {  	s0 =	simm.s32 @!p0 $0x3  }
0x32b: {  	_ =	swait.ge @!p0 [sflag:s0], s1  }
0x32c: {  	s1 =	ssub.s32 @!p0 $0x0, s1;
	[sflag:s0] =	ssyncset.done @!p0 $0x0  }
0x32d: {  	[sflag:s0] =	ssyncadd.s32 @!p0 s1  }
0x32e: {  	[bflag:$0x3] =	sbarrier.arrive $0xFFFF  }
0x32f: {  	_ =	shalt  }

</sc_bundles>
